<compile_context>
chip_gen: v7x
topology: tpu7x:2x2x1
jax: 0.10.2.dev20260603
libtpu: 0.0.44.dev20260713+nightly
codegen_flags: <defaults>
</compile_context>

<pallas_src>
import functools

import jax
import jax.numpy as jnp
from jax import lax
from jax.experimental import pallas as pl
from jax.experimental.pallas import tpu as pltpu
from jax.experimental.pallas import tpu_sc as plsc

_TM = 3072
_KCHUNKS = 2


def _vq_tc_body(x_ref, w_ref, b_ref, book_ref, z_ref, idx_ref, loss_ref, aug_ref):
    i = pl.program_id(0)

    @pl.when(i == 0)
    def _():
        book = book_ref[...]
        aug_ref[...] = 0.5 * jnp.sum(book * book, axis=1, keepdims=True)
        loss_ref[...] = jnp.zeros_like(loss_ref)

    z = lax.dot_general(
        x_ref[...], w_ref[...],
        dimension_numbers=(((1,), (1,)), ((), ())),
        preferred_element_type=jnp.float32,
    ) + b_ref[...]
    kc = book_ref.shape[0] // _KCHUNKS
    ms, ids = [], []
    for j in range(_KCHUNKS):
        sj = lax.dot_general(
            book_ref[pl.ds(j * kc, kc), :], z,
            dimension_numbers=(((1,), (1,)), ((), ())),
            preferred_element_type=jnp.float32,
        ) - aug_ref[pl.ds(j * kc, kc), :]
        ms.append(jnp.max(sj, axis=0, keepdims=True))
        ids.append(
            jnp.argmax(sj, axis=0).astype(jnp.int32).reshape(1, -1) + j * kc
        )
    smaxT, idxT = ms[0], ids[0]
    for j in range(1, _KCHUNKS):
        better = smaxT >= ms[j]
        idxT = jnp.where(better, idxT, ids[j])
        smaxT = jnp.where(better, smaxT, ms[j])
    z_ref[...] = z
    idx_ref[...] = idxT
    part = jnp.sum(z * z, axis=(0, 1), keepdims=True) - 2.0 * jnp.sum(
        smaxT, axis=(0, 1), keepdims=True
    )
    loss_ref[...] += part


def _vq_tc(xf, w, b2, book):
    m, d = xf.shape
    k, c = book.shape
    return pl.pallas_call(
        _vq_tc_body,
        grid=(m // _TM,),
        in_specs=[
            pl.BlockSpec((_TM, d), lambda i: (i, 0)),
            pl.BlockSpec((c, d), lambda i: (0, 0)),
            pl.BlockSpec((1, c), lambda i: (0, 0)),
            pl.BlockSpec((k, c), lambda i: (0, 0)),
        ],
        out_specs=[
            pl.BlockSpec((_TM, c), lambda i: (i, 0)),
            pl.BlockSpec((1, _TM), lambda i: (0, i)),
            pl.BlockSpec((1, 1), lambda i: (0, 0)),
        ],
        out_shape=[
            jax.ShapeDtypeStruct((m, c), jnp.float32),
            jax.ShapeDtypeStruct((1, m), jnp.int32),
            jax.ShapeDtypeStruct((1, 1), jnp.float32),
        ],
        scratch_shapes=[pltpu.VMEM((k, 1), jnp.float32)],
    )(xf, w, b2, book)


def _sc_gather(book, idx_flat):
    info = plsc.get_sparse_core_info()
    nc, ns = info.num_cores, info.num_subcores
    nw = nc * ns
    m = idx_flat.shape[0]
    kk, c = book.shape
    bpw = m // nw
    mesh = plsc.VectorSubcoreMesh(core_axis_name="c", subcore_axis_name="s")

    lanes = info.num_lanes
    ngrp = bpw // lanes

    @functools.partial(
        pl.kernel,
        out_type=jax.ShapeDtypeStruct((m * c,), jnp.float32),
        mesh=mesh,
        compiler_params=pltpu.CompilerParams(needs_layout_passes=False),
        scratch_types=[
            pltpu.VMEM((kk * c,), jnp.float32),
            pltpu.VMEM((bpw,), jnp.int32),
            pltpu.VMEM((bpw * c,), jnp.float32),
        ],
    )
    def gk(table_hbm, idx_hbm, out_hbm, table_v, idx_v, rows_v):
        wid = lax.axis_index("s") * nc + lax.axis_index("c")
        base = wid * bpw
        pltpu.sync_copy(table_hbm, table_v)
        pltpu.sync_copy(idx_hbm.at[pl.ds(base, bpw)], idx_v)
        lane = lax.iota(jnp.int32, lanes)

        @plsc.parallel_loop(0, ngrp, unroll=2)
        def _loop(g):
            v16 = idx_v[pl.ds(g * lanes, lanes)]
            for j in range(lanes):
                spl = lax.gather(
                    v16,
                    jnp.full((lanes, 1), j, jnp.int32),
                    lax.GatherDimensionNumbers(
                        offset_dims=(),
                        collapsed_slice_dims=(0,),
                        start_index_map=(0,),
                    ),
                    slice_sizes=(1,),
                    mode=lax.GatherScatterMode.PROMISE_IN_BOUNDS,
                )
                flat = spl * c
                r = g * lanes + j
                for h in range(c // lanes):
                    vals = plsc.load_gather(table_v, [flat + (lane + h * lanes)])
                    rows_v[pl.ds(r * c + h * lanes, lanes)] = vals

        pltpu.sync_copy(rows_v, out_hbm.at[pl.ds(base * c, bpw * c)])

    return gk(book.reshape(kk * c), idx_flat)


def kernel(x, codebook, W_down, b_down):
    b, t, dm = x.shape
    book = codebook[0]
    k, c = book.shape
    xf = x.reshape(b * t, dm)
    z_f, idx_f, loss_sum = _vq_tc(xf, W_down, b_down.reshape(1, -1), book)
    hard_flat = _sc_gather(book, idx_f.reshape(b * t))
    z = z_f.reshape(b, t, c)
    code_indices = idx_f.reshape(b, t)
    hard_codes_st = hard_flat.reshape(b, t, c)
    loss = loss_sum[0, 0] / (b * t * c)
    return (z, code_indices, hard_codes_st, loss, loss)

# --- scband reference (transcript-rebuilt; emitter-appended) ---
"""Pipeline reference for scband-quantizer-44650480009908 (READ-ONLY COPY).

The authoritative reference and input builder live on the scoring server;
editing this copy changes nothing except your own understanding.
"""

import jax, jax.numpy as jnp
import numpy as np


def setup_inputs(seed: int = 0) -> dict:
    key = jax.random.key(seed)
    k1, k2, k3, k4 = jax.random.split(key, 4)
    x = jax.random.normal(k1, (32, 576, 768), dtype=jnp.float32)
    # learned params per init_kwargs: num_levels=1, num_codes=1024, code_depth=64, d_model=768
    codebook = jax.random.normal(k2, (1, 1024, 64), dtype=jnp.float32)
    W_down = jax.random.normal(k3, (64, 768), dtype=jnp.float32) * 0.02
    b_down = jnp.zeros((64,), dtype=jnp.float32)
    return {"x": x, "codebook": codebook, "W_down": W_down, "b_down": b_down}


def reference(x, codebook, W_down, b_down):
    level = 0
    # downsampler: Linear(d_model -> code_depth)
    z = jnp.einsum('btd,cd->btc', x, W_down) + b_down  # soft_codes
    book = codebook[level]  # [K, code_depth]
    # torch.cdist (euclidean)
    z2 = jnp.sum(z * z, axis=-1, keepdims=True)          # [B, T, 1]
    c2 = jnp.sum(book * book, axis=-1)                    # [K]
    d2 = z2 + c2[None, None, :] - 2.0 * jnp.einsum('btc,kc->btk', z, book)
    dist = jnp.sqrt(jnp.maximum(d2, 0.0))
    code_indices = jnp.argmin(dist, axis=-1)              # [B, T]
    hard_codes = jnp.take(book, code_indices, axis=0)     # F.embedding
    # module default is training mode
    commitment_loss = jnp.mean((jax.lax.stop_gradient(hard_codes) - z) ** 2)
    embedding_loss = jnp.mean((hard_codes - jax.lax.stop_gradient(z)) ** 2)
    hard_codes_st = z + jax.lax.stop_gradient(hard_codes - z)
    return (z, code_indices, hard_codes_st, commitment_loss, embedding_loss)

if __name__ == "__main__":
    import jax
    _d = setup_inputs()
    print(jax.jit(kernel)(*tuple(_d.values())))

</pallas_src>

<mosaic_0001>
#map = affine_map<(d0, d1) -> (0)>
module attributes {stable_mosaic.version = 14 : i64} {
  func.func @gk(%arg0: i32, %arg1: i32, %arg2: memref<65536xf32, #tpu.memory_space<hbm>>, %arg3: memref<18432xi32, #tpu.memory_space<hbm>>, %arg4: memref<1179648xf32, #tpu.memory_space<hbm>>, %arg5: memref<65536xf32, #tpu.memory_space<vmem>>, %arg6: memref<576xi32, #tpu.memory_space<vmem>>, %arg7: memref<36864xf32, #tpu.memory_space<vmem>>) attributes {dimension_semantics = [#tpu.dimension_semantics<core_parallel>, #tpu.dimension_semantics<subcore_parallel>], iteration_bounds = array<i64: 2, 16>, scalar_prefetch = 0 : i64, scratch_operands = 3 : i64, tpu.core_type = #tpu.core_type<sc_vector_subcore>, window_params = [{transform_indices = #map}, {transform_indices = #map}, {transform_indices = #map}]} {
    %mul3A = arith.constant 2 : i32
    %mul3A_0 = arith.muli %arg1, %mul3A : i32
    %add3A = arith.addi %mul3A_0, %arg0 : i32
    %mul3A_1 = arith.constant 576 : i32
    %mul3A_2 = arith.muli %add3A, %mul3A_1 : i32
    "tpu.region"() ({
      %run_scoped3A = tpu.sem_alloc : memref<!tpu.dma_semaphore, #tpu.memory_space<semaphore_mem>>
      tpu.enqueue_dma source(%arg2 : memref<65536xf32, #tpu.memory_space<hbm>>) target(%arg5 : memref<65536xf32, #tpu.memory_space<vmem>>) target_semaphore(%run_scoped3A : memref<!tpu.dma_semaphore, #tpu.memory_space<semaphore_mem>>)
      tpu.wait_dma2 semaphore(%run_scoped3A : memref<!tpu.dma_semaphore, #tpu.memory_space<semaphore_mem>>) src(%arg2 : memref<65536xf32, #tpu.memory_space<hbm>>) dst(%arg5 : memref<65536xf32, #tpu.memory_space<vmem>>)
      tpu.yield
    }) : () -> ()
    "tpu.region"() ({
      %run_scoped3A = tpu.sem_alloc : memref<!tpu.dma_semaphore, #tpu.memory_space<semaphore_mem>>
      %dma_start3A = tpu.memref_slice %arg3[%mul3A_2] : memref<18432xi32, #tpu.memory_space<hbm>> -> memref<576xi32, #tpu.memory_space<hbm>>
      %dma_start3A_7 = tpu.memref_slice %arg3[%mul3A_2] : memref<18432xi32, #tpu.memory_space<hbm>> -> memref<576xi32, #tpu.memory_space<hbm>>
      tpu.enqueue_dma source(%dma_start3A_7 : memref<576xi32, #tpu.memory_space<hbm>>) target(%arg6 : memref<576xi32, #tpu.memory_space<vmem>>) target_semaphore(%run_scoped3A : memref<!tpu.dma_semaphore, #tpu.memory_space<semaphore_mem>>)
      %dma_wait3A = tpu.memref_slice %arg3[%mul3A_2] : memref<18432xi32, #tpu.memory_space<hbm>> -> memref<576xi32, #tpu.memory_space<hbm>>
      %dma_wait3A_8 = tpu.memref_slice %arg3[%mul3A_2] : memref<18432xi32, #tpu.memory_space<hbm>> -> memref<576xi32, #tpu.memory_space<hbm>>
      tpu.wait_dma2 semaphore(%run_scoped3A : memref<!tpu.dma_semaphore, #tpu.memory_space<semaphore_mem>>) src(%dma_wait3A_8 : memref<576xi32, #tpu.memory_space<hbm>>) dst(%arg6 : memref<576xi32, #tpu.memory_space<vmem>>)
      tpu.yield
    }) : () -> ()
    %iota3A = tpu.iota {dimensions = array<i32: 0>} : vector<16xi32>
    %parallel_loop3A = arith.constant 0 : i32
    %parallel_loop3A_3 = arith.constant 36 : i32
    %parallel_loop3A_4 = arith.constant 1 : i32
    scf.for %parallel_loop3A_7 = %parallel_loop3A to %parallel_loop3A_3 step %parallel_loop3A_4  : i32 {
      %parallel_loop3A_8 = arith.constant 16 : i32
      %parallel_loop3A_9 = arith.muli %parallel_loop3A_7, %parallel_loop3A_8 : i32
      %parallel_loop3A_10 = arith.index_cast %parallel_loop3A_9 : i32 to index
      %parallel_loop3A_11 = tpu.vector_load %arg6[%parallel_loop3A_10] {strides = array<i32>} : memref<576xi32, #tpu.memory_space<vmem>>, vector<16xi32>,
      %parallel_loop3A_12 = arith.constant 0 : i32
      %parallel_loop3A_13 = vector.broadcast %parallel_loop3A_12 : i32 to vector<16x1xi32>
      %parallel_loop3A_14 = vector.shape_cast %parallel_loop3A_13 : vector<16x1xi32> to vector<16xi32>
      %parallel_loop3A_15 = tpu.dynamic_gather %parallel_loop3A_11[%parallel_loop3A_14] in [0] : vector<16xi32>, vector<16xi32> -> vector<16xi32>
      %parallel_loop3A_16 = arith.constant 64 : i32
      %parallel_loop3A_17 = vector.broadcast %parallel_loop3A_16 : i32 to vector<16xi32>
      %parallel_loop3A_18 = arith.muli %parallel_loop3A_15, %parallel_loop3A_17 : vector<16xi32>
      %parallel_loop3A_19 = arith.constant 16 : i32
      %parallel_loop3A_20 = arith.muli %parallel_loop3A_7, %parallel_loop3A_19 : i32
      %parallel_loop3A_21 = arith.constant 0 : i32
      %parallel_loop3A_22 = arith.addi %parallel_loop3A_20, %parallel_loop3A_21 : i32
      %parallel_loop3A_23 = arith.constant 0 : i32
      %parallel_loop3A_24 = vector.broadcast %parallel_loop3A_23 : i32 to vector<16xi32>
      %parallel_loop3A_25 = arith.addi %iota3A, %parallel_loop3A_24 : vector<16xi32>
      %parallel_loop3A_26 = arith.addi %parallel_loop3A_18, %parallel_loop3A_25 : vector<16xi32>
      %parallel_loop3A_27 = tpu.vector_load_idx %arg5[%parallel_loop3A_26] : memref<65536xf32, #tpu.memory_space<vmem>>[vector<16xi32>], vector<16xf32>,
      %parallel_loop3A_28 = arith.constant 64 : i32
      %parallel_loop3A_29 = arith.muli %parallel_loop3A_22, %parallel_loop3A_28 : i32
      %parallel_loop3A_30 = arith.constant 0 : i32
      %parallel_loop3A_31 = arith.addi %parallel_loop3A_29, %parallel_loop3A_30 : i32
      %parallel_loop3A_32 = arith.index_cast %parallel_loop3A_31 : i32 to index
      %parallel_loop3A_33 = tpu.vector_load %arg7[%parallel_loop3A_32] {strides = array<i32>} : memref<36864xf32, #tpu.memory_space<vmem>>, vector<16xf32>,
      tpu.vector_store %arg7[%parallel_loop3A_32], %parallel_loop3A_27 {strides = array<i32>} : memref<36864xf32, #tpu.memory_space<vmem>>, vector<16xf32>,
      %parallel_loop3A_34 = arith.constant 16 : i32
      %parallel_loop3A_35 = vector.broadcast %parallel_loop3A_34 : i32 to vector<16xi32>
      %parallel_loop3A_36 = arith.addi %iota3A, %parallel_loop3A_35 : vector<16xi32>
      %parallel_loop3A_37 = arith.addi %parallel_loop3A_18, %parallel_loop3A_36 : vector<16xi32>
      %parallel_loop3A_38 = tpu.vector_load_idx %arg5[%parallel_loop3A_37] : memref<65536xf32, #tpu.memory_space<vmem>>[vector<16xi32>], vector<16xf32>,
      %parallel_loop3A_39 = arith.constant 64 : i32
      %parallel_loop3A_40 = arith.muli %parallel_loop3A_22, %parallel_loop3A_39 : i32
      %parallel_loop3A_41 = arith.constant 16 : i32
      %parallel_loop3A_42 = arith.addi %parallel_loop3A_40, %parallel_loop3A_41 : i32
      %parallel_loop3A_43 = arith.index_cast %parallel_loop3A_42 : i32 to index
      %parallel_loop3A_44 = tpu.vector_load %arg7[%parallel_loop3A_43] {strides = array<i32>} : memref<36864xf32, #tpu.memory_space<vmem>>, vector<16xf32>,
      tpu.vector_store %arg7[%parallel_loop3A_43], %parallel_loop3A_38 {strides = array<i32>} : memref<36864xf32, #tpu.memory_space<vmem>>, vector<16xf32>,
      %parallel_loop3A_45 = arith.constant 32 : i32
      %parallel_loop3A_46 = vector.broadcast %parallel_loop3A_45 : i32 to vector<16xi32>
      %parallel_loop3A_47 = arith.addi %iota3A, %parallel_loop3A_46 : vector<16xi32>
      %parallel_loop3A_48 = arith.addi %parallel_loop3A_18, %parallel_loop3A_47 : vector<16xi32>
      %parallel_loop3A_49 = tpu.vector_load_idx %arg5[%parallel_loop3A_48] : memref<65536xf32, #tpu.memory_space<vmem>>[vector<16xi32>], vector<16xf32>,
      %parallel_loop3A_50 = arith.constant 64 : i32
      %parallel_loop3A_51 = arith.muli %parallel_loop3A_22, %parallel_loop3A_50 : i32
      %parallel_loop3A_52 = arith.constant 32 : i32
      %parallel_loop3A_53 = arith.addi %parallel_loop3A_51, %parallel_loop3A_52 : i32
      %parallel_loop3A_54 = arith.index_cast %parallel_loop3A_53 : i32 to index
      %parallel_loop3A_55 = tpu.vector_load %arg7[%parallel_loop3A_54] {strides = array<i32>} : memref<36864xf32, #tpu.memory_space<vmem>>, vector<16xf32>,
      tpu.vector_store %arg7[%parallel_loop3A_54], %parallel_loop3A_49 {strides = array<i32>} : memref<36864xf32, #tpu.memory_space<vmem>>, vector<16xf32>,
      %parallel_loop3A_56 = arith.constant 48 : i32
      %parallel_loop3A_57 = vector.broadcast %parallel_loop3A_56 : i32 to vector<16xi32>
      %parallel_loop3A_58 = arith.addi %iota3A, %parallel_loop3A_57 : vector<16xi32>
      %parallel_loop3A_59 = arith.addi %parallel_loop3A_18, %parallel_loop3A_58 : vector<16xi32>
      %parallel_loop3A_60 = tpu.vector_load_idx %arg5[%parallel_loop3A_59] : memref<65536xf32, #tpu.memory_space<vmem>>[vector<16xi32>], vector<16xf32>,
      %parallel_loop3A_61 = arith.constant 64 : i32
      %parallel_loop3A_62 = arith.muli %parallel_loop3A_22, %parallel_loop3A_61 : i32
      %parallel_loop3A_63 = arith.constant 48 : i32
      %parallel_loop3A_64 = arith.addi %parallel_loop3A_62, %parallel_loop3A_63 : i32
      %parallel_loop3A_65 = arith.index_cast %parallel_loop3A_64 : i32 to index
      %parallel_loop3A_66 = tpu.vector_load %arg7[%parallel_loop3A_65] {strides = array<i32>} : memref<36864xf32, #tpu.memory_space<vmem>>, vector<16xf32>,
      tpu.vector_store %arg7[%parallel_loop3A_65], %parallel_loop3A_60 {strides = array<i32>} : memref<36864xf32, #tpu.memory_space<vmem>>, vector<16xf32>,
      %parallel_loop3A_67 = arith.constant 1 : i32
      %parallel_loop3A_68 = vector.broadcast %parallel_loop3A_67 : i32 to vector<16x1xi32>
      %parallel_loop3A_69 = vector.shape_cast %parallel_loop3A_68 : vector<16x1xi32> to vector<16xi32>
      %parallel_loop3A_70 = tpu.dynamic_gather %parallel_loop3A_11[%parallel_loop3A_69] in [0] : vector<16xi32>, vector<16xi32> -> vector<16xi32>
      %parallel_loop3A_71 = arith.constant 64 : i32
      %parallel_loop3A_72 = vector.broadcast %parallel_loop3A_71 : i32 to vector<16xi32>
      %parallel_loop3A_73 = arith.muli %parallel_loop3A_70, %parallel_loop3A_72 : vector<16xi32>
      %parallel_loop3A_74 = arith.constant 16 : i32
      %parallel_loop3A_75 = arith.muli %parallel_loop3A_7, %parallel_loop3A_74 : i32
      %parallel_loop3A_76 = arith.constant 1 : i32
      %parallel_loop3A_77 = arith.addi %parallel_loop3A_75, %parallel_loop3A_76 : i32
      %parallel_loop3A_78 = arith.constant 0 : i32
      %parallel_loop3A_79 = vector.broadcast %parallel_loop3A_78 : i32 to vector<16xi32>
      %parallel_loop3A_80 = arith.addi %iota3A, %parallel_loop3A_79 : vector<16xi32>
      %parallel_loop3A_81 = arith.addi %parallel_loop3A_73, %parallel_loop3A_80 : vector<16xi32>
      %parallel_loop3A_82 = tpu.vector_load_idx %arg5[%parallel_loop3A_81] : memref<65536xf32, #tpu.memory_space<vmem>>[vector<16xi32>], vector<16xf32>,
      %parallel_loop3A_83 = arith.constant 64 : i32
      %parallel_loop3A_84 = arith.muli %parallel_loop3A_77, %parallel_loop3A_83 : i32
      %parallel_loop3A_85 = arith.constant 0 : i32
      %parallel_loop3A_86 = arith.addi %parallel_loop3A_84, %parallel_loop3A_85 : i32
      %parallel_loop3A_87 = arith.index_cast %parallel_loop3A_86 : i32 to index
      %parallel_loop3A_88 = tpu.vector_load %arg7[%parallel_loop3A_87] {strides = array<i32>} : memref<36864xf32, #tpu.memory_space<vmem>>, vector<16xf32>,
      tpu.vector_store %arg7[%parallel_loop3A_87], %parallel_loop3A_82 {strides = array<i32>} : memref<36864xf32, #tpu.memory_space<vmem>>, vector<16xf32>,
      %parallel_loop3A_89 = arith.constant 16 : i32
      %parallel_loop3A_90 = vector.broadcast %parallel_loop3A_89 : i32 to vector<16xi32>
      %parallel_loop3A_91 = arith.addi %iota3A, %parallel_loop3A_90 : vector<16xi32>
      %parallel_loop3A_92 = arith.addi %parallel_loop3A_73, %parallel_loop3A_91 : vector<16xi32>
      %parallel_loop3A_93 = tpu.vector_load_idx %arg5[%parallel_loop3A_92] : memref<65536xf32, #tpu.memory_space<vmem>>[vector<16xi32>], vector<16xf32>,
      %parallel_loop3A_94 = arith.constant 64 : i32
      %parallel_loop3A_95 = arith.muli %parallel_loop3A_77, %parallel_loop3A_94 : i32
      %parallel_loop3A_96 = arith.constant 16 : i32
      %parallel_loop3A_97 = arith.addi %parallel_loop3A_95, %parallel_loop3A_96 : i32
      %parallel_loop3A_98 = arith.index_cast %parallel_loop3A_97 : i32 to index
      %parallel_loop3A_99 = tpu.vector_load %arg7[%parallel_loop3A_98] {strides = array<i32>} : memref<36864xf32, #tpu.memory_space<vmem>>, vector<16xf32>,
      tpu.vector_store %arg7[%parallel_loop3A_98], %parallel_loop3A_93 {strides = array<i32>} : memref<36864xf32, #tpu.memory_space<vmem>>, vector<16xf32>,
      %parallel_loop3A_100 = arith.constant 32 : i32
      %parallel_loop3A_101 = vector.broadcast %parallel_loop3A_100 : i32 to vector<16xi32>
      %parallel_loop3A_102 = arith.addi %iota3A, %parallel_loop3A_101 : vector<16xi32>
      %parallel_loop3A_103 = arith.addi %parallel_loop3A_73, %parallel_loop3A_102 : vector<16xi32>
      %parallel_loop3A_104 = tpu.vector_load_idx %arg5[%parallel_loop3A_103] : memref<65536xf32, #tpu.memory_space<vmem>>[vector<16xi32>], vector<16xf32>,
      %parallel_loop3A_105 = arith.constant 64 : i32
      %parallel_loop3A_106 = arith.muli %parallel_loop3A_77, %parallel_loop3A_105 : i32
      %parallel_loop3A_107 = arith.constant 32 : i32
      %parallel_loop3A_108 = arith.addi %parallel_loop3A_106, %parallel_loop3A_107 : i32
      %parallel_loop3A_109 = arith.index_cast %parallel_loop3A_108 : i32 to index
      %parallel_loop3A_110 = tpu.vector_load %arg7[%parallel_loop3A_109] {strides = array<i32>} : memref<36864xf32, #tpu.memory_space<vmem>>, vector<16xf32>,
      tpu.vector_store %arg7[%parallel_loop3A_109], %parallel_loop3A_104 {strides = array<i32>} : memref<36864xf32, #tpu.memory_space<vmem>>, vector<16xf32>,
      %parallel_loop3A_111 = arith.constant 48 : i32
      %parallel_loop3A_112 = vector.broadcast %parallel_loop3A_111 : i32 to vector<16xi32>
      %parallel_loop3A_113 = arith.addi %iota3A, %parallel_loop3A_112 : vector<16xi32>
      %parallel_loop3A_114 = arith.addi %parallel_loop3A_73, %parallel_loop3A_113 : vector<16xi32>
      %parallel_loop3A_115 = tpu.vector_load_idx %arg5[%parallel_loop3A_114] : memref<65536xf32, #tpu.memory_space<vmem>>[vector<16xi32>], vector<16xf32>,
      %parallel_loop3A_116 = arith.constant 64 : i32
      %parallel_loop3A_117 = arith.muli %parallel_loop3A_77, %parallel_loop3A_116 : i32
      %parallel_loop3A_118 = arith.constant 48 : i32
      %parallel_loop3A_119 = arith.addi %parallel_loop3A_117, %parallel_loop3A_118 : i32
      %parallel_loop3A_120 = arith.index_cast %parallel_loop3A_119 : i32 to index
      %parallel_loop3A_121 = tpu.vector_load %arg7[%parallel_loop3A_120] {strides = array<i32>} : memref<36864xf32, #tpu.memory_space<vmem>>, vector<16xf32>,
      tpu.vector_store %arg7[%parallel_loop3A_120], %parallel_loop3A_115 {strides = array<i32>} : memref<36864xf32, #tpu.memory_space<vmem>>, vector<16xf32>,
      %parallel_loop3A_122 = arith.constant 2 : i32
      %parallel_loop3A_123 = vector.broadcast %parallel_loop3A_122 : i32 to vector<16x1xi32>
      %parallel_loop3A_124 = vector.shape_cast %parallel_loop3A_123 : vector<16x1xi32> to vector<16xi32>
      %parallel_loop3A_125 = tpu.dynamic_gather %parallel_loop3A_11[%parallel_loop3A_124] in [0] : vector<16xi32>, vector<16xi32> -> vector<16xi32>
      %parallel_loop3A_126 = arith.constant 64 : i32
      %parallel_loop3A_127 = vector.broadcast %parallel_loop3A_126 : i32 to vector<16xi32>
      %parallel_loop3A_128 = arith.muli %parallel_loop3A_125, %parallel_loop3A_127 : vector<16xi32>
      %parallel_loop3A_129 = arith.constant 16 : i32
      %parallel_loop3A_130 = arith.muli %parallel_loop3A_7, %parallel_loop3A_129 : i32
      %parallel_loop3A_131 = arith.constant 2 : i32
      %parallel_loop3A_132 = arith.addi %parallel_loop3A_130, %parallel_loop3A_131 : i32
      %parallel_loop3A_133 = arith.constant 0 : i32
      %parallel_loop3A_134 = vector.broadcast %parallel_loop3A_133 : i32 to vector<16xi32>
      %parallel_loop3A_135 = arith.addi %iota3A, %parallel_loop3A_134 : vector<16xi32>
      %parallel_loop3A_136 = arith.addi %parallel_loop3A_128, %parallel_loop3A_135 : vector<16xi32>
      %parallel_loop3A_137 = tpu.vector_load_idx %arg5[%parallel_loop3A_136] : memref<65536xf32, #tpu.memory_space<vmem>>[vector<16xi32>], vector<16xf32>,
      %parallel_loop3A_138 = arith.constant 64 : i32
      %parallel_loop3A_139 = arith.muli %parallel_loop3A_132, %parallel_loop3A_138 : i32
      %parallel_loop3A_140 = arith.constant 0 : i32
      %parallel_loop3A_141 = arith.addi %parallel_loop3A_139, %parallel_loop3A_140 : i32
      %parallel_loop3A_142 = arith.index_cast %parallel_loop3A_141 : i32 to index
      %parallel_loop3A_143 = tpu.vector_load %arg7[%parallel_loop3A_142] {strides = array<i32>} : memref<36864xf32, #tpu.memory_space<vmem>>, vector<16xf32>,
      tpu.vector_store %arg7[%parallel_loop3A_142], %parallel_loop3A_137 {strides = array<i32>} : memref<36864xf32, #tpu.memory_space<vmem>>, vector<16xf32>,
      %parallel_loop3A_144 = arith.constant 16 : i32
      %parallel_loop3A_145 = vector.broadcast %parallel_loop3A_144 : i32 to vector<16xi32>
      %parallel_loop3A_146 = arith.addi %iota3A, %parallel_loop3A_145 : vector<16xi32>
      %parallel_loop3A_147 = arith.addi %parallel_loop3A_128, %parallel_loop3A_146 : vector<16xi32>
      %parallel_loop3A_148 = tpu.vector_load_idx %arg5[%parallel_loop3A_147] : memref<65536xf32, #tpu.memory_space<vmem>>[vector<16xi32>], vector<16xf32>,
      %parallel_loop3A_149 = arith.constant 64 : i32
      %parallel_loop3A_150 = arith.muli %parallel_loop3A_132, %parallel_loop3A_149 : i32
      %parallel_loop3A_151 = arith.constant 16 : i32
      %parallel_loop3A_152 = arith.addi %parallel_loop3A_150, %parallel_loop3A_151 : i32
      %parallel_loop3A_153 = arith.index_cast %parallel_loop3A_152 : i32 to index
      %parallel_loop3A_154 = tpu.vector_load %arg7[%parallel_loop3A_153] {strides = array<i32>} : memref<36864xf32, #tpu.memory_space<vmem>>, vector<16xf32>,
      tpu.vector_store %arg7[%parallel_loop3A_153], %parallel_loop3A_148 {strides = array<i32>} : memref<36864xf32, #tpu.memory_space<vmem>>, vector<16xf32>,
      %parallel_loop3A_155 = arith.constant 32 : i32
      %parallel_loop3A_156 = vector.broadcast %parallel_loop3A_155 : i32 to vector<16xi32>
      %parallel_loop3A_157 = arith.addi %iota3A, %parallel_loop3A_156 : vector<16xi32>
      %parallel_loop3A_158 = arith.addi %parallel_loop3A_128, %parallel_loop3A_157 : vector<16xi32>
      %parallel_loop3A_159 = tpu.vector_load_idx %arg5[%parallel_loop3A_158] : memref<65536xf32, #tpu.memory_space<vmem>>[vector<16xi32>], vector<16xf32>,
      %parallel_loop3A_160 = arith.constant 64 : i32
      %parallel_loop3A_161 = arith.muli %parallel_loop3A_132, %parallel_loop3A_160 : i32
      %parallel_loop3A_162 = arith.constant 32 : i32
      %parallel_loop3A_163 = arith.addi %parallel_loop3A_161, %parallel_loop3A_162 : i32
      %parallel_loop3A_164 = arith.index_cast %parallel_loop3A_163 : i32 to index
      %parallel_loop3A_165 = tpu.vector_load %arg7[%parallel_loop3A_164] {strides = array<i32>} : memref<36864xf32, #tpu.memory_space<vmem>>, vector<16xf32>,
      tpu.vector_store %arg7[%parallel_loop3A_164], %parallel_loop3A_159 {strides = array<i32>} : memref<36864xf32, #tpu.memory_space<vmem>>, vector<16xf32>,
      %parallel_loop3A_166 = arith.constant 48 : i32
      %parallel_loop3A_167 = vector.broadcast %parallel_loop3A_166 : i32 to vector<16xi32>
      %parallel_loop3A_168 = arith.addi %iota3A, %parallel_loop3A_167 : vector<16xi32>
      %parallel_loop3A_169 = arith.addi %parallel_loop3A_128, %parallel_loop3A_168 : vector<16xi32>
      %parallel_loop3A_170 = tpu.vector_load_idx %arg5[%parallel_loop3A_169] : memref<65536xf32, #tpu.memory_space<vmem>>[vector<16xi32>], vector<16xf32>,
      %parallel_loop3A_171 = arith.constant 64 : i32
      %parallel_loop3A_172 = arith.muli %parallel_loop3A_132, %parallel_loop3A_171 : i32
      %parallel_loop3A_173 = arith.constant 48 : i32
      %parallel_loop3A_174 = arith.addi %parallel_loop3A_172, %parallel_loop3A_173 : i32
      %parallel_loop3A_175 = arith.index_cast %parallel_loop3A_174 : i32 to index
      %parallel_loop3A_176 = tpu.vector_load %arg7[%parallel_loop3A_175] {strides = array<i32>} : memref<36864xf32, #tpu.memory_space<vmem>>, vector<16xf32>,
      tpu.vector_store %arg7[%parallel_loop3A_175], %parallel_loop3A_170 {strides = array<i32>} : memref<36864xf32, #tpu.memory_space<vmem>>, vector<16xf32>,
      %parallel_loop3A_177 = arith.constant 3 : i32
      %parallel_loop3A_178 = vector.broadcast %parallel_loop3A_177 : i32 to vector<16x1xi32>
      %parallel_loop3A_179 = vector.shape_cast %parallel_loop3A_178 : vector<16x1xi32> to vector<16xi32>
      %parallel_loop3A_180 = tpu.dynamic_gather %parallel_loop3A_11[%parallel_loop3A_179] in [0] : vector<16xi32>, vector<16xi32> -> vector<16xi32>
      %parallel_loop3A_181 = arith.constant 64 : i32
      %parallel_loop3A_182 = vector.broadcast %parallel_loop3A_181 : i32 to vector<16xi32>
      %parallel_loop3A_183 = arith.muli %parallel_loop3A_180, %parallel_loop3A_182 : vector<16xi32>
      %parallel_loop3A_184 = arith.constant 16 : i32
      %parallel_loop3A_185 = arith.muli %parallel_loop3A_7, %parallel_loop3A_184 : i32
      %parallel_loop3A_186 = arith.constant 3 : i32
      %parallel_loop3A_187 = arith.addi %parallel_loop3A_185, %parallel_loop3A_186 : i32
      %parallel_loop3A_188 = arith.constant 0 : i32
      %parallel_loop3A_189 = vector.broadcast %parallel_loop3A_188 : i32 to vector<16xi32>
      %parallel_loop3A_190 = arith.addi %iota3A, %parallel_loop3A_189 : vector<16xi32>
      %parallel_loop3A_191 = arith.addi %parallel_loop3A_183, %parallel_loop3A_190 : vector<16xi32>
      %parallel_loop3A_192 = tpu.vector_load_idx %arg5[%parallel_loop3A_191] : memref<65536xf32, #tpu.memory_space<vmem>>[vector<16xi32>], vector<16xf32>,
      %parallel_loop3A_193 = arith.constant 64 : i32
      %parallel_loop3A_194 = arith.muli %parallel_loop3A_187, %parallel_loop3A_193 : i32
      %parallel_loop3A_195 = arith.constant 0 : i32
      %parallel_loop3A_196 = arith.addi %parallel_loop3A_194, %parallel_loop3A_195 : i32
      %parallel_loop3A_197 = arith.index_cast %parallel_loop3A_196 : i32 to index
      %parallel_loop3A_198 = tpu.vector_load %arg7[%parallel_loop3A_197] {strides = array<i32>} : memref<36864xf32, #tpu.memory_space<vmem>>, vector<16xf32>,
      tpu.vector_store %arg7[%parallel_loop3A_197], %parallel_loop3A_192 {strides = array<i32>} : memref<36864xf32, #tpu.memory_space<vmem>>, vector<16xf32>,
      %parallel_loop3A_199 = arith.constant 16 : i32
      %parallel_loop3A_200 = vector.broadcast %parallel_loop3A_199 : i32 to vector<16xi32>
      %parallel_loop3A_201 = arith.addi %iota3A, %parallel_loop3A_200 : vector<16xi32>
      %parallel_loop3A_202 = arith.addi %parallel_loop3A_183, %parallel_loop3A_201 : vector<16xi32>
      %parallel_loop3A_203 = tpu.vector_load_idx %arg5[%parallel_loop3A_202] : memref<65536xf32, #tpu.memory_space<vmem>>[vector<16xi32>], vector<16xf32>,
      %parallel_loop3A_204 = arith.constant 64 : i32
      %parallel_loop3A_205 = arith.muli %parallel_loop3A_187, %parallel_loop3A_204 : i32
      %parallel_loop3A_206 = arith.constant 16 : i32
      %parallel_loop3A_207 = arith.addi %parallel_loop3A_205, %parallel_loop3A_206 : i32
      %parallel_loop3A_208 = arith.index_cast %parallel_loop3A_207 : i32 to index
      %parallel_loop3A_209 = tpu.vector_load %arg7[%parallel_loop3A_208] {strides = array<i32>} : memref<36864xf32, #tpu.memory_space<vmem>>, vector<16xf32>,
      tpu.vector_store %arg7[%parallel_loop3A_208], %parallel_loop3A_203 {strides = array<i32>} : memref<36864xf32, #tpu.memory_space<vmem>>, vector<16xf32>,
      %parallel_loop3A_210 = arith.constant 32 : i32
      %parallel_loop3A_211 = vector.broadcast %parallel_loop3A_210 : i32 to vector<16xi32>
      %parallel_loop3A_212 = arith.addi %iota3A, %parallel_loop3A_211 : vector<16xi32>
      %parallel_loop3A_213 = arith.addi %parallel_loop3A_183, %parallel_loop3A_212 : vector<16xi32>
      %parallel_loop3A_214 = tpu.vector_load_idx %arg5[%parallel_loop3A_213] : memref<65536xf32, #tpu.memory_space<vmem>>[vector<16xi32>], vector<16xf32>,
      %parallel_loop3A_215 = arith.constant 64 : i32
      %parallel_loop3A_216 = arith.muli %parallel_loop3A_187, %parallel_loop3A_215 : i32
      %parallel_loop3A_217 = arith.constant 32 : i32
      %parallel_loop3A_218 = arith.addi %parallel_loop3A_216, %parallel_loop3A_217 : i32
      %parallel_loop3A_219 = arith.index_cast %parallel_loop3A_218 : i32 to index
      %parallel_loop3A_220 = tpu.vector_load %arg7[%parallel_loop3A_219] {strides = array<i32>} : memref<36864xf32, #tpu.memory_space<vmem>>, vector<16xf32>,
      tpu.vector_store %arg7[%parallel_loop3A_219], %parallel_loop3A_214 {strides = array<i32>} : memref<36864xf32, #tpu.memory_space<vmem>>, vector<16xf32>,
      %parallel_loop3A_221 = arith.constant 48 : i32
      %parallel_loop3A_222 = vector.broadcast %parallel_loop3A_221 : i32 to vector<16xi32>
      %parallel_loop3A_223 = arith.addi %iota3A, %parallel_loop3A_222 : vector<16xi32>
      %parallel_loop3A_224 = arith.addi %parallel_loop3A_183, %parallel_loop3A_223 : vector<16xi32>
      %parallel_loop3A_225 = tpu.vector_load_idx %arg5[%parallel_loop3A_224] : memref<65536xf32, #tpu.memory_space<vmem>>[vector<16xi32>], vector<16xf32>,
      %parallel_loop3A_226 = arith.constant 64 : i32
      %parallel_loop3A_227 = arith.muli %parallel_loop3A_187, %parallel_loop3A_226 : i32
      %parallel_loop3A_228 = arith.constant 48 : i32
      %parallel_loop3A_229 = arith.addi %parallel_loop3A_227, %parallel_loop3A_228 : i32
      %parallel_loop3A_230 = arith.index_cast %parallel_loop3A_229 : i32 to index
      %parallel_loop3A_231 = tpu.vector_load %arg7[%parallel_loop3A_230] {strides = array<i32>} : memref<36864xf32, #tpu.memory_space<vmem>>, vector<16xf32>,
      tpu.vector_store %arg7[%parallel_loop3A_230], %parallel_loop3A_225 {strides = array<i32>} : memref<36864xf32, #tpu.memory_space<vmem>>, vector<16xf32>,
      %parallel_loop3A_232 = arith.constant 4 : i32
      %parallel_loop3A_233 = vector.broadcast %parallel_loop3A_232 : i32 to vector<16x1xi32>
      %parallel_loop3A_234 = vector.shape_cast %parallel_loop3A_233 : vector<16x1xi32> to vector<16xi32>
      %parallel_loop3A_235 = tpu.dynamic_gather %parallel_loop3A_11[%parallel_loop3A_234] in [0] : vector<16xi32>, vector<16xi32> -> vector<16xi32>
      %parallel_loop3A_236 = arith.constant 64 : i32
      %parallel_loop3A_237 = vector.broadcast %parallel_loop3A_236 : i32 to vector<16xi32>
      %parallel_loop3A_238 = arith.muli %parallel_loop3A_235, %parallel_loop3A_237 : vector<16xi32>
      %parallel_loop3A_239 = arith.constant 16 : i32
      %parallel_loop3A_240 = arith.muli %parallel_loop3A_7, %parallel_loop3A_239 : i32
      %parallel_loop3A_241 = arith.constant 4 : i32
      %parallel_loop3A_242 = arith.addi %parallel_loop3A_240, %parallel_loop3A_241 : i32
      %parallel_loop3A_243 = arith.constant 0 : i32
      %parallel_loop3A_244 = vector.broadcast %parallel_loop3A_243 : i32 to vector<16xi32>
      %parallel_loop3A_245 = arith.addi %iota3A, %parallel_loop3A_244 : vector<16xi32>
      %parallel_loop3A_246 = arith.addi %parallel_loop3A_238, %parallel_loop3A_245 : vector<16xi32>
      %parallel_loop3A_247 = tpu.vector_load_idx %arg5[%parallel_loop3A_246] : memref<65536xf32, #tpu.memory_space<vmem>>[vector<16xi32>], vector<16xf32>,
      %parallel_loop3A_248 = arith.constant 64 : i32
      %parallel_loop3A_249 = arith.muli %parallel_loop3A_242, %parallel_loop3A_248 : i32
      %parallel_loop3A_250 = arith.constant 0 : i32
      %parallel_loop3A_251 = arith.addi %parallel_loop3A_249, %parallel_loop3A_250 : i32
      %parallel_loop3A_252 = arith.index_cast %parallel_loop3A_251 : i32 to index
      %parallel_loop3A_253 = tpu.vector_load %arg7[%parallel_loop3A_252] {strides = array<i32>} : memref<36864xf32, #tpu.memory_space<vmem>>, vector<16xf32>,
      tpu.vector_store %arg7[%parallel_loop3A_252], %parallel_loop3A_247 {strides = array<i32>} : memref<36864xf32, #tpu.memory_space<vmem>>, vector<16xf32>,
      %parallel_loop3A_254 = arith.constant 16 : i32
      %parallel_loop3A_255 = vector.broadcast %parallel_loop3A_254 : i32 to vector<16xi32>
      %parallel_loop3A_256 = arith.addi %iota3A, %parallel_loop3A_255 : vector<16xi32>
      %parallel_loop3A_257 = arith.addi %parallel_loop3A_238, %parallel_loop3A_256 : vector<16xi32>
      %parallel_loop3A_258 = tpu.vector_load_idx %arg5[%parallel_loop3A_257] : memref<65536xf32, #tpu.memory_space<vmem>>[vector<16xi32>], vector<16xf32>,
      %parallel_loop3A_259 = arith.constant 64 : i32
      %parallel_loop3A_260 = arith.muli %parallel_loop3A_242, %parallel_loop3A_259 : i32
      %parallel_loop3A_261 = arith.constant 16 : i32
      %parallel_loop3A_262 = arith.addi %parallel_loop3A_260, %parallel_loop3A_261 : i32
      %parallel_loop3A_263 = arith.index_cast %parallel_loop3A_262 : i32 to index
      %parallel_loop3A_264 = tpu.vector_load %arg7[%parallel_loop3A_263] {strides = array<i32>} : memref<36864xf32, #tpu.memory_space<vmem>>, vector<16xf32>,
      tpu.vector_store %arg7[%parallel_loop3A_263], %parallel_loop3A_258 {strides = array<i32>} : memref<36864xf32, #tpu.memory_space<vmem>>, vector<16xf32>,
      %parallel_loop3A_265 = arith.constant 32 : i32
      %parallel_loop3A_266 = vector.broadcast %parallel_loop3A_265 : i32 to vector<16xi32>
      %parallel_loop3A_267 = arith.addi %iota3A, %parallel_loop3A_266 : vector<16xi32>
      %parallel_loop3A_268 = arith.addi %parallel_loop3A_238, %parallel_loop3A_267 : vector<16xi32>
      %parallel_loop3A_269 = tpu.vector_load_idx %arg5[%parallel_loop3A_268] : memref<65536xf32, #tpu.memory_space<vmem>>[vector<16xi32>], vector<16xf32>,
      %parallel_loop3A_270 = arith.constant 64 : i32
      %parallel_loop3A_271 = arith.muli %parallel_loop3A_242, %parallel_loop3A_270 : i32
      %parallel_loop3A_272 = arith.constant 32 : i32
      %parallel_loop3A_273 = arith.addi %parallel_loop3A_271, %parallel_loop3A_272 : i32
      %parallel_loop3A_274 = arith.index_cast %parallel_loop3A_273 : i32 to index
      %parallel_loop3A_275 = tpu.vector_load %arg7[%parallel_loop3A_274] {strides = array<i32>} : memref<36864xf32, #tpu.memory_space<vmem>>, vector<16xf32>,
      tpu.vector_store %arg7[%parallel_loop3A_274], %parallel_loop3A_269 {strides = array<i32>} : memref<36864xf32, #tpu.memory_space<vmem>>, vector<16xf32>,
      %parallel_loop3A_276 = arith.constant 48 : i32
      %parallel_loop3A_277 = vector.broadcast %parallel_loop3A_276 : i32 to vector<16xi32>
      %parallel_loop3A_278 = arith.addi %iota3A, %parallel_loop3A_277 : vector<16xi32>
      %parallel_loop3A_279 = arith.addi %parallel_loop3A_238, %parallel_loop3A_278 : vector<16xi32>
      %parallel_loop3A_280 = tpu.vector_load_idx %arg5[%parallel_loop3A_279] : memref<65536xf32, #tpu.memory_space<vmem>>[vector<16xi32>], vector<16xf32>,
      %parallel_loop3A_281 = arith.constant 64 : i32
      %parallel_loop3A_282 = arith.muli %parallel_loop3A_242, %parallel_loop3A_281 : i32
      %parallel_loop3A_283 = arith.constant 48 : i32
      %parallel_loop3A_284 = arith.addi %parallel_loop3A_282, %parallel_loop3A_283 : i32
      %parallel_loop3A_285 = arith.index_cast %parallel_loop3A_284 : i32 to index
      %parallel_loop3A_286 = tpu.vector_load %arg7[%parallel_loop3A_285] {strides = array<i32>} : memref<36864xf32, #tpu.memory_space<vmem>>, vector<16xf32>,
      tpu.vector_store %arg7[%parallel_loop3A_285], %parallel_loop3A_280 {strides = array<i32>} : memref<36864xf32, #tpu.memory_space<vmem>>, vector<16xf32>,
      %parallel_loop3A_287 = arith.constant 5 : i32
      %parallel_loop3A_288 = vector.broadcast %parallel_loop3A_287 : i32 to vector<16x1xi32>
      %parallel_loop3A_289 = vector.shape_cast %parallel_loop3A_288 : vector<16x1xi32> to vector<16xi32>
      %parallel_loop3A_290 = tpu.dynamic_gather %parallel_loop3A_11[%parallel_loop3A_289] in [0] : vector<16xi32>, vector<16xi32> -> vector<16xi32>
      %parallel_loop3A_291 = arith.constant 64 : i32
      %parallel_loop3A_292 = vector.broadcast %parallel_loop3A_291 : i32 to vector<16xi32>
      %parallel_loop3A_293 = arith.muli %parallel_loop3A_290, %parallel_loop3A_292 : vector<16xi32>
      %parallel_loop3A_294 = arith.constant 16 : i32
      %parallel_loop3A_295 = arith.muli %parallel_loop3A_7, %parallel_loop3A_294 : i32
      %parallel_loop3A_296 = arith.constant 5 : i32
      %parallel_loop3A_297 = arith.addi %parallel_loop3A_295, %parallel_loop3A_296 : i32
      %parallel_loop3A_298 = arith.constant 0 : i32
      %parallel_loop3A_299 = vector.broadcast %parallel_loop3A_298 : i32 to vector<16xi32>
      %parallel_loop3A_300 = arith.addi %iota3A, %parallel_loop3A_299 : vector<16xi32>
      %parallel_loop3A_301 = arith.addi %parallel_loop3A_293, %parallel_loop3A_300 : vector<16xi32>
      %parallel_loop3A_302 = tpu.vector_load_idx %arg5[%parallel_loop3A_301] : memref<65536xf32, #tpu.memory_space<vmem>>[vector<16xi32>], vector<16xf32>,
      %parallel_loop3A_303 = arith.constant 64 : i32
      %parallel_loop3A_304 = arith.muli %parallel_loop3A_297, %parallel_loop3A_303 : i32
      %parallel_loop3A_305 = arith.constant 0 : i32
      %parallel_loop3A_306 = arith.addi %parallel_loop3A_304, %parallel_loop3A_305 : i32
      %parallel_loop3A_307 = arith.index_cast %parallel_loop3A_306 : i32 to index
      %parallel_loop3A_308 = tpu.vector_load %arg7[%parallel_loop3A_307] {strides = array<i32>} : memref<36864xf32, #tpu.memory_space<vmem>>, vector<16xf32>,
      tpu.vector_store %arg7[%parallel_loop3A_307], %parallel_loop3A_302 {strides = array<i32>} : memref<36864xf32, #tpu.memory_space<vmem>>, vector<16xf32>,
      %parallel_loop3A_309 = arith.constant 16 : i32
      %parallel_loop3A_310 = vector.broadcast %parallel_loop3A_309 : i32 to vector<16xi32>
      %parallel_loop3A_311 = arith.addi %iota3A, %parallel_loop3A_310 : vector<16xi32>
      %parallel_loop3A_312 = arith.addi %parallel_loop3A_293, %parallel_loop3A_311 : vector<16xi32>
      %parallel_loop3A_313 = tpu.vector_load_idx %arg5[%parallel_loop3A_312] : memref<65536xf32, #tpu.memory_space<vmem>>[vector<16xi32>], vector<16xf32>,
      %parallel_loop3A_314 = arith.constant 64 : i32
      %parallel_loop3A_315 = arith.muli %parallel_loop3A_297, %parallel_loop3A_314 : i32
      %parallel_loop3A_316 = arith.constant 16 : i32
      %parallel_loop3A_317 = arith.addi %parallel_loop3A_315, %parallel_loop3A_316 : i32
      %parallel_loop3A_318 = arith.index_cast %parallel_loop3A_317 : i32 to index
      %parallel_loop3A_319 = tpu.vector_load %arg7[%parallel_loop3A_318] {strides = array<i32>} : memref<36864xf32, #tpu.memory_space<vmem>>, vector<16xf32>,
      tpu.vector_store %arg7[%parallel_loop3A_318], %parallel_loop3A_313 {strides = array<i32>} : memref<36864xf32, #tpu.memory_space<vmem>>, vector<16xf32>,
      %parallel_loop3A_320 = arith.constant 32 : i32
      %parallel_loop3A_321 = vector.broadcast %parallel_loop3A_320 : i32 to vector<16xi32>
      %parallel_loop3A_322 = arith.addi %iota3A, %parallel_loop3A_321 : vector<16xi32>
      %parallel_loop3A_323 = arith.addi %parallel_loop3A_293, %parallel_loop3A_322 : vector<16xi32>
      %parallel_loop3A_324 = tpu.vector_load_idx %arg5[%parallel_loop3A_323] : memref<65536xf32, #tpu.memory_space<vmem>>[vector<16xi32>], vector<16xf32>,
      %parallel_loop3A_325 = arith.constant 64 : i32
      %parallel_loop3A_326 = arith.muli %parallel_loop3A_297, %parallel_loop3A_325 : i32
      %parallel_loop3A_327 = arith.constant 32 : i32
      %parallel_loop3A_328 = arith.addi %parallel_loop3A_326, %parallel_loop3A_327 : i32
      %parallel_loop3A_329 = arith.index_cast %parallel_loop3A_328 : i32 to index
      %parallel_loop3A_330 = tpu.vector_load %arg7[%parallel_loop3A_329] {strides = array<i32>} : memref<36864xf32, #tpu.memory_space<vmem>>, vector<16xf32>,
      tpu.vector_store %arg7[%parallel_loop3A_329], %parallel_loop3A_324 {strides = array<i32>} : memref<36864xf32, #tpu.memory_space<vmem>>, vector<16xf32>,
      %parallel_loop3A_331 = arith.constant 48 : i32
      %parallel_loop3A_332 = vector.broadcast %parallel_loop3A_331 : i32 to vector<16xi32>
      %parallel_loop3A_333 = arith.addi %iota3A, %parallel_loop3A_332 : vector<16xi32>
      %parallel_loop3A_334 = arith.addi %parallel_loop3A_293, %parallel_loop3A_333 : vector<16xi32>
      %parallel_loop3A_335 = tpu.vector_load_idx %arg5[%parallel_loop3A_334] : memref<65536xf32, #tpu.memory_space<vmem>>[vector<16xi32>], vector<16xf32>,
      %parallel_loop3A_336 = arith.constant 64 : i32
      %parallel_loop3A_337 = arith.muli %parallel_loop3A_297, %parallel_loop3A_336 : i32
      %parallel_loop3A_338 = arith.constant 48 : i32
      %parallel_loop3A_339 = arith.addi %parallel_loop3A_337, %parallel_loop3A_338 : i32
      %parallel_loop3A_340 = arith.index_cast %parallel_loop3A_339 : i32 to index
      %parallel_loop3A_341 = tpu.vector_load %arg7[%parallel_loop3A_340] {strides = array<i32>} : memref<36864xf32, #tpu.memory_space<vmem>>, vector<16xf32>,
      tpu.vector_store %arg7[%parallel_loop3A_340], %parallel_loop3A_335 {strides = array<i32>} : memref<36864xf32, #tpu.memory_space<vmem>>, vector<16xf32>,
      %parallel_loop3A_342 = arith.constant 6 : i32
      %parallel_loop3A_343 = vector.broadcast %parallel_loop3A_342 : i32 to vector<16x1xi32>
      %parallel_loop3A_344 = vector.shape_cast %parallel_loop3A_343 : vector<16x1xi32> to vector<16xi32>
      %parallel_loop3A_345 = tpu.dynamic_gather %parallel_loop3A_11[%parallel_loop3A_344] in [0] : vector<16xi32>, vector<16xi32> -> vector<16xi32>
      %parallel_loop3A_346 = arith.constant 64 : i32
      %parallel_loop3A_347 = vector.broadcast %parallel_loop3A_346 : i32 to vector<16xi32>
      %parallel_loop3A_348 = arith.muli %parallel_loop3A_345, %parallel_loop3A_347 : vector<16xi32>
      %parallel_loop3A_349 = arith.constant 16 : i32
      %parallel_loop3A_350 = arith.muli %parallel_loop3A_7, %parallel_loop3A_349 : i32
      %parallel_loop3A_351 = arith.constant 6 : i32
      %parallel_loop3A_352 = arith.addi %parallel_loop3A_350, %parallel_loop3A_351 : i32
      %parallel_loop3A_353 = arith.constant 0 : i32
      %parallel_loop3A_354 = vector.broadcast %parallel_loop3A_353 : i32 to vector<16xi32>
      %parallel_loop3A_355 = arith.addi %iota3A, %parallel_loop3A_354 : vector<16xi32>
      %parallel_loop3A_356 = arith.addi %parallel_loop3A_348, %parallel_loop3A_355 : vector<16xi32>
      %parallel_loop3A_357 = tpu.vector_load_idx %arg5[%parallel_loop3A_356] : memref<65536xf32, #tpu.memory_space<vmem>>[vector<16xi32>], vector<16xf32>,
      %parallel_loop3A_358 = arith.constant 64 : i32
      %parallel_loop3A_359 = arith.muli %parallel_loop3A_352, %parallel_loop3A_358 : i32
      %parallel_loop3A_360 = arith.constant 0 : i32
      %parallel_loop3A_361 = arith.addi %parallel_loop3A_359, %parallel_loop3A_360 : i32
      %parallel_loop3A_362 = arith.index_cast %parallel_loop3A_361 : i32 to index
      %parallel_loop3A_363 = tpu.vector_load %arg7[%parallel_loop3A_362] {strides = array<i32>} : memref<36864xf32, #tpu.memory_space<vmem>>, vector<16xf32>,
      tpu.vector_store %arg7[%parallel_loop3A_362], %parallel_loop3A_357 {strides = array<i32>} : memref<36864xf32, #tpu.memory_space<vmem>>, vector<16xf32>,
      %parallel_loop3A_364 = arith.constant 16 : i32
      %parallel_loop3A_365 = vector.broadcast %parallel_loop3A_364 : i32 to vector<16xi32>
      %parallel_loop3A_366 = arith.addi %iota3A, %parallel_loop3A_365 : vector<16xi32>
      %parallel_loop3A_367 = arith.addi %parallel_loop3A_348, %parallel_loop3A_366 : vector<16xi32>
      %parallel_loop3A_368 = tpu.vector_load_idx %arg5[%parallel_loop3A_367] : memref<65536xf32, #tpu.memory_space<vmem>>[vector<16xi32>], vector<16xf32>,
      %parallel_loop3A_369 = arith.constant 64 : i32
      %parallel_loop3A_370 = arith.muli %parallel_loop3A_352, %parallel_loop3A_369 : i32
      %parallel_loop3A_371 = arith.constant 16 : i32
      %parallel_loop3A_372 = arith.addi %parallel_loop3A_370, %parallel_loop3A_371 : i32
      %parallel_loop3A_373 = arith.index_cast %parallel_loop3A_372 : i32 to index
      %parallel_loop3A_374 = tpu.vector_load %arg7[%parallel_loop3A_373] {strides = array<i32>} : memref<36864xf32, #tpu.memory_space<vmem>>, vector<16xf32>,
      tpu.vector_store %arg7[%parallel_loop3A_373], %parallel_loop3A_368 {strides = array<i32>} : memref<36864xf32, #tpu.memory_space<vmem>>, vector<16xf32>,
      %parallel_loop3A_375 = arith.constant 32 : i32
      %parallel_loop3A_376 = vector.broadcast %parallel_loop3A_375 : i32 to vector<16xi32>
      %parallel_loop3A_377 = arith.addi %iota3A, %parallel_loop3A_376 : vector<16xi32>
      %parallel_loop3A_378 = arith.addi %parallel_loop3A_348, %parallel_loop3A_377 : vector<16xi32>
      %parallel_loop3A_379 = tpu.vector_load_idx %arg5[%parallel_loop3A_378] : memref<65536xf32, #tpu.memory_space<vmem>>[vector<16xi32>], vector<16xf32>,
      %parallel_loop3A_380 = arith.constant 64 : i32
      %parallel_loop3A_381 = arith.muli %parallel_loop3A_352, %parallel_loop3A_380 : i32
      %parallel_loop3A_382 = arith.constant 32 : i32
      %parallel_loop3A_383 = arith.addi %parallel_loop3A_381, %parallel_loop3A_382 : i32
      %parallel_loop3A_384 = arith.index_cast %parallel_loop3A_383 : i32 to index
      %parallel_loop3A_385 = tpu.vector_load %arg7[%parallel_loop3A_384] {strides = array<i32>} : memref<36864xf32, #tpu.memory_space<vmem>>, vector<16xf32>,
      tpu.vector_store %arg7[%parallel_loop3A_384], %parallel_loop3A_379 {strides = array<i32>} : memref<36864xf32, #tpu.memory_space<vmem>>, vector<16xf32>,
      %parallel_loop3A_386 = arith.constant 48 : i32
      %parallel_loop3A_387 = vector.broadcast %parallel_loop3A_386 : i32 to vector<16xi32>
      %parallel_loop3A_388 = arith.addi %iota3A, %parallel_loop3A_387 : vector<16xi32>
      %parallel_loop3A_389 = arith.addi %parallel_loop3A_348, %parallel_loop3A_388 : vector<16xi32>
      %parallel_loop3A_390 = tpu.vector_load_idx %arg5[%parallel_loop3A_389] : memref<65536xf32, #tpu.memory_space<vmem>>[vector<16xi32>], vector<16xf32>,
      %parallel_loop3A_391 = arith.constant 64 : i32
      %parallel_loop3A_392 = arith.muli %parallel_loop3A_352, %parallel_loop3A_391 : i32
      %parallel_loop3A_393 = arith.constant 48 : i32
      %parallel_loop3A_394 = arith.addi %parallel_loop3A_392, %parallel_loop3A_393 : i32
      %parallel_loop3A_395 = arith.index_cast %parallel_loop3A_394 : i32 to index
      %parallel_loop3A_396 = tpu.vector_load %arg7[%parallel_loop3A_395] {strides = array<i32>} : memref<36864xf32, #tpu.memory_space<vmem>>, vector<16xf32>,
      tpu.vector_store %arg7[%parallel_loop3A_395], %parallel_loop3A_390 {strides = array<i32>} : memref<36864xf32, #tpu.memory_space<vmem>>, vector<16xf32>,
      %parallel_loop3A_397 = arith.constant 7 : i32
      %parallel_loop3A_398 = vector.broadcast %parallel_loop3A_397 : i32 to vector<16x1xi32>
      %parallel_loop3A_399 = vector.shape_cast %parallel_loop3A_398 : vector<16x1xi32> to vector<16xi32>
      %parallel_loop3A_400 = tpu.dynamic_gather %parallel_loop3A_11[%parallel_loop3A_399] in [0] : vector<16xi32>, vector<16xi32> -> vector<16xi32>
      %parallel_loop3A_401 = arith.constant 64 : i32
      %parallel_loop3A_402 = vector.broadcast %parallel_loop3A_401 : i32 to vector<16xi32>
      %parallel_loop3A_403 = arith.muli %parallel_loop3A_400, %parallel_loop3A_402 : vector<16xi32>
      %parallel_loop3A_404 = arith.constant 16 : i32
      %parallel_loop3A_405 = arith.muli %parallel_loop3A_7, %parallel_loop3A_404 : i32
      %parallel_loop3A_406 = arith.constant 7 : i32
      %parallel_loop3A_407 = arith.addi %parallel_loop3A_405, %parallel_loop3A_406 : i32
      %parallel_loop3A_408 = arith.constant 0 : i32
      %parallel_loop3A_409 = vector.broadcast %parallel_loop3A_408 : i32 to vector<16xi32>
      %parallel_loop3A_410 = arith.addi %iota3A, %parallel_loop3A_409 : vector<16xi32>
      %parallel_loop3A_411 = arith.addi %parallel_loop3A_403, %parallel_loop3A_410 : vector<16xi32>
      %parallel_loop3A_412 = tpu.vector_load_idx %arg5[%parallel_loop3A_411] : memref<65536xf32, #tpu.memory_space<vmem>>[vector<16xi32>], vector<16xf32>,
      %parallel_loop3A_413 = arith.constant 64 : i32
      %parallel_loop3A_414 = arith.muli %parallel_loop3A_407, %parallel_loop3A_413 : i32
      %parallel_loop3A_415 = arith.constant 0 : i32
      %parallel_loop3A_416 = arith.addi %parallel_loop3A_414, %parallel_loop3A_415 : i32
      %parallel_loop3A_417 = arith.index_cast %parallel_loop3A_416 : i32 to index
      %parallel_loop3A_418 = tpu.vector_load %arg7[%parallel_loop3A_417] {strides = array<i32>} : memref<36864xf32, #tpu.memory_space<vmem>>, vector<16xf32>,
      tpu.vector_store %arg7[%parallel_loop3A_417], %parallel_loop3A_412 {strides = array<i32>} : memref<36864xf32, #tpu.memory_space<vmem>>, vector<16xf32>,
      %parallel_loop3A_419 = arith.constant 16 : i32
      %parallel_loop3A_420 = vector.broadcast %parallel_loop3A_419 : i32 to vector<16xi32>
      %parallel_loop3A_421 = arith.addi %iota3A, %parallel_loop3A_420 : vector<16xi32>
      %parallel_loop3A_422 = arith.addi %parallel_loop3A_403, %parallel_loop3A_421 : vector<16xi32>
      %parallel_loop3A_423 = tpu.vector_load_idx %arg5[%parallel_loop3A_422] : memref<65536xf32, #tpu.memory_space<vmem>>[vector<16xi32>], vector<16xf32>,
      %parallel_loop3A_424 = arith.constant 64 : i32
      %parallel_loop3A_425 = arith.muli %parallel_loop3A_407, %parallel_loop3A_424 : i32
      %parallel_loop3A_426 = arith.constant 16 : i32
      %parallel_loop3A_427 = arith.addi %parallel_loop3A_425, %parallel_loop3A_426 : i32
      %parallel_loop3A_428 = arith.index_cast %parallel_loop3A_427 : i32 to index
      %parallel_loop3A_429 = tpu.vector_load %arg7[%parallel_loop3A_428] {strides = array<i32>} : memref<36864xf32, #tpu.memory_space<vmem>>, vector<16xf32>,
      tpu.vector_store %arg7[%parallel_loop3A_428], %parallel_loop3A_423 {strides = array<i32>} : memref<36864xf32, #tpu.memory_space<vmem>>, vector<16xf32>,
      %parallel_loop3A_430 = arith.constant 32 : i32
      %parallel_loop3A_431 = vector.broadcast %parallel_loop3A_430 : i32 to vector<16xi32>
      %parallel_loop3A_432 = arith.addi %iota3A, %parallel_loop3A_431 : vector<16xi32>
      %parallel_loop3A_433 = arith.addi %parallel_loop3A_403, %parallel_loop3A_432 : vector<16xi32>
      %parallel_loop3A_434 = tpu.vector_load_idx %arg5[%parallel_loop3A_433] : memref<65536xf32, #tpu.memory_space<vmem>>[vector<16xi32>], vector<16xf32>,
      %parallel_loop3A_435 = arith.constant 64 : i32
      %parallel_loop3A_436 = arith.muli %parallel_loop3A_407, %parallel_loop3A_435 : i32
      %parallel_loop3A_437 = arith.constant 32 : i32
      %parallel_loop3A_438 = arith.addi %parallel_loop3A_436, %parallel_loop3A_437 : i32
      %parallel_loop3A_439 = arith.index_cast %parallel_loop3A_438 : i32 to index
      %parallel_loop3A_440 = tpu.vector_load %arg7[%parallel_loop3A_439] {strides = array<i32>} : memref<36864xf32, #tpu.memory_space<vmem>>, vector<16xf32>,
      tpu.vector_store %arg7[%parallel_loop3A_439], %parallel_loop3A_434 {strides = array<i32>} : memref<36864xf32, #tpu.memory_space<vmem>>, vector<16xf32>,
      %parallel_loop3A_441 = arith.constant 48 : i32
      %parallel_loop3A_442 = vector.broadcast %parallel_loop3A_441 : i32 to vector<16xi32>
      %parallel_loop3A_443 = arith.addi %iota3A, %parallel_loop3A_442 : vector<16xi32>
      %parallel_loop3A_444 = arith.addi %parallel_loop3A_403, %parallel_loop3A_443 : vector<16xi32>
      %parallel_loop3A_445 = tpu.vector_load_idx %arg5[%parallel_loop3A_444] : memref<65536xf32, #tpu.memory_space<vmem>>[vector<16xi32>], vector<16xf32>,
      %parallel_loop3A_446 = arith.constant 64 : i32
      %parallel_loop3A_447 = arith.muli %parallel_loop3A_407, %parallel_loop3A_446 : i32
      %parallel_loop3A_448 = arith.constant 48 : i32
      %parallel_loop3A_449 = arith.addi %parallel_loop3A_447, %parallel_loop3A_448 : i32
      %parallel_loop3A_450 = arith.index_cast %parallel_loop3A_449 : i32 to index
      %parallel_loop3A_451 = tpu.vector_load %arg7[%parallel_loop3A_450] {strides = array<i32>} : memref<36864xf32, #tpu.memory_space<vmem>>, vector<16xf32>,
      tpu.vector_store %arg7[%parallel_loop3A_450], %parallel_loop3A_445 {strides = array<i32>} : memref<36864xf32, #tpu.memory_space<vmem>>, vector<16xf32>,
      %parallel_loop3A_452 = arith.constant 8 : i32
      %parallel_loop3A_453 = vector.broadcast %parallel_loop3A_452 : i32 to vector<16x1xi32>
      %parallel_loop3A_454 = vector.shape_cast %parallel_loop3A_453 : vector<16x1xi32> to vector<16xi32>
      %parallel_loop3A_455 = tpu.dynamic_gather %parallel_loop3A_11[%parallel_loop3A_454] in [0] : vector<16xi32>, vector<16xi32> -> vector<16xi32>
      %parallel_loop3A_456 = arith.constant 64 : i32
      %parallel_loop3A_457 = vector.broadcast %parallel_loop3A_456 : i32 to vector<16xi32>
      %parallel_loop3A_458 = arith.muli %parallel_loop3A_455, %parallel_loop3A_457 : vector<16xi32>
      %parallel_loop3A_459 = arith.constant 16 : i32
      %parallel_loop3A_460 = arith.muli %parallel_loop3A_7, %parallel_loop3A_459 : i32
      %parallel_loop3A_461 = arith.constant 8 : i32
      %parallel_loop3A_462 = arith.addi %parallel_loop3A_460, %parallel_loop3A_461 : i32
      %parallel_loop3A_463 = arith.constant 0 : i32
      %parallel_loop3A_464 = vector.broadcast %parallel_loop3A_463 : i32 to vector<16xi32>
      %parallel_loop3A_465 = arith.addi %iota3A, %parallel_loop3A_464 : vector<16xi32>
      %parallel_loop3A_466 = arith.addi %parallel_loop3A_458, %parallel_loop3A_465 : vector<16xi32>
      %parallel_loop3A_467 = tpu.vector_load_idx %arg5[%parallel_loop3A_466] : memref<65536xf32, #tpu.memory_space<vmem>>[vector<16xi32>], vector<16xf32>,
      %parallel_loop3A_468 = arith.constant 64 : i32
      %parallel_loop3A_469 = arith.muli %parallel_loop3A_462, %parallel_loop3A_468 : i32
      %parallel_loop3A_470 = arith.constant 0 : i32
      %parallel_loop3A_471 = arith.addi %parallel_loop3A_469, %parallel_loop3A_470 : i32
      %parallel_loop3A_472 = arith.index_cast %parallel_loop3A_471 : i32 to index
      %parallel_loop3A_473 = tpu.vector_load %arg7[%parallel_loop3A_472] {strides = array<i32>} : memref<36864xf32, #tpu.memory_space<vmem>>, vector<16xf32>,
      tpu.vector_store %arg7[%parallel_loop3A_472], %parallel_loop3A_467 {strides = array<i32>} : memref<36864xf32, #tpu.memory_space<vmem>>, vector<16xf32>,
      %parallel_loop3A_474 = arith.constant 16 : i32
      %parallel_loop3A_475 = vector.broadcast %parallel_loop3A_474 : i32 to vector<16xi32>
      %parallel_loop3A_476 = arith.addi %iota3A, %parallel_loop3A_475 : vector<16xi32>
      %parallel_loop3A_477 = arith.addi %parallel_loop3A_458, %parallel_loop3A_476 : vector<16xi32>
      %parallel_loop3A_478 = tpu.vector_load_idx %arg5[%parallel_loop3A_477] : memref<65536xf32, #tpu.memory_space<vmem>>[vector<16xi32>], vector<16xf32>,
      %parallel_loop3A_479 = arith.constant 64 : i32
      %parallel_loop3A_480 = arith.muli %parallel_loop3A_462, %parallel_loop3A_479 : i32
      %parallel_loop3A_481 = arith.constant 16 : i32
      %parallel_loop3A_482 = arith.addi %parallel_loop3A_480, %parallel_loop3A_481 : i32
      %parallel_loop3A_483 = arith.index_cast %parallel_loop3A_482 : i32 to index
      %parallel_loop3A_484 = tpu.vector_load %arg7[%parallel_loop3A_483] {strides = array<i32>} : memref<36864xf32, #tpu.memory_space<vmem>>, vector<16xf32>,
      tpu.vector_store %arg7[%parallel_loop3A_483], %parallel_loop3A_478 {strides = array<i32>} : memref<36864xf32, #tpu.memory_space<vmem>>, vector<16xf32>,
      %parallel_loop3A_485 = arith.constant 32 : i32
      %parallel_loop3A_486 = vector.broadcast %parallel_loop3A_485 : i32 to vector<16xi32>
      %parallel_loop3A_487 = arith.addi %iota3A, %parallel_loop3A_486 : vector<16xi32>
      %parallel_loop3A_488 = arith.addi %parallel_loop3A_458, %parallel_loop3A_487 : vector<16xi32>
      %parallel_loop3A_489 = tpu.vector_load_idx %arg5[%parallel_loop3A_488] : memref<65536xf32, #tpu.memory_space<vmem>>[vector<16xi32>], vector<16xf32>,
      %parallel_loop3A_490 = arith.constant 64 : i32
      %parallel_loop3A_491 = arith.muli %parallel_loop3A_462, %parallel_loop3A_490 : i32
      %parallel_loop3A_492 = arith.constant 32 : i32
      %parallel_loop3A_493 = arith.addi %parallel_loop3A_491, %parallel_loop3A_492 : i32
      %parallel_loop3A_494 = arith.index_cast %parallel_loop3A_493 : i32 to index
      %parallel_loop3A_495 = tpu.vector_load %arg7[%parallel_loop3A_494] {strides = array<i32>} : memref<36864xf32, #tpu.memory_space<vmem>>, vector<16xf32>,
      tpu.vector_store %arg7[%parallel_loop3A_494], %parallel_loop3A_489 {strides = array<i32>} : memref<36864xf32, #tpu.memory_space<vmem>>, vector<16xf32>,
      %parallel_loop3A_496 = arith.constant 48 : i32
      %parallel_loop3A_497 = vector.broadcast %parallel_loop3A_496 : i32 to vector<16xi32>
      %parallel_loop3A_498 = arith.addi %iota3A, %parallel_loop3A_497 : vector<16xi32>
      %parallel_loop3A_499 = arith.addi %parallel_loop3A_458, %parallel_loop3A_498 : vector<16xi32>
      %parallel_loop3A_500 = tpu.vector_load_idx %arg5[%parallel_loop3A_499] : memref<65536xf32, #tpu.memory_space<vmem>>[vector<16xi32>], vector<16xf32>,
      %parallel_loop3A_501 = arith.constant 64 : i32
      %parallel_loop3A_502 = arith.muli %parallel_loop3A_462, %parallel_loop3A_501 : i32
      %parallel_loop3A_503 = arith.constant 48 : i32
      %parallel_loop3A_504 = arith.addi %parallel_loop3A_502, %parallel_loop3A_503 : i32
      %parallel_loop3A_505 = arith.index_cast %parallel_loop3A_504 : i32 to index
      %parallel_loop3A_506 = tpu.vector_load %arg7[%parallel_loop3A_505] {strides = array<i32>} : memref<36864xf32, #tpu.memory_space<vmem>>, vector<16xf32>,
      tpu.vector_store %arg7[%parallel_loop3A_505], %parallel_loop3A_500 {strides = array<i32>} : memref<36864xf32, #tpu.memory_space<vmem>>, vector<16xf32>,
      %parallel_loop3A_507 = arith.constant 9 : i32
      %parallel_loop3A_508 = vector.broadcast %parallel_loop3A_507 : i32 to vector<16x1xi32>
      %parallel_loop3A_509 = vector.shape_cast %parallel_loop3A_508 : vector<16x1xi32> to vector<16xi32>
      %parallel_loop3A_510 = tpu.dynamic_gather %parallel_loop3A_11[%parallel_loop3A_509] in [0] : vector<16xi32>, vector<16xi32> -> vector<16xi32>
      %parallel_loop3A_511 = arith.constant 64 : i32
      %parallel_loop3A_512 = vector.broadcast %parallel_loop3A_511 : i32 to vector<16xi32>
      %parallel_loop3A_513 = arith.muli %parallel_loop3A_510, %parallel_loop3A_512 : vector<16xi32>
      %parallel_loop3A_514 = arith.constant 16 : i32
      %parallel_loop3A_515 = arith.muli %parallel_loop3A_7, %parallel_loop3A_514 : i32
      %parallel_loop3A_516 = arith.constant 9 : i32
      %parallel_loop3A_517 = arith.addi %parallel_loop3A_515, %parallel_loop3A_516 : i32
      %parallel_loop3A_518 = arith.constant 0 : i32
      %parallel_loop3A_519 = vector.broadcast %parallel_loop3A_518 : i32 to vector<16xi32>
      %parallel_loop3A_520 = arith.addi %iota3A, %parallel_loop3A_519 : vector<16xi32>
      %parallel_loop3A_521 = arith.addi %parallel_loop3A_513, %parallel_loop3A_520 : vector<16xi32>
      %parallel_loop3A_522 = tpu.vector_load_idx %arg5[%parallel_loop3A_521] : memref<65536xf32, #tpu.memory_space<vmem>>[vector<16xi32>], vector<16xf32>,
      %parallel_loop3A_523 = arith.constant 64 : i32
      %parallel_loop3A_524 = arith.muli %parallel_loop3A_517, %parallel_loop3A_523 : i32
      %parallel_loop3A_525 = arith.constant 0 : i32
      %parallel_loop3A_526 = arith.addi %parallel_loop3A_524, %parallel_loop3A_525 : i32
      %parallel_loop3A_527 = arith.index_cast %parallel_loop3A_526 : i32 to index
      %parallel_loop3A_528 = tpu.vector_load %arg7[%parallel_loop3A_527] {strides = array<i32>} : memref<36864xf32, #tpu.memory_space<vmem>>, vector<16xf32>,
      tpu.vector_store %arg7[%parallel_loop3A_527], %parallel_loop3A_522 {strides = array<i32>} : memref<36864xf32, #tpu.memory_space<vmem>>, vector<16xf32>,
      %parallel_loop3A_529 = arith.constant 16 : i32
      %parallel_loop3A_530 = vector.broadcast %parallel_loop3A_529 : i32 to vector<16xi32>
      %parallel_loop3A_531 = arith.addi %iota3A, %parallel_loop3A_530 : vector<16xi32>
      %parallel_loop3A_532 = arith.addi %parallel_loop3A_513, %parallel_loop3A_531 : vector<16xi32>
      %parallel_loop3A_533 = tpu.vector_load_idx %arg5[%parallel_loop3A_532] : memref<65536xf32, #tpu.memory_space<vmem>>[vector<16xi32>], vector<16xf32>,
      %parallel_loop3A_534 = arith.constant 64 : i32
      %parallel_loop3A_535 = arith.muli %parallel_loop3A_517, %parallel_loop3A_534 : i32
      %parallel_loop3A_536 = arith.constant 16 : i32
      %parallel_loop3A_537 = arith.addi %parallel_loop3A_535, %parallel_loop3A_536 : i32
      %parallel_loop3A_538 = arith.index_cast %parallel_loop3A_537 : i32 to index
      %parallel_loop3A_539 = tpu.vector_load %arg7[%parallel_loop3A_538] {strides = array<i32>} : memref<36864xf32, #tpu.memory_space<vmem>>, vector<16xf32>,
      tpu.vector_store %arg7[%parallel_loop3A_538], %parallel_loop3A_533 {strides = array<i32>} : memref<36864xf32, #tpu.memory_space<vmem>>, vector<16xf32>,
      %parallel_loop3A_540 = arith.constant 32 : i32
      %parallel_loop3A_541 = vector.broadcast %parallel_loop3A_540 : i32 to vector<16xi32>
      %parallel_loop3A_542 = arith.addi %iota3A, %parallel_loop3A_541 : vector<16xi32>
      %parallel_loop3A_543 = arith.addi %parallel_loop3A_513, %parallel_loop3A_542 : vector<16xi32>
      %parallel_loop3A_544 = tpu.vector_load_idx %arg5[%parallel_loop3A_543] : memref<65536xf32, #tpu.memory_space<vmem>>[vector<16xi32>], vector<16xf32>,
      %parallel_loop3A_545 = arith.constant 64 : i32
      %parallel_loop3A_546 = arith.muli %parallel_loop3A_517, %parallel_loop3A_545 : i32
      %parallel_loop3A_547 = arith.constant 32 : i32
      %parallel_loop3A_548 = arith.addi %parallel_loop3A_546, %parallel_loop3A_547 : i32
      %parallel_loop3A_549 = arith.index_cast %parallel_loop3A_548 : i32 to index
      %parallel_loop3A_550 = tpu.vector_load %arg7[%parallel_loop3A_549] {strides = array<i32>} : memref<36864xf32, #tpu.memory_space<vmem>>, vector<16xf32>,
      tpu.vector_store %arg7[%parallel_loop3A_549], %parallel_loop3A_544 {strides = array<i32>} : memref<36864xf32, #tpu.memory_space<vmem>>, vector<16xf32>,
      %parallel_loop3A_551 = arith.constant 48 : i32
      %parallel_loop3A_552 = vector.broadcast %parallel_loop3A_551 : i32 to vector<16xi32>
      %parallel_loop3A_553 = arith.addi %iota3A, %parallel_loop3A_552 : vector<16xi32>
      %parallel_loop3A_554 = arith.addi %parallel_loop3A_513, %parallel_loop3A_553 : vector<16xi32>
      %parallel_loop3A_555 = tpu.vector_load_idx %arg5[%parallel_loop3A_554] : memref<65536xf32, #tpu.memory_space<vmem>>[vector<16xi32>], vector<16xf32>,
      %parallel_loop3A_556 = arith.constant 64 : i32
      %parallel_loop3A_557 = arith.muli %parallel_loop3A_517, %parallel_loop3A_556 : i32
      %parallel_loop3A_558 = arith.constant 48 : i32
      %parallel_loop3A_559 = arith.addi %parallel_loop3A_557, %parallel_loop3A_558 : i32
      %parallel_loop3A_560 = arith.index_cast %parallel_loop3A_559 : i32 to index
      %parallel_loop3A_561 = tpu.vector_load %arg7[%parallel_loop3A_560] {strides = array<i32>} : memref<36864xf32, #tpu.memory_space<vmem>>, vector<16xf32>,
      tpu.vector_store %arg7[%parallel_loop3A_560], %parallel_loop3A_555 {strides = array<i32>} : memref<36864xf32, #tpu.memory_space<vmem>>, vector<16xf32>,
      %parallel_loop3A_562 = arith.constant 10 : i32
      %parallel_loop3A_563 = vector.broadcast %parallel_loop3A_562 : i32 to vector<16x1xi32>
      %parallel_loop3A_564 = vector.shape_cast %parallel_loop3A_563 : vector<16x1xi32> to vector<16xi32>
      %parallel_loop3A_565 = tpu.dynamic_gather %parallel_loop3A_11[%parallel_loop3A_564] in [0] : vector<16xi32>, vector<16xi32> -> vector<16xi32>
      %parallel_loop3A_566 = arith.constant 64 : i32
      %parallel_loop3A_567 = vector.broadcast %parallel_loop3A_566 : i32 to vector<16xi32>
      %parallel_loop3A_568 = arith.muli %parallel_loop3A_565, %parallel_loop3A_567 : vector<16xi32>
      %parallel_loop3A_569 = arith.constant 16 : i32
      %parallel_loop3A_570 = arith.muli %parallel_loop3A_7, %parallel_loop3A_569 : i32
      %parallel_loop3A_571 = arith.constant 10 : i32
      %parallel_loop3A_572 = arith.addi %parallel_loop3A_570, %parallel_loop3A_571 : i32
      %parallel_loop3A_573 = arith.constant 0 : i32
      %parallel_loop3A_574 = vector.broadcast %parallel_loop3A_573 : i32 to vector<16xi32>
      %parallel_loop3A_575 = arith.addi %iota3A, %parallel_loop3A_574 : vector<16xi32>
      %parallel_loop3A_576 = arith.addi %parallel_loop3A_568, %parallel_loop3A_575 : vector<16xi32>
      %parallel_loop3A_577 = tpu.vector_load_idx %arg5[%parallel_loop3A_576] : memref<65536xf32, #tpu.memory_space<vmem>>[vector<16xi32>], vector<16xf32>,
      %parallel_loop3A_578 = arith.constant 64 : i32
      %parallel_loop3A_579 = arith.muli %parallel_loop3A_572, %parallel_loop3A_578 : i32
      %parallel_loop3A_580 = arith.constant 0 : i32
      %parallel_loop3A_581 = arith.addi %parallel_loop3A_579, %parallel_loop3A_580 : i32
      %parallel_loop3A_582 = arith.index_cast %parallel_loop3A_581 : i32 to index
      %parallel_loop3A_583 = tpu.vector_load %arg7[%parallel_loop3A_582] {strides = array<i32>} : memref<36864xf32, #tpu.memory_space<vmem>>, vector<16xf32>,
      tpu.vector_store %arg7[%parallel_loop3A_582], %parallel_loop3A_577 {strides = array<i32>} : memref<36864xf32, #tpu.memory_space<vmem>>, vector<16xf32>,
      %parallel_loop3A_584 = arith.constant 16 : i32
      %parallel_loop3A_585 = vector.broadcast %parallel_loop3A_584 : i32 to vector<16xi32>
      %parallel_loop3A_586 = arith.addi %iota3A, %parallel_loop3A_585 : vector<16xi32>
      %parallel_loop3A_587 = arith.addi %parallel_loop3A_568, %parallel_loop3A_586 : vector<16xi32>
      %parallel_loop3A_588 = tpu.vector_load_idx %arg5[%parallel_loop3A_587] : memref<65536xf32, #tpu.memory_space<vmem>>[vector<16xi32>], vector<16xf32>,
      %parallel_loop3A_589 = arith.constant 64 : i32
      %parallel_loop3A_590 = arith.muli %parallel_loop3A_572, %parallel_loop3A_589 : i32
      %parallel_loop3A_591 = arith.constant 16 : i32
      %parallel_loop3A_592 = arith.addi %parallel_loop3A_590, %parallel_loop3A_591 : i32
      %parallel_loop3A_593 = arith.index_cast %parallel_loop3A_592 : i32 to index
      %parallel_loop3A_594 = tpu.vector_load %arg7[%parallel_loop3A_593] {strides = array<i32>} : memref<36864xf32, #tpu.memory_space<vmem>>, vector<16xf32>,
      tpu.vector_store %arg7[%parallel_loop3A_593], %parallel_loop3A_588 {strides = array<i32>} : memref<36864xf32, #tpu.memory_space<vmem>>, vector<16xf32>,
      %parallel_loop3A_595 = arith.constant 32 : i32
      %parallel_loop3A_596 = vector.broadcast %parallel_loop3A_595 : i32 to vector<16xi32>
      %parallel_loop3A_597 = arith.addi %iota3A, %parallel_loop3A_596 : vector<16xi32>
      %parallel_loop3A_598 = arith.addi %parallel_loop3A_568, %parallel_loop3A_597 : vector<16xi32>
      %parallel_loop3A_599 = tpu.vector_load_idx %arg5[%parallel_loop3A_598] : memref<65536xf32, #tpu.memory_space<vmem>>[vector<16xi32>], vector<16xf32>,
      %parallel_loop3A_600 = arith.constant 64 : i32
      %parallel_loop3A_601 = arith.muli %parallel_loop3A_572, %parallel_loop3A_600 : i32
      %parallel_loop3A_602 = arith.constant 32 : i32
      %parallel_loop3A_603 = arith.addi %parallel_loop3A_601, %parallel_loop3A_602 : i32
      %parallel_loop3A_604 = arith.index_cast %parallel_loop3A_603 : i32 to index
      %parallel_loop3A_605 = tpu.vector_load %arg7[%parallel_loop3A_604] {strides = array<i32>} : memref<36864xf32, #tpu.memory_space<vmem>>, vector<16xf32>,
      tpu.vector_store %arg7[%parallel_loop3A_604], %parallel_loop3A_599 {strides = array<i32>} : memref<36864xf32, #tpu.memory_space<vmem>>, vector<16xf32>,
      %parallel_loop3A_606 = arith.constant 48 : i32
      %parallel_loop3A_607 = vector.broadcast %parallel_loop3A_606 : i32 to vector<16xi32>
      %parallel_loop3A_608 = arith.addi %iota3A, %parallel_loop3A_607 : vector<16xi32>
      %parallel_loop3A_609 = arith.addi %parallel_loop3A_568, %parallel_loop3A_608 : vector<16xi32>
      %parallel_loop3A_610 = tpu.vector_load_idx %arg5[%parallel_loop3A_609] : memref<65536xf32, #tpu.memory_space<vmem>>[vector<16xi32>], vector<16xf32>,
      %parallel_loop3A_611 = arith.constant 64 : i32
      %parallel_loop3A_612 = arith.muli %parallel_loop3A_572, %parallel_loop3A_611 : i32
      %parallel_loop3A_613 = arith.constant 48 : i32
      %parallel_loop3A_614 = arith.addi %parallel_loop3A_612, %parallel_loop3A_613 : i32
      %parallel_loop3A_615 = arith.index_cast %parallel_loop3A_614 : i32 to index
      %parallel_loop3A_616 = tpu.vector_load %arg7[%parallel_loop3A_615] {strides = array<i32>} : memref<36864xf32, #tpu.memory_space<vmem>>, vector<16xf32>,
      tpu.vector_store %arg7[%parallel_loop3A_615], %parallel_loop3A_610 {strides = array<i32>} : memref<36864xf32, #tpu.memory_space<vmem>>, vector<16xf32>,
      %parallel_loop3A_617 = arith.constant 11 : i32
      %parallel_loop3A_618 = vector.broadcast %parallel_loop3A_617 : i32 to vector<16x1xi32>
      %parallel_loop3A_619 = vector.shape_cast %parallel_loop3A_618 : vector<16x1xi32> to vector<16xi32>
      %parallel_loop3A_620 = tpu.dynamic_gather %parallel_loop3A_11[%parallel_loop3A_619] in [0] : vector<16xi32>, vector<16xi32> -> vector<16xi32>
      %parallel_loop3A_621 = arith.constant 64 : i32
      %parallel_loop3A_622 = vector.broadcast %parallel_loop3A_621 : i32 to vector<16xi32>
      %parallel_loop3A_623 = arith.muli %parallel_loop3A_620, %parallel_loop3A_622 : vector<16xi32>
      %parallel_loop3A_624 = arith.constant 16 : i32
      %parallel_loop3A_625 = arith.muli %parallel_loop3A_7, %parallel_loop3A_624 : i32
      %parallel_loop3A_626 = arith.constant 11 : i32
      %parallel_loop3A_627 = arith.addi %parallel_loop3A_625, %parallel_loop3A_626 : i32
      %parallel_loop3A_628 = arith.constant 0 : i32
      %parallel_loop3A_629 = vector.broadcast %parallel_loop3A_628 : i32 to vector<16xi32>
      %parallel_loop3A_630 = arith.addi %iota3A, %parallel_loop3A_629 : vector<16xi32>
      %parallel_loop3A_631 = arith.addi %parallel_loop3A_623, %parallel_loop3A_630 : vector<16xi32>
      %parallel_loop3A_632 = tpu.vector_load_idx %arg5[%parallel_loop3A_631] : memref<65536xf32, #tpu.memory_space<vmem>>[vector<16xi32>], vector<16xf32>,
      %parallel_loop3A_633 = arith.constant 64 : i32
      %parallel_loop3A_634 = arith.muli %parallel_loop3A_627, %parallel_loop3A_633 : i32
      %parallel_loop3A_635 = arith.constant 0 : i32
      %parallel_loop3A_636 = arith.addi %parallel_loop3A_634, %parallel_loop3A_635 : i32
      %parallel_loop3A_637 = arith.index_cast %parallel_loop3A_636 : i32 to index
      %parallel_loop3A_638 = tpu.vector_load %arg7[%parallel_loop3A_637] {strides = array<i32>} : memref<36864xf32, #tpu.memory_space<vmem>>, vector<16xf32>,
      tpu.vector_store %arg7[%parallel_loop3A_637], %parallel_loop3A_632 {strides = array<i32>} : memref<36864xf32, #tpu.memory_space<vmem>>, vector<16xf32>,
      %parallel_loop3A_639 = arith.constant 16 : i32
      %parallel_loop3A_640 = vector.broadcast %parallel_loop3A_639 : i32 to vector<16xi32>
      %parallel_loop3A_641 = arith.addi %iota3A, %parallel_loop3A_640 : vector<16xi32>
      %parallel_loop3A_642 = arith.addi %parallel_loop3A_623, %parallel_loop3A_641 : vector<16xi32>
      %parallel_loop3A_643 = tpu.vector_load_idx %arg5[%parallel_loop3A_642] : memref<65536xf32, #tpu.memory_space<vmem>>[vector<16xi32>], vector<16xf32>,
      %parallel_loop3A_644 = arith.constant 64 : i32
      %parallel_loop3A_645 = arith.muli %parallel_loop3A_627, %parallel_loop3A_644 : i32
      %parallel_loop3A_646 = arith.constant 16 : i32
      %parallel_loop3A_647 = arith.addi %parallel_loop3A_645, %parallel_loop3A_646 : i32
      %parallel_loop3A_648 = arith.index_cast %parallel_loop3A_647 : i32 to index
      %parallel_loop3A_649 = tpu.vector_load %arg7[%parallel_loop3A_648] {strides = array<i32>} : memref<36864xf32, #tpu.memory_space<vmem>>, vector<16xf32>,
      tpu.vector_store %arg7[%parallel_loop3A_648], %parallel_loop3A_643 {strides = array<i32>} : memref<36864xf32, #tpu.memory_space<vmem>>, vector<16xf32>,
      %parallel_loop3A_650 = arith.constant 32 : i32
      %parallel_loop3A_651 = vector.broadcast %parallel_loop3A_650 : i32 to vector<16xi32>
      %parallel_loop3A_652 = arith.addi %iota3A, %parallel_loop3A_651 : vector<16xi32>
      %parallel_loop3A_653 = arith.addi %parallel_loop3A_623, %parallel_loop3A_652 : vector<16xi32>
      %parallel_loop3A_654 = tpu.vector_load_idx %arg5[%parallel_loop3A_653] : memref<65536xf32, #tpu.memory_space<vmem>>[vector<16xi32>], vector<16xf32>,
      %parallel_loop3A_655 = arith.constant 64 : i32
      %parallel_loop3A_656 = arith.muli %parallel_loop3A_627, %parallel_loop3A_655 : i32
      %parallel_loop3A_657 = arith.constant 32 : i32
      %parallel_loop3A_658 = arith.addi %parallel_loop3A_656, %parallel_loop3A_657 : i32
      %parallel_loop3A_659 = arith.index_cast %parallel_loop3A_658 : i32 to index
      %parallel_loop3A_660 = tpu.vector_load %arg7[%parallel_loop3A_659] {strides = array<i32>} : memref<36864xf32, #tpu.memory_space<vmem>>, vector<16xf32>,
      tpu.vector_store %arg7[%parallel_loop3A_659], %parallel_loop3A_654 {strides = array<i32>} : memref<36864xf32, #tpu.memory_space<vmem>>, vector<16xf32>,
      %parallel_loop3A_661 = arith.constant 48 : i32
      %parallel_loop3A_662 = vector.broadcast %parallel_loop3A_661 : i32 to vector<16xi32>
      %parallel_loop3A_663 = arith.addi %iota3A, %parallel_loop3A_662 : vector<16xi32>
      %parallel_loop3A_664 = arith.addi %parallel_loop3A_623, %parallel_loop3A_663 : vector<16xi32>
      %parallel_loop3A_665 = tpu.vector_load_idx %arg5[%parallel_loop3A_664] : memref<65536xf32, #tpu.memory_space<vmem>>[vector<16xi32>], vector<16xf32>,
      %parallel_loop3A_666 = arith.constant 64 : i32
      %parallel_loop3A_667 = arith.muli %parallel_loop3A_627, %parallel_loop3A_666 : i32
      %parallel_loop3A_668 = arith.constant 48 : i32
      %parallel_loop3A_669 = arith.addi %parallel_loop3A_667, %parallel_loop3A_668 : i32
      %parallel_loop3A_670 = arith.index_cast %parallel_loop3A_669 : i32 to index
      %parallel_loop3A_671 = tpu.vector_load %arg7[%parallel_loop3A_670] {strides = array<i32>} : memref<36864xf32, #tpu.memory_space<vmem>>, vector<16xf32>,
      tpu.vector_store %arg7[%parallel_loop3A_670], %parallel_loop3A_665 {strides = array<i32>} : memref<36864xf32, #tpu.memory_space<vmem>>, vector<16xf32>,
      %parallel_loop3A_672 = arith.constant 12 : i32
      %parallel_loop3A_673 = vector.broadcast %parallel_loop3A_672 : i32 to vector<16x1xi32>
      %parallel_loop3A_674 = vector.shape_cast %parallel_loop3A_673 : vector<16x1xi32> to vector<16xi32>
      %parallel_loop3A_675 = tpu.dynamic_gather %parallel_loop3A_11[%parallel_loop3A_674] in [0] : vector<16xi32>, vector<16xi32> -> vector<16xi32>
      %parallel_loop3A_676 = arith.constant 64 : i32
      %parallel_loop3A_677 = vector.broadcast %parallel_loop3A_676 : i32 to vector<16xi32>
      %parallel_loop3A_678 = arith.muli %parallel_loop3A_675, %parallel_loop3A_677 : vector<16xi32>
      %parallel_loop3A_679 = arith.constant 16 : i32
      %parallel_loop3A_680 = arith.muli %parallel_loop3A_7, %parallel_loop3A_679 : i32
      %parallel_loop3A_681 = arith.constant 12 : i32
      %parallel_loop3A_682 = arith.addi %parallel_loop3A_680, %parallel_loop3A_681 : i32
      %parallel_loop3A_683 = arith.constant 0 : i32
      %parallel_loop3A_684 = vector.broadcast %parallel_loop3A_683 : i32 to vector<16xi32>
      %parallel_loop3A_685 = arith.addi %iota3A, %parallel_loop3A_684 : vector<16xi32>
      %parallel_loop3A_686 = arith.addi %parallel_loop3A_678, %parallel_loop3A_685 : vector<16xi32>
      %parallel_loop3A_687 = tpu.vector_load_idx %arg5[%parallel_loop3A_686] : memref<65536xf32, #tpu.memory_space<vmem>>[vector<16xi32>], vector<16xf32>,
      %parallel_loop3A_688 = arith.constant 64 : i32
      %parallel_loop3A_689 = arith.muli %parallel_loop3A_682, %parallel_loop3A_688 : i32
      %parallel_loop3A_690 = arith.constant 0 : i32
      %parallel_loop3A_691 = arith.addi %parallel_loop3A_689, %parallel_loop3A_690 : i32
      %parallel_loop3A_692 = arith.index_cast %parallel_loop3A_691 : i32 to index
      %parallel_loop3A_693 = tpu.vector_load %arg7[%parallel_loop3A_692] {strides = array<i32>} : memref<36864xf32, #tpu.memory_space<vmem>>, vector<16xf32>,
      tpu.vector_store %arg7[%parallel_loop3A_692], %parallel_loop3A_687 {strides = array<i32>} : memref<36864xf32, #tpu.memory_space<vmem>>, vector<16xf32>,
      %parallel_loop3A_694 = arith.constant 16 : i32
      %parallel_loop3A_695 = vector.broadcast %parallel_loop3A_694 : i32 to vector<16xi32>
      %parallel_loop3A_696 = arith.addi %iota3A, %parallel_loop3A_695 : vector<16xi32>
      %parallel_loop3A_697 = arith.addi %parallel_loop3A_678, %parallel_loop3A_696 : vector<16xi32>
      %parallel_loop3A_698 = tpu.vector_load_idx %arg5[%parallel_loop3A_697] : memref<65536xf32, #tpu.memory_space<vmem>>[vector<16xi32>], vector<16xf32>,
      %parallel_loop3A_699 = arith.constant 64 : i32
      %parallel_loop3A_700 = arith.muli %parallel_loop3A_682, %parallel_loop3A_699 : i32
      %parallel_loop3A_701 = arith.constant 16 : i32
      %parallel_loop3A_702 = arith.addi %parallel_loop3A_700, %parallel_loop3A_701 : i32
      %parallel_loop3A_703 = arith.index_cast %parallel_loop3A_702 : i32 to index
      %parallel_loop3A_704 = tpu.vector_load %arg7[%parallel_loop3A_703] {strides = array<i32>} : memref<36864xf32, #tpu.memory_space<vmem>>, vector<16xf32>,
      tpu.vector_store %arg7[%parallel_loop3A_703], %parallel_loop3A_698 {strides = array<i32>} : memref<36864xf32, #tpu.memory_space<vmem>>, vector<16xf32>,
      %parallel_loop3A_705 = arith.constant 32 : i32
      %parallel_loop3A_706 = vector.broadcast %parallel_loop3A_705 : i32 to vector<16xi32>
      %parallel_loop3A_707 = arith.addi %iota3A, %parallel_loop3A_706 : vector<16xi32>
      %parallel_loop3A_708 = arith.addi %parallel_loop3A_678, %parallel_loop3A_707 : vector<16xi32>
      %parallel_loop3A_709 = tpu.vector_load_idx %arg5[%parallel_loop3A_708] : memref<65536xf32, #tpu.memory_space<vmem>>[vector<16xi32>], vector<16xf32>,
      %parallel_loop3A_710 = arith.constant 64 : i32
      %parallel_loop3A_711 = arith.muli %parallel_loop3A_682, %parallel_loop3A_710 : i32
      %parallel_loop3A_712 = arith.constant 32 : i32
      %parallel_loop3A_713 = arith.addi %parallel_loop3A_711, %parallel_loop3A_712 : i32
      %parallel_loop3A_714 = arith.index_cast %parallel_loop3A_713 : i32 to index
      %parallel_loop3A_715 = tpu.vector_load %arg7[%parallel_loop3A_714] {strides = array<i32>} : memref<36864xf32, #tpu.memory_space<vmem>>, vector<16xf32>,
      tpu.vector_store %arg7[%parallel_loop3A_714], %parallel_loop3A_709 {strides = array<i32>} : memref<36864xf32, #tpu.memory_space<vmem>>, vector<16xf32>,
      %parallel_loop3A_716 = arith.constant 48 : i32
      %parallel_loop3A_717 = vector.broadcast %parallel_loop3A_716 : i32 to vector<16xi32>
      %parallel_loop3A_718 = arith.addi %iota3A, %parallel_loop3A_717 : vector<16xi32>
      %parallel_loop3A_719 = arith.addi %parallel_loop3A_678, %parallel_loop3A_718 : vector<16xi32>
      %parallel_loop3A_720 = tpu.vector_load_idx %arg5[%parallel_loop3A_719] : memref<65536xf32, #tpu.memory_space<vmem>>[vector<16xi32>], vector<16xf32>,
      %parallel_loop3A_721 = arith.constant 64 : i32
      %parallel_loop3A_722 = arith.muli %parallel_loop3A_682, %parallel_loop3A_721 : i32
      %parallel_loop3A_723 = arith.constant 48 : i32
      %parallel_loop3A_724 = arith.addi %parallel_loop3A_722, %parallel_loop3A_723 : i32
      %parallel_loop3A_725 = arith.index_cast %parallel_loop3A_724 : i32 to index
      %parallel_loop3A_726 = tpu.vector_load %arg7[%parallel_loop3A_725] {strides = array<i32>} : memref<36864xf32, #tpu.memory_space<vmem>>, vector<16xf32>,
      tpu.vector_store %arg7[%parallel_loop3A_725], %parallel_loop3A_720 {strides = array<i32>} : memref<36864xf32, #tpu.memory_space<vmem>>, vector<16xf32>,
      %parallel_loop3A_727 = arith.constant 13 : i32
      %parallel_loop3A_728 = vector.broadcast %parallel_loop3A_727 : i32 to vector<16x1xi32>
      %parallel_loop3A_729 = vector.shape_cast %parallel_loop3A_728 : vector<16x1xi32> to vector<16xi32>
      %parallel_loop3A_730 = tpu.dynamic_gather %parallel_loop3A_11[%parallel_loop3A_729] in [0] : vector<16xi32>, vector<16xi32> -> vector<16xi32>
      %parallel_loop3A_731 = arith.constant 64 : i32
      %parallel_loop3A_732 = vector.broadcast %parallel_loop3A_731 : i32 to vector<16xi32>
      %parallel_loop3A_733 = arith.muli %parallel_loop3A_730, %parallel_loop3A_732 : vector<16xi32>
      %parallel_loop3A_734 = arith.constant 16 : i32
      %parallel_loop3A_735 = arith.muli %parallel_loop3A_7, %parallel_loop3A_734 : i32
      %parallel_loop3A_736 = arith.constant 13 : i32
      %parallel_loop3A_737 = arith.addi %parallel_loop3A_735, %parallel_loop3A_736 : i32
      %parallel_loop3A_738 = arith.constant 0 : i32
      %parallel_loop3A_739 = vector.broadcast %parallel_loop3A_738 : i32 to vector<16xi32>
      %parallel_loop3A_740 = arith.addi %iota3A, %parallel_loop3A_739 : vector<16xi32>
      %parallel_loop3A_741 = arith.addi %parallel_loop3A_733, %parallel_loop3A_740 : vector<16xi32>
      %parallel_loop3A_742 = tpu.vector_load_idx %arg5[%parallel_loop3A_741] : memref<65536xf32, #tpu.memory_space<vmem>>[vector<16xi32>], vector<16xf32>,
      %parallel_loop3A_743 = arith.constant 64 : i32
      %parallel_loop3A_744 = arith.muli %parallel_loop3A_737, %parallel_loop3A_743 : i32
      %parallel_loop3A_745 = arith.constant 0 : i32
      %parallel_loop3A_746 = arith.addi %parallel_loop3A_744, %parallel_loop3A_745 : i32
      %parallel_loop3A_747 = arith.index_cast %parallel_loop3A_746 : i32 to index
      %parallel_loop3A_748 = tpu.vector_load %arg7[%parallel_loop3A_747] {strides = array<i32>} : memref<36864xf32, #tpu.memory_space<vmem>>, vector<16xf32>,
      tpu.vector_store %arg7[%parallel_loop3A_747], %parallel_loop3A_742 {strides = array<i32>} : memref<36864xf32, #tpu.memory_space<vmem>>, vector<16xf32>,
      %parallel_loop3A_749 = arith.constant 16 : i32
      %parallel_loop3A_750 = vector.broadcast %parallel_loop3A_749 : i32 to vector<16xi32>
      %parallel_loop3A_751 = arith.addi %iota3A, %parallel_loop3A_750 : vector<16xi32>
      %parallel_loop3A_752 = arith.addi %parallel_loop3A_733, %parallel_loop3A_751 : vector<16xi32>
      %parallel_loop3A_753 = tpu.vector_load_idx %arg5[%parallel_loop3A_752] : memref<65536xf32, #tpu.memory_space<vmem>>[vector<16xi32>], vector<16xf32>,
      %parallel_loop3A_754 = arith.constant 64 : i32
      %parallel_loop3A_755 = arith.muli %parallel_loop3A_737, %parallel_loop3A_754 : i32
      %parallel_loop3A_756 = arith.constant 16 : i32
      %parallel_loop3A_757 = arith.addi %parallel_loop3A_755, %parallel_loop3A_756 : i32
      %parallel_loop3A_758 = arith.index_cast %parallel_loop3A_757 : i32 to index
      %parallel_loop3A_759 = tpu.vector_load %arg7[%parallel_loop3A_758] {strides = array<i32>} : memref<36864xf32, #tpu.memory_space<vmem>>, vector<16xf32>,
      tpu.vector_store %arg7[%parallel_loop3A_758], %parallel_loop3A_753 {strides = array<i32>} : memref<36864xf32, #tpu.memory_space<vmem>>, vector<16xf32>,
      %parallel_loop3A_760 = arith.constant 32 : i32
      %parallel_loop3A_761 = vector.broadcast %parallel_loop3A_760 : i32 to vector<16xi32>
      %parallel_loop3A_762 = arith.addi %iota3A, %parallel_loop3A_761 : vector<16xi32>
      %parallel_loop3A_763 = arith.addi %parallel_loop3A_733, %parallel_loop3A_762 : vector<16xi32>
      %parallel_loop3A_764 = tpu.vector_load_idx %arg5[%parallel_loop3A_763] : memref<65536xf32, #tpu.memory_space<vmem>>[vector<16xi32>], vector<16xf32>,
      %parallel_loop3A_765 = arith.constant 64 : i32
      %parallel_loop3A_766 = arith.muli %parallel_loop3A_737, %parallel_loop3A_765 : i32
      %parallel_loop3A_767 = arith.constant 32 : i32
      %parallel_loop3A_768 = arith.addi %parallel_loop3A_766, %parallel_loop3A_767 : i32
      %parallel_loop3A_769 = arith.index_cast %parallel_loop3A_768 : i32 to index
      %parallel_loop3A_770 = tpu.vector_load %arg7[%parallel_loop3A_769] {strides = array<i32>} : memref<36864xf32, #tpu.memory_space<vmem>>, vector<16xf32>,
      tpu.vector_store %arg7[%parallel_loop3A_769], %parallel_loop3A_764 {strides = array<i32>} : memref<36864xf32, #tpu.memory_space<vmem>>, vector<16xf32>,
      %parallel_loop3A_771 = arith.constant 48 : i32
      %parallel_loop3A_772 = vector.broadcast %parallel_loop3A_771 : i32 to vector<16xi32>
      %parallel_loop3A_773 = arith.addi %iota3A, %parallel_loop3A_772 : vector<16xi32>
      %parallel_loop3A_774 = arith.addi %parallel_loop3A_733, %parallel_loop3A_773 : vector<16xi32>
      %parallel_loop3A_775 = tpu.vector_load_idx %arg5[%parallel_loop3A_774] : memref<65536xf32, #tpu.memory_space<vmem>>[vector<16xi32>], vector<16xf32>,
      %parallel_loop3A_776 = arith.constant 64 : i32
      %parallel_loop3A_777 = arith.muli %parallel_loop3A_737, %parallel_loop3A_776 : i32
      %parallel_loop3A_778 = arith.constant 48 : i32
      %parallel_loop3A_779 = arith.addi %parallel_loop3A_777, %parallel_loop3A_778 : i32
      %parallel_loop3A_780 = arith.index_cast %parallel_loop3A_779 : i32 to index
      %parallel_loop3A_781 = tpu.vector_load %arg7[%parallel_loop3A_780] {strides = array<i32>} : memref<36864xf32, #tpu.memory_space<vmem>>, vector<16xf32>,
      tpu.vector_store %arg7[%parallel_loop3A_780], %parallel_loop3A_775 {strides = array<i32>} : memref<36864xf32, #tpu.memory_space<vmem>>, vector<16xf32>,
      %parallel_loop3A_782 = arith.constant 14 : i32
      %parallel_loop3A_783 = vector.broadcast %parallel_loop3A_782 : i32 to vector<16x1xi32>
      %parallel_loop3A_784 = vector.shape_cast %parallel_loop3A_783 : vector<16x1xi32> to vector<16xi32>
      %parallel_loop3A_785 = tpu.dynamic_gather %parallel_loop3A_11[%parallel_loop3A_784] in [0] : vector<16xi32>, vector<16xi32> -> vector<16xi32>
      %parallel_loop3A_786 = arith.constant 64 : i32
      %parallel_loop3A_787 = vector.broadcast %parallel_loop3A_786 : i32 to vector<16xi32>
      %parallel_loop3A_788 = arith.muli %parallel_loop3A_785, %parallel_loop3A_787 : vector<16xi32>
      %parallel_loop3A_789 = arith.constant 16 : i32
      %parallel_loop3A_790 = arith.muli %parallel_loop3A_7, %parallel_loop3A_789 : i32
      %parallel_loop3A_791 = arith.constant 14 : i32
      %parallel_loop3A_792 = arith.addi %parallel_loop3A_790, %parallel_loop3A_791 : i32
      %parallel_loop3A_793 = arith.constant 0 : i32
      %parallel_loop3A_794 = vector.broadcast %parallel_loop3A_793 : i32 to vector<16xi32>
      %parallel_loop3A_795 = arith.addi %iota3A, %parallel_loop3A_794 : vector<16xi32>
      %parallel_loop3A_796 = arith.addi %parallel_loop3A_788, %parallel_loop3A_795 : vector<16xi32>
      %parallel_loop3A_797 = tpu.vector_load_idx %arg5[%parallel_loop3A_796] : memref<65536xf32, #tpu.memory_space<vmem>>[vector<16xi32>], vector<16xf32>,
      %parallel_loop3A_798 = arith.constant 64 : i32
      %parallel_loop3A_799 = arith.muli %parallel_loop3A_792, %parallel_loop3A_798 : i32
      %parallel_loop3A_800 = arith.constant 0 : i32
      %parallel_loop3A_801 = arith.addi %parallel_loop3A_799, %parallel_loop3A_800 : i32
      %parallel_loop3A_802 = arith.index_cast %parallel_loop3A_801 : i32 to index
      %parallel_loop3A_803 = tpu.vector_load %arg7[%parallel_loop3A_802] {strides = array<i32>} : memref<36864xf32, #tpu.memory_space<vmem>>, vector<16xf32>,
      tpu.vector_store %arg7[%parallel_loop3A_802], %parallel_loop3A_797 {strides = array<i32>} : memref<36864xf32, #tpu.memory_space<vmem>>, vector<16xf32>,
      %parallel_loop3A_804 = arith.constant 16 : i32
      %parallel_loop3A_805 = vector.broadcast %parallel_loop3A_804 : i32 to vector<16xi32>
      %parallel_loop3A_806 = arith.addi %iota3A, %parallel_loop3A_805 : vector<16xi32>
      %parallel_loop3A_807 = arith.addi %parallel_loop3A_788, %parallel_loop3A_806 : vector<16xi32>
      %parallel_loop3A_808 = tpu.vector_load_idx %arg5[%parallel_loop3A_807] : memref<65536xf32, #tpu.memory_space<vmem>>[vector<16xi32>], vector<16xf32>,
      %parallel_loop3A_809 = arith.constant 64 : i32
      %parallel_loop3A_810 = arith.muli %parallel_loop3A_792, %parallel_loop3A_809 : i32
      %parallel_loop3A_811 = arith.constant 16 : i32
      %parallel_loop3A_812 = arith.addi %parallel_loop3A_810, %parallel_loop3A_811 : i32
      %parallel_loop3A_813 = arith.index_cast %parallel_loop3A_812 : i32 to index
      %parallel_loop3A_814 = tpu.vector_load %arg7[%parallel_loop3A_813] {strides = array<i32>} : memref<36864xf32, #tpu.memory_space<vmem>>, vector<16xf32>,
      tpu.vector_store %arg7[%parallel_loop3A_813], %parallel_loop3A_808 {strides = array<i32>} : memref<36864xf32, #tpu.memory_space<vmem>>, vector<16xf32>,
      %parallel_loop3A_815 = arith.constant 32 : i32
      %parallel_loop3A_816 = vector.broadcast %parallel_loop3A_815 : i32 to vector<16xi32>
      %parallel_loop3A_817 = arith.addi %iota3A, %parallel_loop3A_816 : vector<16xi32>
      %parallel_loop3A_818 = arith.addi %parallel_loop3A_788, %parallel_loop3A_817 : vector<16xi32>
      %parallel_loop3A_819 = tpu.vector_load_idx %arg5[%parallel_loop3A_818] : memref<65536xf32, #tpu.memory_space<vmem>>[vector<16xi32>], vector<16xf32>,
      %parallel_loop3A_820 = arith.constant 64 : i32
      %parallel_loop3A_821 = arith.muli %parallel_loop3A_792, %parallel_loop3A_820 : i32
      %parallel_loop3A_822 = arith.constant 32 : i32
      %parallel_loop3A_823 = arith.addi %parallel_loop3A_821, %parallel_loop3A_822 : i32
      %parallel_loop3A_824 = arith.index_cast %parallel_loop3A_823 : i32 to index
      %parallel_loop3A_825 = tpu.vector_load %arg7[%parallel_loop3A_824] {strides = array<i32>} : memref<36864xf32, #tpu.memory_space<vmem>>, vector<16xf32>,
      tpu.vector_store %arg7[%parallel_loop3A_824], %parallel_loop3A_819 {strides = array<i32>} : memref<36864xf32, #tpu.memory_space<vmem>>, vector<16xf32>,
      %parallel_loop3A_826 = arith.constant 48 : i32
      %parallel_loop3A_827 = vector.broadcast %parallel_loop3A_826 : i32 to vector<16xi32>
      %parallel_loop3A_828 = arith.addi %iota3A, %parallel_loop3A_827 : vector<16xi32>
      %parallel_loop3A_829 = arith.addi %parallel_loop3A_788, %parallel_loop3A_828 : vector<16xi32>
      %parallel_loop3A_830 = tpu.vector_load_idx %arg5[%parallel_loop3A_829] : memref<65536xf32, #tpu.memory_space<vmem>>[vector<16xi32>], vector<16xf32>,
      %parallel_loop3A_831 = arith.constant 64 : i32
      %parallel_loop3A_832 = arith.muli %parallel_loop3A_792, %parallel_loop3A_831 : i32
      %parallel_loop3A_833 = arith.constant 48 : i32
      %parallel_loop3A_834 = arith.addi %parallel_loop3A_832, %parallel_loop3A_833 : i32
      %parallel_loop3A_835 = arith.index_cast %parallel_loop3A_834 : i32 to index
      %parallel_loop3A_836 = tpu.vector_load %arg7[%parallel_loop3A_835] {strides = array<i32>} : memref<36864xf32, #tpu.memory_space<vmem>>, vector<16xf32>,
      tpu.vector_store %arg7[%parallel_loop3A_835], %parallel_loop3A_830 {strides = array<i32>} : memref<36864xf32, #tpu.memory_space<vmem>>, vector<16xf32>,
      %parallel_loop3A_837 = arith.constant 15 : i32
      %parallel_loop3A_838 = vector.broadcast %parallel_loop3A_837 : i32 to vector<16x1xi32>
      %parallel_loop3A_839 = vector.shape_cast %parallel_loop3A_838 : vector<16x1xi32> to vector<16xi32>
      %parallel_loop3A_840 = tpu.dynamic_gather %parallel_loop3A_11[%parallel_loop3A_839] in [0] : vector<16xi32>, vector<16xi32> -> vector<16xi32>
      %parallel_loop3A_841 = arith.constant 64 : i32
      %parallel_loop3A_842 = vector.broadcast %parallel_loop3A_841 : i32 to vector<16xi32>
      %parallel_loop3A_843 = arith.muli %parallel_loop3A_840, %parallel_loop3A_842 : vector<16xi32>
      %parallel_loop3A_844 = arith.constant 16 : i32
      %parallel_loop3A_845 = arith.muli %parallel_loop3A_7, %parallel_loop3A_844 : i32
      %parallel_loop3A_846 = arith.constant 15 : i32
      %parallel_loop3A_847 = arith.addi %parallel_loop3A_845, %parallel_loop3A_846 : i32
      %parallel_loop3A_848 = arith.constant 0 : i32
      %parallel_loop3A_849 = vector.broadcast %parallel_loop3A_848 : i32 to vector<16xi32>
      %parallel_loop3A_850 = arith.addi %iota3A, %parallel_loop3A_849 : vector<16xi32>
      %parallel_loop3A_851 = arith.addi %parallel_loop3A_843, %parallel_loop3A_850 : vector<16xi32>
      %parallel_loop3A_852 = tpu.vector_load_idx %arg5[%parallel_loop3A_851] : memref<65536xf32, #tpu.memory_space<vmem>>[vector<16xi32>], vector<16xf32>,
      %parallel_loop3A_853 = arith.constant 64 : i32
      %parallel_loop3A_854 = arith.muli %parallel_loop3A_847, %parallel_loop3A_853 : i32
      %parallel_loop3A_855 = arith.constant 0 : i32
      %parallel_loop3A_856 = arith.addi %parallel_loop3A_854, %parallel_loop3A_855 : i32
      %parallel_loop3A_857 = arith.index_cast %parallel_loop3A_856 : i32 to index
      %parallel_loop3A_858 = tpu.vector_load %arg7[%parallel_loop3A_857] {strides = array<i32>} : memref<36864xf32, #tpu.memory_space<vmem>>, vector<16xf32>,
      tpu.vector_store %arg7[%parallel_loop3A_857], %parallel_loop3A_852 {strides = array<i32>} : memref<36864xf32, #tpu.memory_space<vmem>>, vector<16xf32>,
      %parallel_loop3A_859 = arith.constant 16 : i32
      %parallel_loop3A_860 = vector.broadcast %parallel_loop3A_859 : i32 to vector<16xi32>
      %parallel_loop3A_861 = arith.addi %iota3A, %parallel_loop3A_860 : vector<16xi32>
      %parallel_loop3A_862 = arith.addi %parallel_loop3A_843, %parallel_loop3A_861 : vector<16xi32>
      %parallel_loop3A_863 = tpu.vector_load_idx %arg5[%parallel_loop3A_862] : memref<65536xf32, #tpu.memory_space<vmem>>[vector<16xi32>], vector<16xf32>,
      %parallel_loop3A_864 = arith.constant 64 : i32
      %parallel_loop3A_865 = arith.muli %parallel_loop3A_847, %parallel_loop3A_864 : i32
      %parallel_loop3A_866 = arith.constant 16 : i32
      %parallel_loop3A_867 = arith.addi %parallel_loop3A_865, %parallel_loop3A_866 : i32
      %parallel_loop3A_868 = arith.index_cast %parallel_loop3A_867 : i32 to index
      %parallel_loop3A_869 = tpu.vector_load %arg7[%parallel_loop3A_868] {strides = array<i32>} : memref<36864xf32, #tpu.memory_space<vmem>>, vector<16xf32>,
      tpu.vector_store %arg7[%parallel_loop3A_868], %parallel_loop3A_863 {strides = array<i32>} : memref<36864xf32, #tpu.memory_space<vmem>>, vector<16xf32>,
      %parallel_loop3A_870 = arith.constant 32 : i32
      %parallel_loop3A_871 = vector.broadcast %parallel_loop3A_870 : i32 to vector<16xi32>
      %parallel_loop3A_872 = arith.addi %iota3A, %parallel_loop3A_871 : vector<16xi32>
      %parallel_loop3A_873 = arith.addi %parallel_loop3A_843, %parallel_loop3A_872 : vector<16xi32>
      %parallel_loop3A_874 = tpu.vector_load_idx %arg5[%parallel_loop3A_873] : memref<65536xf32, #tpu.memory_space<vmem>>[vector<16xi32>], vector<16xf32>,
      %parallel_loop3A_875 = arith.constant 64 : i32
      %parallel_loop3A_876 = arith.muli %parallel_loop3A_847, %parallel_loop3A_875 : i32
      %parallel_loop3A_877 = arith.constant 32 : i32
      %parallel_loop3A_878 = arith.addi %parallel_loop3A_876, %parallel_loop3A_877 : i32
      %parallel_loop3A_879 = arith.index_cast %parallel_loop3A_878 : i32 to index
      %parallel_loop3A_880 = tpu.vector_load %arg7[%parallel_loop3A_879] {strides = array<i32>} : memref<36864xf32, #tpu.memory_space<vmem>>, vector<16xf32>,
      tpu.vector_store %arg7[%parallel_loop3A_879], %parallel_loop3A_874 {strides = array<i32>} : memref<36864xf32, #tpu.memory_space<vmem>>, vector<16xf32>,
      %parallel_loop3A_881 = arith.constant 48 : i32
      %parallel_loop3A_882 = vector.broadcast %parallel_loop3A_881 : i32 to vector<16xi32>
      %parallel_loop3A_883 = arith.addi %iota3A, %parallel_loop3A_882 : vector<16xi32>
      %parallel_loop3A_884 = arith.addi %parallel_loop3A_843, %parallel_loop3A_883 : vector<16xi32>
      %parallel_loop3A_885 = tpu.vector_load_idx %arg5[%parallel_loop3A_884] : memref<65536xf32, #tpu.memory_space<vmem>>[vector<16xi32>], vector<16xf32>,
      %parallel_loop3A_886 = arith.constant 64 : i32
      %parallel_loop3A_887 = arith.muli %parallel_loop3A_847, %parallel_loop3A_886 : i32
      %parallel_loop3A_888 = arith.constant 48 : i32
      %parallel_loop3A_889 = arith.addi %parallel_loop3A_887, %parallel_loop3A_888 : i32
      %parallel_loop3A_890 = arith.index_cast %parallel_loop3A_889 : i32 to index
      %parallel_loop3A_891 = tpu.vector_load %arg7[%parallel_loop3A_890] {strides = array<i32>} : memref<36864xf32, #tpu.memory_space<vmem>>, vector<16xf32>,
      tpu.vector_store %arg7[%parallel_loop3A_890], %parallel_loop3A_885 {strides = array<i32>} : memref<36864xf32, #tpu.memory_space<vmem>>, vector<16xf32>,
    } {sc.loop_unroll_factor = 2 : i64, sc.parallel_access}
    %mul3A_5 = arith.constant 64 : i32
    %mul3A_6 = arith.muli %mul3A_2, %mul3A_5 : i32
    "tpu.region"() ({
      %run_scoped3A = tpu.sem_alloc : memref<!tpu.dma_semaphore, #tpu.memory_space<semaphore_mem>>
      %dma_start3A = tpu.memref_slice %arg4[%mul3A_6] : memref<1179648xf32, #tpu.memory_space<hbm>> -> memref<36864xf32, #tpu.memory_space<hbm>>
      %dma_start3A_7 = tpu.memref_slice %arg4[%mul3A_6] : memref<1179648xf32, #tpu.memory_space<hbm>> -> memref<36864xf32, #tpu.memory_space<hbm>>
      tpu.enqueue_dma source(%arg7 : memref<36864xf32, #tpu.memory_space<vmem>>) target(%dma_start3A_7 : memref<36864xf32, #tpu.memory_space<hbm>>) target_semaphore(%run_scoped3A : memref<!tpu.dma_semaphore, #tpu.memory_space<semaphore_mem>>)
      %dma_wait3A = tpu.memref_slice %arg4[%mul3A_6] : memref<1179648xf32, #tpu.memory_space<hbm>> -> memref<36864xf32, #tpu.memory_space<hbm>>
      %dma_wait3A_8 = tpu.memref_slice %arg4[%mul3A_6] : memref<1179648xf32, #tpu.memory_space<hbm>> -> memref<36864xf32, #tpu.memory_space<hbm>>
      tpu.wait_dma2 semaphore(%run_scoped3A : memref<!tpu.dma_semaphore, #tpu.memory_space<semaphore_mem>>) src(%arg7 : memref<36864xf32, #tpu.memory_space<vmem>>) dst(%dma_wait3A_8 : memref<36864xf32, #tpu.memory_space<hbm>>)
      tpu.yield
    }) : () -> ()
    return
  }
}

module attributes {stable_mosaic.version = 14 : i64} {
  func.func @_vq_tc_body(%arg0: i32, %arg1: memref<3072x768xf32, #tpu.memory_space<vmem>>, %arg2: memref<64x768xf32, #tpu.memory_space<vmem>>, %arg3: memref<1x64xf32, #tpu.memory_space<vmem>>, %arg4: memref<1024x64xf32, #tpu.memory_space<vmem>>, %arg5: memref<3072x64xf32, #tpu.memory_space<vmem>>, %arg6: memref<1x3072xi32, #tpu.memory_space<vmem>>, %arg7: memref<1x1xf32, #tpu.memory_space<vmem>>, %arg8: memref<1024x1xf32, #tpu.memory_space<vmem>>) attributes {dimension_semantics = [#tpu.dimension_semantics<arbitrary>], iteration_bounds = array<i64: 6>, scalar_prefetch = 0 : i64, scratch_operands = 1 : i64, tpu.core_type = #tpu.core_type<tc>, window_params = [{transform_indices = @transform_0, window_bounds = array<i64: 3072, 768>}, {pipeline_mode = #tpu.pipeline_mode<synchronous>, transform_indices = @transform_1, window_bounds = array<i64: 64, 768>}, {pipeline_mode = #tpu.pipeline_mode<synchronous>, transform_indices = @transform_2, window_bounds = array<i64: 1, 64>}, {pipeline_mode = #tpu.pipeline_mode<synchronous>, transform_indices = @transform_3, window_bounds = array<i64: 1024, 64>}, {transform_indices = @transform_4, window_bounds = array<i64: 3072, 64>}, {transform_indices = @transform_5, window_bounds = array<i64: 1, 3072>}, {pipeline_mode = #tpu.pipeline_mode<synchronous>, transform_indices = @transform_6, window_bounds = array<i64: 1, 1>}]} {
    %eq3A = arith.constant 0 : i32
    %eq3A_0 = arith.cmpi eq, %arg0, %eq3A : i32
    %convert_element_type3A = arith.extui %eq3A_0 : i1 to i32
    %cond3A = arith.constant 0 : i32
    %cond3A_1 = arith.cmpi ne, %convert_element_type3A, %cond3A : i32
    scf.if %cond3A_1 {
      %get3A_71 = arith.constant 0 : index
      %get3A_72 = arith.constant 0 : index
      %get3A_73 = vector.load %arg4[%get3A_71, %get3A_72] : memref<1024x64xf32, #tpu.memory_space<vmem>>, vector<1024x64xf32>
      %mul3A_74 = arith.mulf %get3A_73, %get3A_73 : vector<1024x64xf32>
      %reduce_sum3A_75 = arith.constant dense<0.000000e+00> : vector<1024xf32>
      %reduce_sum3A_76 = vector.multi_reduction <add>, %mul3A_74, %reduce_sum3A_75 [1] : vector<1024x64xf32> to vector<1024xf32>
      %broadcast_in_dim3A_77 = vector.shape_cast %reduce_sum3A_76 : vector<1024xf32> to vector<1024x1xf32>
      %mul3A_78 = arith.constant 5.000000e-01 : f32
      %mul3A_79 = vector.broadcast %mul3A_78 : f32 to vector<1024x1xf32>
      %mul3A_80 = arith.mulf %mul3A_79, %broadcast_in_dim3A_77 : vector<1024x1xf32>
      %swap3A_81 = arith.constant 0 : index
      %swap3A_82 = arith.constant 0 : index
      %swap3A_83 = vector.load %arg8[%swap3A_81, %swap3A_82] : memref<1024x1xf32, #tpu.memory_space<vmem>>, vector<1024x1xf32>
      tpu.vector_store %arg8[%swap3A_81, %swap3A_82], %mul3A_80 {strides = array<i32>} : memref<1024x1xf32, #tpu.memory_space<vmem>>, vector<1024x1xf32>,
      %broadcast_in_dim3A_84 = arith.constant 0.000000e+00 : f32
      %broadcast_in_dim3A_85 = vector.broadcast %broadcast_in_dim3A_84 : f32 to vector<1x1xf32>
      %swap3A_86 = arith.constant 0 : index
      %swap3A_87 = arith.constant 0 : index
      %swap3A_88 = vector.load %arg7[%swap3A_86, %swap3A_87] : memref<1x1xf32, #tpu.memory_space<vmem>>, vector<1x1xf32>
      tpu.vector_store %arg7[%swap3A_86, %swap3A_87], %broadcast_in_dim3A_85 {strides = array<i32>} : memref<1x1xf32, #tpu.memory_space<vmem>>, vector<1x1xf32>,
    } else {
    }
    %get3A = arith.constant 0 : index
    %get3A_2 = arith.constant 0 : index
    %get3A_3 = vector.load %arg1[%get3A, %get3A_2] : memref<3072x768xf32, #tpu.memory_space<vmem>>, vector<3072x768xf32>
    %get3A_4 = arith.constant 0 : index
    %get3A_5 = arith.constant 0 : index
    %get3A_6 = vector.load %arg2[%get3A_4, %get3A_5] : memref<64x768xf32, #tpu.memory_space<vmem>>, vector<64x768xf32>
    %dot_general3A = arith.constant dense<0.000000e+00> : vector<3072x64xf32>
    %dot_general3A_7 = tpu.matmul %get3A_3, %get3A_6, %dot_general3A {dimension_numbers = #tpu.dot_dimension_numbers<[1], [1], [0], [0], [0, 0, 1, 0], [], []>, transpose_lhs_hint = false} : vector<3072x768xf32>, vector<64x768xf32>, vector<3072x64xf32> -> vector<3072x64xf32>
    %get3A_8 = arith.constant 0 : index
    %get3A_9 = arith.constant 0 : index
    %get3A_10 = vector.load %arg3[%get3A_8, %get3A_9] : memref<1x64xf32, #tpu.memory_space<vmem>>, vector<1x64xf32>
    %add3A = vector.broadcast %get3A_10 : vector<1x64xf32> to vector<3072x64xf32>
    %add3A_11 = arith.addf %dot_general3A_7, %add3A : vector<3072x64xf32>
    %get3A_12 = arith.constant 0 : index
    %get3A_13 = arith.constant 0 : index
    %get3A_14 = vector.load %arg4[%get3A_12, %get3A_13] : memref<1024x64xf32, #tpu.memory_space<vmem>>, vector<512x64xf32>
    %dot_general3A_15 = arith.constant dense<0.000000e+00> : vector<512x3072xf32>
    %dot_general3A_16 = tpu.matmul %get3A_14, %add3A_11, %dot_general3A_15 {dimension_numbers = #tpu.dot_dimension_numbers<[1], [1], [0], [0], [0, 0, 1, 0], [], []>, transpose_lhs_hint = false} : vector<512x64xf32>, vector<3072x64xf32>, vector<512x3072xf32> -> vector<512x3072xf32>
    %get3A_17 = arith.constant 0 : index
    %get3A_18 = arith.constant 0 : index
    %get3A_19 = vector.load %arg8[%get3A_17, %get3A_18] : memref<1024x1xf32, #tpu.memory_space<vmem>>, vector<512x1xf32>
    %sub3A = vector.broadcast %get3A_19 : vector<512x1xf32> to vector<512x3072xf32>
    %sub3A_20 = arith.subf %dot_general3A_16, %sub3A : vector<512x3072xf32>
    %reduce_max3A = arith.constant dense<0xFF800000> : vector<3072xf32>
    %reduce_max3A_21 = vector.multi_reduction <maximumf>, %sub3A_20, %reduce_max3A [0] : vector<512x3072xf32> to vector<3072xf32>
    %broadcast_in_dim3A = vector.shape_cast %reduce_max3A_21 : vector<3072xf32> to vector<1x3072xf32>
    %argmax3A = tpu.reduce_index %sub3A_20 {axis = 0 : i32, kind = #tpu.reduction_kind<arg_max>} : vector<512x3072xf32> -> vector<3072xi32>
    %reshape3A = vector.shape_cast %argmax3A : vector<3072xi32> to vector<1x3072xi32>
    %add3A_22 = arith.constant 0 : i32
    %add3A_23 = vector.broadcast %add3A_22 : i32 to vector<1x3072xi32>
    %add3A_24 = arith.addi %reshape3A, %add3A_23 : vector<1x3072xi32>
    %get3A_25 = arith.constant 512 : index
    %get3A_26 = arith.constant 0 : index
    %get3A_27 = vector.load %arg4[%get3A_25, %get3A_26] : memref<1024x64xf32, #tpu.memory_space<vmem>>, vector<512x64xf32>
    %dot_general3A_28 = arith.constant dense<0.000000e+00> : vector<512x3072xf32>
    %dot_general3A_29 = tpu.matmul %get3A_27, %add3A_11, %dot_general3A_28 {dimension_numbers = #tpu.dot_dimension_numbers<[1], [1], [0], [0], [0, 0, 1, 0], [], []>, transpose_lhs_hint = false} : vector<512x64xf32>, vector<3072x64xf32>, vector<512x3072xf32> -> vector<512x3072xf32>
    %get3A_30 = arith.constant 512 : index
    %get3A_31 = arith.constant 0 : index
    %get3A_32 = vector.load %arg8[%get3A_30, %get3A_31] : memref<1024x1xf32, #tpu.memory_space<vmem>>, vector<512x1xf32>
    %sub3A_33 = vector.broadcast %get3A_32 : vector<512x1xf32> to vector<512x3072xf32>
    %sub3A_34 = arith.subf %dot_general3A_29, %sub3A_33 : vector<512x3072xf32>
    %reduce_max3A_35 = arith.constant dense<0xFF800000> : vector<3072xf32>
    %reduce_max3A_36 = vector.multi_reduction <maximumf>, %sub3A_34, %reduce_max3A_35 [0] : vector<512x3072xf32> to vector<3072xf32>
    %broadcast_in_dim3A_37 = vector.shape_cast %reduce_max3A_36 : vector<3072xf32> to vector<1x3072xf32>
    %argmax3A_38 = tpu.reduce_index %sub3A_34 {axis = 0 : i32, kind = #tpu.reduction_kind<arg_max>} : vector<512x3072xf32> -> vector<3072xi32>
    %reshape3A_39 = vector.shape_cast %argmax3A_38 : vector<3072xi32> to vector<1x3072xi32>
    %add3A_40 = arith.constant 512 : i32
    %add3A_41 = vector.broadcast %add3A_40 : i32 to vector<1x3072xi32>
    %add3A_42 = arith.addi %reshape3A_39, %add3A_41 : vector<1x3072xi32>
    %ge3A = arith.cmpf oge, %broadcast_in_dim3A, %broadcast_in_dim3A_37 : vector<1x3072xf32>
    %select_n3A = arith.select %ge3A, %add3A_24, %add3A_42 : vector<1x3072xi1>, vector<1x3072xi32>
    %select_n3A_43 = arith.select %ge3A, %broadcast_in_dim3A, %broadcast_in_dim3A_37 : vector<1x3072xi1>, vector<1x3072xf32>
    %swap3A = arith.constant 0 : index
    %swap3A_44 = arith.constant 0 : index
    %swap3A_45 = vector.load %arg5[%swap3A, %swap3A_44] : memref<3072x64xf32, #tpu.memory_space<vmem>>, vector<3072x64xf32>
    tpu.vector_store %arg5[%swap3A, %swap3A_44], %add3A_11 {strides = array<i32>} : memref<3072x64xf32, #tpu.memory_space<vmem>>, vector<3072x64xf32>,
    %swap3A_46 = arith.constant 0 : index
    %swap3A_47 = arith.constant 0 : index
    %swap3A_48 = vector.load %arg6[%swap3A_46, %swap3A_47] : memref<1x3072xi32, #tpu.memory_space<vmem>>, vector<1x3072xi32>
    tpu.vector_store %arg6[%swap3A_46, %swap3A_47], %select_n3A {strides = array<i32>} : memref<1x3072xi32, #tpu.memory_space<vmem>>, vector<1x3072xi32>,
    %mul3A = arith.mulf %add3A_11, %add3A_11 : vector<3072x64xf32>
    %reduce_sum3A = vector.shape_cast %mul3A : vector<3072x64xf32> to vector<1x3072x64xf32>
    %reduce_sum3A_49 = arith.constant dense<0.000000e+00> : vector<1xf32>
    %reduce_sum3A_50 = vector.multi_reduction <add>, %reduce_sum3A, %reduce_sum3A_49 [1, 2] : vector<1x3072x64xf32> to vector<1xf32>
    %reduce_sum3A_51 = vector.shape_cast %reduce_sum3A_50 : vector<1xf32> to vector<1x1x1xf32>
    %reduce_sum3A_52 = vector.extract %reduce_sum3A_51[0, 0, 0] : f32 from vector<1x1x1xf32>
    %broadcast_in_dim3A_53 = vector.broadcast %reduce_sum3A_52 : f32 to vector<1x1xf32>
    %reduce_sum3A_54 = vector.shape_cast %select_n3A_43 : vector<1x3072xf32> to vector<1x1x3072xf32>
    %reduce_sum3A_55 = arith.constant dense<0.000000e+00> : vector<1xf32>
    %reduce_sum3A_56 = vector.multi_reduction <add>, %reduce_sum3A_54, %reduce_sum3A_55 [1, 2] : vector<1x1x3072xf32> to vector<1xf32>
    %reduce_sum3A_57 = vector.shape_cast %reduce_sum3A_56 : vector<1xf32> to vector<1x1x1xf32>
    %reduce_sum3A_58 = vector.extract %reduce_sum3A_57[0, 0, 0] : f32 from vector<1x1x1xf32>
    %broadcast_in_dim3A_59 = vector.broadcast %reduce_sum3A_58 : f32 to vector<1x1xf32>
    %mul3A_60 = arith.constant 2.000000e+00 : f32
    %mul3A_61 = vector.broadcast %mul3A_60 : f32 to vector<1x1xf32>
    %mul3A_62 = arith.mulf %mul3A_61, %broadcast_in_dim3A_59 : vector<1x1xf32>
    %sub3A_63 = arith.subf %broadcast_in_dim3A_53, %mul3A_62 : vector<1x1xf32>
    %get3A_64 = arith.constant 0 : index
    %get3A_65 = arith.constant 0 : index
    %get3A_66 = vector.load %arg7[%get3A_64, %get3A_65] : memref<1x1xf32, #tpu.memory_space<vmem>>, vector<1x1xf32>
    %add3A_67 = arith.addf %get3A_66, %sub3A_63 : vector<1x1xf32>
    %swap3A_68 = arith.constant 0 : index
    %swap3A_69 = arith.constant 0 : index
    %swap3A_70 = vector.load %arg7[%swap3A_68, %swap3A_69] : memref<1x1xf32, #tpu.memory_space<vmem>>, vector<1x1xf32>
    tpu.vector_store %arg7[%swap3A_68, %swap3A_69], %add3A_67 {strides = array<i32>} : memref<1x1xf32, #tpu.memory_space<vmem>>, vector<1x1xf32>,
    return
  }
  func.func @transform_0(%arg0: i32) -> (i32, i32) {
    %c0_i32 = arith.constant 0 : i32
    %c0_i32_0 = arith.constant 0 : i32
    return %arg0, %c0_i32 : i32, i32
  }
  func.func @transform_1(%arg0: i32) -> (i32, i32) {
    %c0_i32 = arith.constant 0 : i32
    %c0_i32_0 = arith.constant 0 : i32
    %c0_i32_1 = arith.constant 0 : i32
    return %c0_i32, %c0_i32_0 : i32, i32
  }
  func.func @transform_2(%arg0: i32) -> (i32, i32) {
    %c0_i32 = arith.constant 0 : i32
    %c0_i32_0 = arith.constant 0 : i32
    %c0_i32_1 = arith.constant 0 : i32
    return %c0_i32, %c0_i32_0 : i32, i32
  }
  func.func @transform_3(%arg0: i32) -> (i32, i32) {
    %c0_i32 = arith.constant 0 : i32
    %c0_i32_0 = arith.constant 0 : i32
    %c0_i32_1 = arith.constant 0 : i32
    return %c0_i32, %c0_i32_0 : i32, i32
  }
  func.func @transform_4(%arg0: i32) -> (i32, i32) {
    %c0_i32 = arith.constant 0 : i32
    %c0_i32_0 = arith.constant 0 : i32
    return %arg0, %c0_i32 : i32, i32
  }
  func.func @transform_5(%arg0: i32) -> (i32, i32) {
    %c0_i32 = arith.constant 0 : i32
    %c0_i32_0 = arith.constant 0 : i32
    return %c0_i32, %arg0 : i32, i32
  }
  func.func @transform_6(%arg0: i32) -> (i32, i32) {
    %c0_i32 = arith.constant 0 : i32
    %c0_i32_0 = arith.constant 0 : i32
    %c0_i32_1 = arith.constant 0 : i32
    return %c0_i32, %c0_i32_0 : i32, i32
  }
}

</mosaic_0001>

<sc_bundles>
// kernel: kernel.4.cloned.1.call-start
scs
__scs_entry_jumppad:
0x0: {  	(pc) =	sbr.rel $0x88, $3  }
0x1: {  	(tag) =	ssettag $0x0;
	lr =	simm.s32 $0x1  }
0x2: {  	[smem:$0x3F9D] =	sst lr;
	_ =	strace $0xD0000000  }
0x3: {  	_ = 	snop  }
0x4: {  	_ = 	snop  }
0x5: {  	_ = 	snop  }
0x6: {  	_ = 	snop  }
0x7: {  	_ = 	snop  }
__scs_overlays_trampoline_lowered:
0x8: {  	[smem:$0x3FAC] =	sst s0  }
0x9: {  	[smem:$0x3FAD] =	sst s1  }
0xa: {  	[smem:$0x3FAE] =	sst s2  }
0xb: {  	[smem:$0x3FAF] =	sst s3  }
0xc: {  	[smem:$0x3FB0] =	sst s4  }
0xd: {  	[smem:$0x3FB1] =	sst s5  }
0xe: {  	[smem:$0x3FB2] =	sst s6  }
0xf: {  	[smem:$0x3FB3] =	sst s7  }
0x10: {  	[smem:$0x3FB4] =	sst s8  }
0x11: {  	[smem:$0x3FB5] =	sst s9;
	s0 =	simm.s32 @!p0 $0x0  }
0x12: {  	s1 =	sld [smem:$0x3F9B];
	s0 =	simm.s32 @p0 $0x1  }
0x13: {  	[smem:$0x3FB6] =	sst s0;
	s0 =	simm.s32 @!p1 $0x0  }
0x14: {  	s2 =	sld [smem:$0x3F9A];
	s0 =	simm.s32 @p1 $0x1  }
0x15: {  	[smem:$0x3FB7] =	sst s0;
	s0 =	simm.s32 @!p2 $0x0  }
0x16: {  	s3 =	sld [smem:$0x3FDB];
	s0 =	simm.s32 @p2 $0x1  }
0x17: {  	s4 =	simm.s32 $0x1BF5;
	[smem:$0x3FB9] =	sst s0  }
0x18: {  	s0 =	sld [smem:$0x3F9C];
	_ =	swait.ge [sflag:s4], $0x0  }
0x19: {  	s7 =	sld [smem:$0x3F9D]  }
0x1a: {  	s8 =	sadd.s32 $0xFFFFE003, lr  }
0x1b: {  	s9 =	sadd.s32 $0xFFFFFEF7, lr;
	s5 =	simm.s32 $0xFFFFFFFF;
	p2 =	slt.u32 s8, $0xFFFFF086  }
0x1c: {  	p1 =	slt.u32 s9, $0xF7A;
	s5 =	simm.s32 @!p2 $0x0  }
0x1d: {  	s5 =	simm.s32 @p1 $0x1;
	p0 =	seq.s32 s7, s2  }
0x1e: {  	s7 =	smul.u32 @!p0 $0xF7A, s2;
	p2 =	seq.s32 @!p0 s5, $0x0  }
0x1f: {  	s9 =	smul.u32 $0xF7A, s1;
	s8 =	simm.s32 @!p0 $0x1BF5;
	p2 =	por !p2, p0  }
0x20: {  	[sflag:s8] =	ssyncset.s32 @!p0 $0xFFFFF086;
	s6 =	sadd.s32 @!p0 s3, s7;
	s7 =	simm.s32 @!p0 $0x108  }
0x21: {  	s3 =	sadd.s32 s3, s9;
	s6 =	sadd.s32 @!p0 $0x88, s6;
	s7 =	simm.s32 @p2 $0x1082  }
0x22: {  	[simem:s7], [sflag:s8] =	dma.local @!p0 [hbm:s6], $0xF7A  }
0x23: {  	s9 =	sor.u32 $0xD0000000, s2;
	s6 =	simm.s32 $0x108;
	_ =	swait.ge @!p0 [sflag:s8], $0x0  }
0x24: {  	s3 =	sadd.s32 $0x88, s3;
	s6 =	simm.s32 @!p1 $0x1082;
	[sflag:s4] =	ssyncset.s32 $0xFFFFF086  }
0x25: {  	[simem:s6], [sflag:s4] =	dma.local [hbm:s3], $0xF7A  }
0x26: {  	[smem:$0x3F9D] =	sst s1;
	(tag) =	ssettag s2;
	_ =	strace s9  }
0x27: {  	s1 =	sld [smem:$0x3FAD]  }
0x28: {  	s2 =	sld [smem:$0x3FAE]  }
0x29: {  	s4 =	sld [smem:$0x3FB0]  }
0x2a: {  	p0 =	seq.s32 s5, $0x0;
	s5 =	sld [smem:$0x3FB1]  }
0x2b: {  	s6 =	sld [smem:$0x3FB2]  }
0x2c: {  	s7 =	sld [smem:$0x3FB3]  }
0x2d: {  	s3 =	simm.s32 $0x108;
	s8 =	sld [smem:$0x3FB4]  }
0x2e: {  	s3 =	simm.s32 @!p0 $0x1082;
	s9 =	sld [smem:$0x3FB5]  }
0x2f: {  	lr =	sadd.s32 s0, s3;
	s0 =	sld [smem:$0x3FAC]  }
0x30: {  	s3 =	sld [smem:$0x3FAF]  }
0x31: {  	[smem:$0x3FB8] =	sst s10  }
0x32: {  	s10 =	sld [smem:$0x3FB6];
	_ =	sdelay $0x3  }
0x33: {  	p0 =	seq.s32 s10, $0x1;
	s10 =	sld [smem:$0x3FB8];
	_ =	sdelay $0x3  }
0x34: {  	[smem:$0x3FB8] =	sst s10  }
0x35: {  	s10 =	sld [smem:$0x3FB7];
	_ =	sdelay $0x3  }
0x36: {  	p1 =	seq.s32 s10, $0x1;
	s10 =	sld [smem:$0x3FB8];
	_ =	sdelay $0x3  }
0x37: {  	[smem:$0x3FB8] =	sst s10  }
0x38: {  	s10 =	sld [smem:$0x3FB9]  }
0x39: {  	_ = 	snop;
	(pc) =	sbr.ind lr, $3  }
0x3a: {  	_ = 	snop  }
0x3b: {  	_ = 	snop  }
0x3c: {  	p2 =	seq.s32 s10, $0x1;
	s10 =	sld [smem:$0x3FB8]  }
0x3d: {  	_ =	shalt  }
0x3e: {  	_ =	shalt  }
0x3f: {  	_ =	shalt  }
0x40: {  	_ =	shalt  }
0x41: {  	_ =	shalt  }
0x42: {  	_ =	shalt  }
0x43: {  	_ =	shalt  }
0x44: {  	_ =	shalt  }
0x45: {  	_ =	shalt  }
0x46: {  	_ =	shalt  }
0x47: {  	_ =	shalt  }
0x48: {  	_ =	shalt  }
0x49: {  	_ =	shalt  }
0x4a: {  	_ =	shalt  }
0x4b: {  	_ =	shalt  }
0x4c: {  	_ =	shalt  }
0x4d: {  	_ =	shalt  }
0x4e: {  	_ =	shalt  }
0x4f: {  	_ =	shalt  }
0x50: {  	_ =	shalt  }
0x51: {  	_ =	shalt  }
0x52: {  	_ =	shalt  }
0x53: {  	_ =	shalt  }
0x54: {  	_ =	shalt  }
0x55: {  	_ =	shalt  }
0x56: {  	_ =	shalt  }
0x57: {  	_ =	shalt  }
0x58: {  	_ =	shalt  }
0x59: {  	_ =	shalt  }
0x5a: {  	_ =	shalt  }
0x5b: {  	_ =	shalt  }
0x5c: {  	_ =	shalt  }
0x5d: {  	_ =	shalt  }
0x5e: {  	_ =	shalt  }
0x5f: {  	_ =	shalt  }
0x60: {  	_ =	shalt  }
0x61: {  	_ =	shalt  }
0x62: {  	_ =	shalt  }
0x63: {  	_ =	shalt  }
0x64: {  	_ =	shalt  }
0x65: {  	_ =	shalt  }
0x66: {  	_ =	shalt  }
0x67: {  	_ =	shalt  }
0x68: {  	_ =	shalt  }
0x69: {  	_ =	shalt  }
0x6a: {  	_ =	shalt  }
0x6b: {  	_ =	shalt  }
0x6c: {  	_ =	shalt  }
0x6d: {  	_ =	shalt  }
0x6e: {  	_ =	shalt  }
0x6f: {  	_ =	shalt  }
0x70: {  	_ =	shalt  }
0x71: {  	_ =	shalt  }
0x72: {  	_ =	shalt  }
0x73: {  	_ =	shalt  }
0x74: {  	_ =	shalt  }
0x75: {  	_ =	shalt  }
0x76: {  	_ =	shalt  }
0x77: {  	_ =	shalt  }
0x78: {  	_ =	shalt  }
0x79: {  	_ =	shalt  }
0x7a: {  	_ =	shalt  }
0x7b: {  	_ =	shalt  }
0x7c: {  	_ =	shalt  }
0x7d: {  	_ =	shalt  }
0x7e: {  	_ =	shalt  }
0x7f: {  	_ =	shalt  }
0x80: {  	_ =	shalt  }
0x81: {  	_ =	shalt  }
0x82: {  	_ =	shalt  }
0x83: {  	_ =	shalt  }
0x84: {  	_ =	shalt  }
0x85: {  	_ =	shalt  }
0x86: {  	_ =	shalt  }
0x87: {  	_ =	shalt  }
.Lfunc_end0:
.L_simem_size_0:
called_computation_lowered:
.L_overlay_start_0:
0x88: {  	s2 =	sld [smem:$0x3FD9]  }
0x89: {  	s3 =	sld [smem:$0x3FFE];
	_ =	sdelay $0x1  }
0x8a: {  	s1 =	srdreg.scid  }
0x8b: {  	s0 =	sand.u32 $0x1, s1  }
0x8c: {  	s14 =	sshll.u32 s0, $0xA;
	s2 =	sadd.s32 s3, s2  }
0x8d: {  	s2 =	sadd.s32 s2, s14  }
0x8e: {  	[smem:$0x3FC4] =	sst s2  }
0x8f: {  	_ = 	snop  }
0x90: {  	s2 =	sld [smem:$0x3FD0];
	_ =	sdelay $0x2  }
0x91: {  	s15 =	simm.s32 $0xA;
	s4 =	simm.s32 $0x10  }
0x92: {  	[smem:s4], [sflag:s15] =	dma.local [hbm:s2], $0x1  }
0x93: {  	_ =	swait.eq [sflag:s15], $0x1  }
0x94: {  	[sflag:s15] =	ssyncset.done $0x0  }
0x95: {  	[sflag:s15] =	ssyncadd.s32 $0xFFFFFFFF  }
0x96: {  	s16 =	sld [smem:$0x12];
	(tm) =	ssettm $0x1  }
0x97: {  	s17 =	sld [smem:$0x3FFB];
	_ =	sdelay $0x3  }
0x98: {  	_ =	strace s17  }
0x99: {  	s3 =	sld [smem:$0x3FFC];
	_ =	sdelay $0x3  }
0x9a: {  	_ =	strace s3  }
0x9b: {  	s3 =	sld [smem:$0x3FFD];
	_ =	sdelay $0x3  }
0x9c: {  	_ =	strace s3  }
0x9d: {  	_ =	strace $0x8FFFFFFF  }
0x9e: {  	s18 =	sld [smem:$0x3FDB];
	_ =	sdelay $0x1  }
0x9f: {  	s19 =	simm.s32 $_scs_section_size  }
0xa0: {  	s5 =	simm.s32 $_size__tile_overlayer_lowered;
	s6 =	simm.s32 $_tile_overlayer_lowered  }
0xa1: {  	s22 =	simm.s32 $0x1BFF;
	s21 =	sshll.u32 s6, $0x1;
	s3 =	sadd.s32 s19, s18  }
0xa2: {  	s7 =	simm.s32 $0x0;
	s20 =	sshll.u32 s5, $0x1;
	s5 =	sadd.s32 s21, s3  }
0xa3: {  	[timem:s7], [sflag:s22] =	dma.local [hbm:s5], s20  }
0xa4: {  	_ =	swait.ge [sflag:s22], s20  }
0xa5: {  	s4 =	ssub.s32 $0x0, s20;
	[sflag:s22] =	ssyncset.done $0x0  }
0xa6: {  	[sflag:s22] =	ssyncadd.s32 s4;
	_ =	sdelay $0x1  }
0xa7: {  	s23 =	simm.s32 $0x1B8B  }
0xa8: {  	_ =	swait.ge [sflag:s23], $0x1  }
0xa9: {  	[sflag:s23] =	ssyncset.done $0x0  }
0xaa: {  	s25 =	simm.s32 $0x1B8E;
	s24 =	sld [smem:$0x3FFE];
	[sflag:s23] =	ssyncadd.s32 $0xFFFFFFFF  }
0xab: {  	s26 =	simm.s32 $execute0_lowered;
	[smem:$0x3FD2] =	sst s25  }
0xac: {  	s5 =	sshll.u32 s26, $0x1;
	_ =	strace $0x80000046;
	[dreg:$0x1] =	wrdreg $0xFFFFFFFF  }
0xad: {  	s28 =	simm.s32 $_size_execute0_lowered;
	s3 =	sadd.s32 s3, s5;
	[dreg:$0x0] =	wrdreg $0x0  }
0xae: {  	s5 =	sshll.u32 s28, $0x1;
	[dreg:$0x2] =	wrdreg s3  }
0xaf: {  	[dreg:$0x3] =	wrdreg s5  }
0xb0: {  	[dreg:$0x4] =	wrdreg $0xC0  }
0xb1: {  	_ =	task [dreg:s7], $0x5FFFF  }
0xb2: {  	[dreg:$0x1] =	wrdreg $0xFFFFFFFF  }
0xb3: {  	[dreg:$0x0] =	wrdreg $0x60  }
0xb4: {  	[dreg:$0x2] =	wrdreg s24  }
0xb5: {  	[dreg:$0x3] =	wrdreg s16  }
0xb6: {  	[dreg:$0x4] =	wrdreg $0x9  }
0xb7: {  	_ =	task.clear_ibuf [dreg:s7], $0x5FFFF;
	_ =	strace $0x90000046  }
0xb8: {  	s29 =	simm.s32 $0x9;
	_ =	strace $0x80000048  }
0xb9: {  	_ =	swait.ge [sflag:s29], $0x1  }
0xba: {  	[sflag:s29] =	ssyncadd.s32 $0xFFFFFFFF  }
0xbb: {  	_ =	strace $0x90000048  }
0xbc: {  	_ =	sfence  }
0xbd: {  	s30 =	sld [smem:$0x0];
	_ =	sdelay $0x2  }
0xbe: {  	s31 =	sshll.u32 s1, $0xD;
	s1 =	sshrl.u32 s1, $0x2  }
0xbf: {  	s3 =	sand.u32 $0x4000, s31;
	s1 =	sadd.s32 s1, s30  }
0xc0: {  	s0 =	sor.u32 s3, s0;
	s1 =	sshll.u32 s1, $0x11  }
0xc1: {  	s0 =	sor.u32 s1, s0  }
0xc2: {  	s0 =	sadd.s32 $0x8F2B, s0  }
0xc3: {  	[sflag:s0] =	ssyncadd.remote.s32 $0x1  }
0xc4: {  	_ =	sfence.sel $0xFFFF  }
0xc5: {  	[dreg:$0x0] =	wrdreg $0xFFFFFFFF;
	(pc) =	sbr.abs _section_cstart, $3  }
0xc6: {  	[dreg:$0x1] =	wrdreg $0xFFFFFFFF  }
0xc7: {  	_ =	task.clear_ibuf [dreg:s7], $0x2FFFF;
	_ =	strace $0x9FFFFFFF  }
0xc8: {  	(tm) =	ssettm $0x7FFFFFFF  }
0xc9: {  	_ =	shalt  }
tec
execute0_lowered:
.L_overlay_start_1:
0x0: {  	(tag) =	ssettag $0x1  }
0x1: {  	s3 =	rddreg [dreg:$0x0];
	s1 =	srdreg.scid  }
0x2: {  	s0 =	stileid.u32;
	s5 =	rddreg [dreg:$0x1]  }
0x3: {  	s2 =	simm.s32 $0x0;
	v55 =	vimm.s32 $0x0;
	s4 =	sand.u32 $0x1, s1;
	s6 =	sshll.u32 s0, $0x1  }
0x4: {  	v1 =	vlaneseq.u32;
	v58 =	vimm.s32 $0x6;
	v57 =	vimm.s32 $0x1;
	s9 =	simm.s32 $0x10280;
	s10 =	simm.s32 $0x0;
	s6 =	sor.u32 s4, s6  }
0x5: {  	v59 =	vimm.s32 $0x2;
	v50 =	vimm.s32 $0x4;
	v53 =	vimm.s32 $0x5;
	s1 =	rddreg [dreg:$0x2];
	s4 =	ssub.s32 $0x2, s4;
	s7 =	smul.u32 $0x48, s6  }
0x6: {  	v54 =	vimm.s32 $0x7;
	v56 =	vimm.s32 $0x8;
	v20 =	vimm.s32 $0x9;
	[smem:$0x7FF] =	sst s2;
	s8 =	sshrl.u32 s4, $0x1;
	s6 =	smul.u32 $0x1200, s6  }
0x7: {  	v31 =	vimm.s32 $0xA;
	v26 =	vimm.s32 $0xB;
	v27 =	vimm.s32 $0xC;
	_ =	strace $0x80000047;
	s8 =	ssub.s32 s4, s8;
	s7 =	sadd.s32 s7, s3  }
0x8: {  	v28 =	vimm.s32 $0xD;
	v29 =	vimm.s32 $0xE;
	v30 =	vimm.s32 $0xF;
	s3 =	sadd.s32 $0xA00, s3;
	s5 =	sadd.s32 s5, s6;
	s6 =	smax.u32 s8, $0x1  }
0x9: {  	v3 =	vor.u32 $0x10, v1;
	v4 =	vor.u32 $0x20, v1;
	v5 =	vor.u32 $0x30, v1;
	s8 =	simm.s32 $0x10000;
	s4 =	sadd.s32 $0x2A00, s7;
	s7 =	simm.s32 $0x1  }
.LBB2_1:
0xa: {  	[tilespmem:s2], [sflag:$0x1] =	stream.linear.gather [hbm4b:s3+s2], $0x10000, $0x38;
	[tilespmem:$0x19280] =	vst v63  }
0xb: {  	_ =	swait.ge [sflag:s7], $0x10000  }
0xc: {  	[sflag:s7] =	ssyncset.done $0x0  }
0xd: {  	[sflag:s7] =	ssyncadd.s32 $0xFFFF0000  }
0xe: {  	[tilespmem:s8], [sflag:$0x1] =	stream.linear.gather [hbm4b:s4+s2], $0x240, $0x38;
	[tilespmem:$0x19280] =	vst v63  }
0xf: {  	_ =	swait.ge [sflag:s7], $0x240  }
0x10: {  	[sflag:s7] =	ssyncset.done $0x0  }
0x11: {  	s11 =	simm.s32 $0x10010;
	[sflag:s7] =	ssyncadd.s32 $0xFFFFFDC0  }
0x12: {  	v2 =	vld [tilespmem:s11+$0xFFFFFFF0]  }
0x13: {  	v0 =	vld [tilespmem:s11+$0x0];
	_ =	sdelay $0x3  }
0x14: {  	v6 =	vperm.xlane v2, v55  }
0x15: {  	v7 =	vperm.xlane v0, v55  }
0x16: {  	v6 =	vshll.u32 v6, $0x6  }
0x17: {  	v7 =	vshll.u32 v7, $0x6;
	v8 =	vor.u32 v1, v6  }
0x18: {  	v9 =	vor.u32 v1, v7;
	_ =	sdelay $0x3  }
0x19: {  	v8 =	vld.idx.msk [tilespmem:v8+s2+$0x0], $0xffff  }
0x1a: {  	v10 =	vor.u32 v3, v6;
	v9 =	vld.idx.msk [tilespmem:v9+s2+$0x0], $0xffff  }
0x1b: {  	v11 =	vor.u32 v3, v7;
	_ =	sdelay $0x1  }
0x1c: {  	s12 =	simm.s32 $0x10680  }
0x1d: {  	[tilespmem:s12+$0xFFFFFC00] =	vst v8  }
0x1e: {  	[tilespmem:s12+$0x0] =	vst v9;
	v8 =	vld.idx.msk [tilespmem:v10+s2+$0x0], $0xffff  }
0x1f: {  	v9 =	vor.u32 v4, v6;
	v10 =	vld.idx.msk [tilespmem:v11+s2+$0x0], $0xffff  }
0x20: {  	v11 =	vor.u32 v4, v7;
	_ =	sdelay $0x2  }
0x21: {  	[tilespmem:s12+$0xFFFFFC10] =	vst v8  }
0x22: {  	[tilespmem:s12+$0x10] =	vst v10;
	v8 =	vld.idx.msk [tilespmem:v9+s2+$0x0], $0xffff  }
0x23: {  	v6 =	vor.u32 v5, v6;
	v9 =	vld.idx.msk [tilespmem:v11+s2+$0x0], $0xffff  }
0x24: {  	v7 =	vor.u32 v5, v7;
	_ =	sdelay $0x1  }
0x25: {  	v10 =	vperm.xlane v2, v57  }
0x26: {  	[tilespmem:s12+$0xFFFFFC20] =	vst v8;
	v8 =	vperm.xlane v0, v57  }
0x27: {  	v10 =	vshll.u32 v10, $0x6;
	[tilespmem:s12+$0x20] =	vst v9;
	v6 =	vld.idx.msk [tilespmem:v6+s2+$0x0], $0xffff  }
0x28: {  	v9 =	vor.u32 v1, v10;
	v7 =	vld.idx.msk [tilespmem:v7+s2+$0x0], $0xffff;
	v8 =	vshll.u32 v8, $0x6  }
0x29: {  	v11 =	vor.u32 v1, v8;
	_ =	sdelay $0x2  }
0x2a: {  	[tilespmem:s12+$0xFFFFFC30] =	vst v6  }
0x2b: {  	[tilespmem:s12+$0x30] =	vst v7;
	v6 =	vld.idx.msk [tilespmem:v9+s2+$0x0], $0xffff  }
0x2c: {  	v7 =	vor.u32 v3, v10;
	v9 =	vld.idx.msk [tilespmem:v11+s2+$0x0], $0xffff  }
0x2d: {  	v11 =	vor.u32 v3, v8;
	_ =	sdelay $0x2  }
0x2e: {  	[tilespmem:s12+$0xFFFFFC40] =	vst v6  }
0x2f: {  	v6 =	vld.idx.msk [tilespmem:v7+s2+$0x0], $0xffff;
	[tilespmem:s12+$0x40] =	vst v9  }
0x30: {  	v7 =	vor.u32 v4, v10;
	v9 =	vld.idx.msk [tilespmem:v11+s2+$0x0], $0xffff  }
0x31: {  	v11 =	vor.u32 v4, v8;
	_ =	sdelay $0x2  }
0x32: {  	[tilespmem:s12+$0xFFFFFC50] =	vst v6  }
0x33: {  	v6 =	vld.idx.msk [tilespmem:v7+s2+$0x0], $0xffff;
	[tilespmem:s12+$0x50] =	vst v9  }
0x34: {  	v7 =	vor.u32 v5, v10;
	v9 =	vld.idx.msk [tilespmem:v11+s2+$0x0], $0xffff  }
0x35: {  	v8 =	vor.u32 v5, v8;
	_ =	sdelay $0x1  }
0x36: {  	v10 =	vperm.xlane v2, v59  }
0x37: {  	[tilespmem:s12+$0xFFFFFC60] =	vst v6;
	v6 =	vperm.xlane v0, v59  }
0x38: {  	v10 =	vshll.u32 v10, $0x6;
	v7 =	vld.idx.msk [tilespmem:v7+s2+$0x0], $0xffff;
	[tilespmem:s12+$0x60] =	vst v9  }
0x39: {  	v9 =	vor.u32 v1, v10;
	v6 =	vshll.u32 v6, $0x6;
	v8 =	vld.idx.msk [tilespmem:v8+s2+$0x0], $0xffff  }
0x3a: {  	v11 =	vor.u32 v1, v6;
	_ =	sdelay $0x2  }
0x3b: {  	[tilespmem:s12+$0xFFFFFC70] =	vst v7  }
0x3c: {  	v7 =	vld.idx.msk [tilespmem:v9+s2+$0x0], $0xffff;
	[tilespmem:s12+$0x70] =	vst v8  }
0x3d: {  	v8 =	vor.u32 v3, v10;
	v9 =	vld.idx.msk [tilespmem:v11+s2+$0x0], $0xffff  }
0x3e: {  	v11 =	vor.u32 v3, v6;
	_ =	sdelay $0x2  }
0x3f: {  	[tilespmem:s12+$0xFFFFFC80] =	vst v7  }
0x40: {  	v7 =	vld.idx.msk [tilespmem:v8+s2+$0x0], $0xffff;
	[tilespmem:s12+$0x80] =	vst v9  }
0x41: {  	v8 =	vor.u32 v4, v10;
	v9 =	vld.idx.msk [tilespmem:v11+s2+$0x0], $0xffff  }
0x42: {  	v11 =	vor.u32 v4, v6;
	_ =	sdelay $0x2  }
0x43: {  	[tilespmem:s12+$0xFFFFFC90] =	vst v7  }
0x44: {  	v7 =	vld.idx.msk [tilespmem:v8+s2+$0x0], $0xffff;
	[tilespmem:s12+$0x90] =	vst v9  }
0x45: {  	v8 =	vor.u32 v5, v10;
	v9 =	vld.idx.msk [tilespmem:v11+s2+$0x0], $0xffff  }
0x46: {  	v6 =	vor.u32 v5, v6  }
0x47: {  	v11 =	vimm.s32 $0x3  }
0x48: {  	v10 =	vperm.xlane v2, v11  }
0x49: {  	[tilespmem:s12+$0xFFFFFCA0] =	vst v7;
	v7 =	vperm.xlane v0, v11  }
0x4a: {  	v10 =	vshll.u32 v10, $0x6;
	v8 =	vld.idx.msk [tilespmem:v8+s2+$0x0], $0xffff;
	[tilespmem:s12+$0xA0] =	vst v9  }
0x4b: {  	v9 =	vor.u32 v1, v10;
	v7 =	vshll.u32 v7, $0x6;
	v6 =	vld.idx.msk [tilespmem:v6+s2+$0x0], $0xffff  }
0x4c: {  	v11 =	vor.u32 v1, v7;
	_ =	sdelay $0x2  }
0x4d: {  	[tilespmem:s12+$0xFFFFFCB0] =	vst v8  }
0x4e: {  	v8 =	vld.idx.msk [tilespmem:v9+s2+$0x0], $0xffff;
	[tilespmem:s12+$0xB0] =	vst v6  }
0x4f: {  	v6 =	vor.u32 v3, v10;
	v9 =	vld.idx.msk [tilespmem:v11+s2+$0x0], $0xffff  }
0x50: {  	v11 =	vor.u32 v3, v7;
	_ =	sdelay $0x2  }
0x51: {  	[tilespmem:s12+$0xFFFFFCC0] =	vst v8  }
0x52: {  	v6 =	vld.idx.msk [tilespmem:v6+s2+$0x0], $0xffff;
	[tilespmem:s12+$0xC0] =	vst v9  }
0x53: {  	v8 =	vor.u32 v4, v10;
	v9 =	vld.idx.msk [tilespmem:v11+s2+$0x0], $0xffff  }
0x54: {  	v11 =	vor.u32 v4, v7;
	_ =	sdelay $0x2  }
0x55: {  	[tilespmem:s12+$0xFFFFFCD0] =	vst v6  }
0x56: {  	v6 =	vld.idx.msk [tilespmem:v8+s2+$0x0], $0xffff;
	[tilespmem:s12+$0xD0] =	vst v9  }
0x57: {  	v8 =	vor.u32 v5, v10;
	v9 =	vld.idx.msk [tilespmem:v11+s2+$0x0], $0xffff  }
0x58: {  	v7 =	vor.u32 v5, v7;
	_ =	sdelay $0x1  }
0x59: {  	v10 =	vperm.xlane v2, v50  }
0x5a: {  	[tilespmem:s12+$0xFFFFFCE0] =	vst v6;
	v6 =	vperm.xlane v0, v50  }
0x5b: {  	v10 =	vshll.u32 v10, $0x6;
	v8 =	vld.idx.msk [tilespmem:v8+s2+$0x0], $0xffff;
	[tilespmem:s12+$0xE0] =	vst v9  }
0x5c: {  	v9 =	vor.u32 v1, v10;
	v11 =	vshll.u32 v6, $0x6;
	v7 =	vld.idx.msk [tilespmem:v7+s2+$0x0], $0xffff  }
0x5d: {  	v12 =	vor.u32 v1, v11;
	_ =	sdelay $0x2  }
0x5e: {  	[tilespmem:s12+$0xFFFFFCF0] =	vst v8  }
0x5f: {  	v8 =	vld.idx.msk [tilespmem:v9+s2+$0x0], $0xffff;
	[tilespmem:s12+$0xF0] =	vst v7  }
0x60: {  	v9 =	vld.idx.msk [tilespmem:v12+s2+$0x0], $0xffff;
	v12 =	vor.u32 v3, v10  }
0x61: {  	s31 =	simm.s32 $0x10030;
	v13 =	vor.u32 v3, v11  }
0x62: {  	v7 =	vld [tilespmem:s31+$0xFFFFFFF0]  }
0x63: {  	v6 =	vld [tilespmem:s31+$0x0]  }
0x64: {  	[tilespmem:s12+$0xFFFFFD00] =	vst v8  }
0x65: {  	v8 =	vld.idx.msk [tilespmem:v12+s2+$0x0], $0xffff;
	[tilespmem:s12+$0x100] =	vst v9  }
0x66: {  	v12 =	vor.u32 v4, v10;
	v9 =	vld.idx.msk [tilespmem:v13+s2+$0x0], $0xffff  }
0x67: {  	v14 =	vperm.xlane v7, v55;
	v13 =	vor.u32 v4, v11  }
0x68: {  	v15 =	vperm.xlane v6, v55  }
0x69: {  	v14 =	vshll.u32 v14, $0x6  }
0x6a: {  	v15 =	vshll.u32 v15, $0x6;
	[tilespmem:s12+$0xFFFFFD10] =	vst v8;
	v8 =	vor.u32 v1, v14  }
0x6b: {  	v12 =	vld.idx.msk [tilespmem:v12+s2+$0x0], $0xffff;
	[tilespmem:s12+$0x110] =	vst v9;
	v9 =	vor.u32 v1, v15  }
0x6c: {  	v10 =	vor.u32 v5, v10;
	v13 =	vld.idx.msk [tilespmem:v13+s2+$0x0], $0xffff  }
0x6d: {  	v11 =	vor.u32 v5, v11;
	_ =	sdelay $0x1  }
0x6e: {  	v16 =	vperm.xlane v2, v53;
	v8 =	vld.idx.msk [tilespmem:v8+s2+$0x0], $0xffff  }
0x6f: {  	v17 =	vperm.xlane v0, v53;
	v9 =	vld.idx.msk [tilespmem:v9+s2+$0x0], $0xffff;
	[tilespmem:s12+$0xFFFFFD20] =	vst v12;
	v12 =	vor.u32 v3, v14  }
0x70: {  	v16 =	vshll.u32 v16, $0x6;
	v10 =	vld.idx.msk [tilespmem:v10+s2+$0x0], $0xffff;
	[tilespmem:s12+$0x120] =	vst v13;
	v13 =	vor.u32 v3, v15  }
0x71: {  	v17 =	vshll.u32 v17, $0x6;
	v18 =	vor.u32 v1, v16;
	v11 =	vld.idx.msk [tilespmem:v11+s2+$0x0], $0xffff  }
0x72: {  	s11 =	simm.s32 $0x10E80;
	v19 =	vor.u32 v1, v17  }
0x73: {  	[tilespmem:s11+$0xFFFFFC00] =	vst v8  }
0x74: {  	v8 =	vld.idx.msk [tilespmem:v12+s2+$0x0], $0xffff;
	[tilespmem:s11+$0x0] =	vst v9  }
0x75: {  	v9 =	vld.idx.msk [tilespmem:v13+s2+$0x0], $0xffff;
	[tilespmem:s12+$0xFFFFFD30] =	vst v10;
	v10 =	vor.u32 v4, v14  }
0x76: {  	v12 =	vld.idx.msk [tilespmem:v18+s2+$0x0], $0xffff;
	[tilespmem:s12+$0x130] =	vst v11;
	v11 =	vor.u32 v4, v15  }
0x77: {  	v18 =	vor.u32 v3, v16;
	v13 =	vld.idx.msk [tilespmem:v19+s2+$0x0], $0xffff  }
0x78: {  	v19 =	vor.u32 v3, v17  }
0x79: {  	[tilespmem:s11+$0xFFFFFC10] =	vst v8  }
0x7a: {  	v8 =	vld.idx.msk [tilespmem:v10+s2+$0x0], $0xffff;
	[tilespmem:s11+$0x10] =	vst v9  }
0x7b: {  	v10 =	vor.u32 v5, v14;
	v9 =	vld.idx.msk [tilespmem:v11+s2+$0x0], $0xffff;
	[tilespmem:s12+$0xFFFFFD40] =	vst v12  }
0x7c: {  	v12 =	vor.u32 v5, v15;
	v11 =	vld.idx.msk [tilespmem:v18+s2+$0x0], $0xffff;
	[tilespmem:s12+$0x140] =	vst v13  }
0x7d: {  	v14 =	vor.u32 v4, v16;
	v13 =	vld.idx.msk [tilespmem:v19+s2+$0x0], $0xffff  }
0x7e: {  	v15 =	vperm.xlane v7, v57;
	v18 =	vor.u32 v4, v17  }
0x7f: {  	v19 =	vperm.xlane v6, v57;
	[tilespmem:s11+$0xFFFFFC20] =	vst v8  }
0x80: {  	v8 =	vshll.u32 v15, $0x6;
	v10 =	vld.idx.msk [tilespmem:v10+s2+$0x0], $0xffff;
	[tilespmem:s11+$0x20] =	vst v9  }
0x81: {  	v9 =	vshll.u32 v19, $0x6;
	v12 =	vld.idx.msk [tilespmem:v12+s2+$0x0], $0xffff;
	[tilespmem:s12+$0xFFFFFD50] =	vst v11;
	v11 =	vor.u32 v1, v8  }
0x82: {  	v14 =	vld.idx.msk [tilespmem:v14+s2+$0x0], $0xffff;
	[tilespmem:s12+$0x150] =	vst v13;
	v13 =	vor.u32 v1, v9  }
0x83: {  	v16 =	vor.u32 v5, v16;
	v15 =	vld.idx.msk [tilespmem:v18+s2+$0x0], $0xffff  }
0x84: {  	v17 =	vor.u32 v5, v17  }
0x85: {  	[tilespmem:s11+$0xFFFFFC30] =	vst v10  }
0x86: {  	v10 =	vperm.xlane v2, v58;
	v11 =	vld.idx.msk [tilespmem:v11+s2+$0x0], $0xffff;
	[tilespmem:s11+$0x30] =	vst v12  }
0x87: {  	v12 =	vperm.xlane v0, v58;
	v13 =	vld.idx.msk [tilespmem:v13+s2+$0x0], $0xffff;
	[tilespmem:s12+$0xFFFFFD60] =	vst v14;
	v14 =	vor.u32 v3, v8  }
0x88: {  	v10 =	vshll.u32 v10, $0x6;
	v16 =	vld.idx.msk [tilespmem:v16+s2+$0x0], $0xffff;
	[tilespmem:s12+$0x160] =	vst v15;
	v15 =	vor.u32 v3, v9  }
0x89: {  	v12 =	vshll.u32 v12, $0x6;
	v18 =	vor.u32 v1, v10;
	v17 =	vld.idx.msk [tilespmem:v17+s2+$0x0], $0xffff  }
0x8a: {  	v19 =	vor.u32 v1, v12  }
0x8b: {  	[tilespmem:s11+$0xFFFFFC40] =	vst v11  }
0x8c: {  	v11 =	vld.idx.msk [tilespmem:v14+s2+$0x0], $0xffff;
	[tilespmem:s11+$0x40] =	vst v13  }
0x8d: {  	v14 =	vor.u32 v4, v8;
	v13 =	vld.idx.msk [tilespmem:v15+s2+$0x0], $0xffff;
	[tilespmem:s12+$0xFFFFFD70] =	vst v16  }
0x8e: {  	v16 =	vor.u32 v4, v9;
	v15 =	vld.idx.msk [tilespmem:v18+s2+$0x0], $0xffff;
	[tilespmem:s12+$0x170] =	vst v17  }
0x8f: {  	v18 =	vor.u32 v3, v10;
	v17 =	vld.idx.msk [tilespmem:v19+s2+$0x0], $0xffff  }
0x90: {  	v19 =	vor.u32 v3, v12  }
0x91: {  	[tilespmem:s11+$0xFFFFFC50] =	vst v11  }
0x92: {  	v11 =	vld.idx.msk [tilespmem:v14+s2+$0x0], $0xffff;
	[tilespmem:s11+$0x50] =	vst v13  }
0x93: {  	v8 =	vor.u32 v5, v8;
	v13 =	vld.idx.msk [tilespmem:v16+s2+$0x0], $0xffff;
	[tilespmem:s12+$0xFFFFFD80] =	vst v15  }
0x94: {  	v9 =	vor.u32 v5, v9;
	v14 =	vld.idx.msk [tilespmem:v18+s2+$0x0], $0xffff;
	[tilespmem:s12+$0x180] =	vst v17  }
0x95: {  	v16 =	vor.u32 v4, v10;
	v15 =	vld.idx.msk [tilespmem:v19+s2+$0x0], $0xffff  }
0x96: {  	v17 =	vperm.xlane v7, v59;
	v18 =	vor.u32 v4, v12  }
0x97: {  	v19 =	vperm.xlane v6, v59;
	[tilespmem:s11+$0xFFFFFC60] =	vst v11  }
0x98: {  	v11 =	vshll.u32 v17, $0x6;
	v8 =	vld.idx.msk [tilespmem:v8+s2+$0x0], $0xffff;
	[tilespmem:s11+$0x60] =	vst v13  }
0x99: {  	v13 =	vshll.u32 v19, $0x6;
	v9 =	vld.idx.msk [tilespmem:v9+s2+$0x0], $0xffff;
	[tilespmem:s12+$0xFFFFFD90] =	vst v14;
	v14 =	vor.u32 v1, v11  }
0x9a: {  	v16 =	vld.idx.msk [tilespmem:v16+s2+$0x0], $0xffff;
	[tilespmem:s12+$0x190] =	vst v15;
	v15 =	vor.u32 v1, v13  }
0x9b: {  	v10 =	vor.u32 v5, v10;
	v17 =	vld.idx.msk [tilespmem:v18+s2+$0x0], $0xffff  }
0x9c: {  	v12 =	vor.u32 v5, v12  }
0x9d: {  	[tilespmem:s11+$0xFFFFFC70] =	vst v8  }
0x9e: {  	v8 =	vperm.xlane v2, v54;
	v14 =	vld.idx.msk [tilespmem:v14+s2+$0x0], $0xffff;
	[tilespmem:s11+$0x70] =	vst v9  }
0x9f: {  	v9 =	vperm.xlane v0, v54;
	v15 =	vld.idx.msk [tilespmem:v15+s2+$0x0], $0xffff;
	[tilespmem:s12+$0xFFFFFDA0] =	vst v16;
	v16 =	vor.u32 v3, v11  }
0xa0: {  	v8 =	vshll.u32 v8, $0x6;
	v10 =	vld.idx.msk [tilespmem:v10+s2+$0x0], $0xffff;
	[tilespmem:s12+$0x1A0] =	vst v17;
	v17 =	vor.u32 v3, v13  }
0xa1: {  	v9 =	vshll.u32 v9, $0x6;
	v18 =	vor.u32 v1, v8;
	v12 =	vld.idx.msk [tilespmem:v12+s2+$0x0], $0xffff  }
0xa2: {  	v19 =	vor.u32 v1, v9  }
0xa3: {  	[tilespmem:s11+$0xFFFFFC80] =	vst v14  }
0xa4: {  	v14 =	vld.idx.msk [tilespmem:v16+s2+$0x0], $0xffff;
	[tilespmem:s11+$0x80] =	vst v15  }
0xa5: {  	v15 =	vld.idx.msk [tilespmem:v17+s2+$0x0], $0xffff;
	[tilespmem:s12+$0xFFFFFDB0] =	vst v10;
	v10 =	vor.u32 v4, v11  }
0xa6: {  	v16 =	vld.idx.msk [tilespmem:v18+s2+$0x0], $0xffff;
	[tilespmem:s12+$0x1B0] =	vst v12;
	v12 =	vor.u32 v4, v13  }
0xa7: {  	v18 =	vor.u32 v3, v8;
	v17 =	vld.idx.msk [tilespmem:v19+s2+$0x0], $0xffff  }
0xa8: {  	v19 =	vor.u32 v3, v9  }
0xa9: {  	[tilespmem:s11+$0xFFFFFC90] =	vst v14  }
0xaa: {  	v10 =	vld.idx.msk [tilespmem:v10+s2+$0x0], $0xffff;
	[tilespmem:s11+$0x90] =	vst v15  }
0xab: {  	v11 =	vor.u32 v5, v11;
	v12 =	vld.idx.msk [tilespmem:v12+s2+$0x0], $0xffff;
	[tilespmem:s12+$0xFFFFFDC0] =	vst v16  }
0xac: {  	v13 =	vor.u32 v5, v13;
	v14 =	vld.idx.msk [tilespmem:v18+s2+$0x0], $0xffff;
	[tilespmem:s12+$0x1C0] =	vst v17  }
0xad: {  	v16 =	vor.u32 v4, v8;
	v15 =	vld.idx.msk [tilespmem:v19+s2+$0x0], $0xffff;
	v19 =	vimm.s32 $0x3  }
0xae: {  	v18 =	vor.u32 v4, v9;
	v17 =	vperm.xlane v7, v19  }
0xaf: {  	v19 =	vperm.xlane v6, v19;
	[tilespmem:s11+$0xFFFFFCA0] =	vst v10  }
0xb0: {  	v10 =	vshll.u32 v17, $0x6;
	v11 =	vld.idx.msk [tilespmem:v11+s2+$0x0], $0xffff;
	[tilespmem:s11+$0xA0] =	vst v12  }
0xb1: {  	v12 =	vshll.u32 v19, $0x6;
	v13 =	vld.idx.msk [tilespmem:v13+s2+$0x0], $0xffff;
	[tilespmem:s12+$0xFFFFFDD0] =	vst v14;
	v14 =	vor.u32 v1, v10  }
0xb2: {  	v16 =	vld.idx.msk [tilespmem:v16+s2+$0x0], $0xffff;
	[tilespmem:s12+$0x1D0] =	vst v15;
	v15 =	vor.u32 v1, v12  }
0xb3: {  	v8 =	vor.u32 v5, v8;
	v17 =	vld.idx.msk [tilespmem:v18+s2+$0x0], $0xffff  }
0xb4: {  	v9 =	vor.u32 v5, v9  }
0xb5: {  	[tilespmem:s11+$0xFFFFFCB0] =	vst v11  }
0xb6: {  	v11 =	vperm.xlane v2, v56;
	v14 =	vld.idx.msk [tilespmem:v14+s2+$0x0], $0xffff;
	[tilespmem:s11+$0xB0] =	vst v13  }
0xb7: {  	v13 =	vperm.xlane v0, v56;
	v15 =	vld.idx.msk [tilespmem:v15+s2+$0x0], $0xffff;
	[tilespmem:s12+$0xFFFFFDE0] =	vst v16;
	v16 =	vor.u32 v3, v10  }
0xb8: {  	v11 =	vshll.u32 v11, $0x6;
	v8 =	vld.idx.msk [tilespmem:v8+s2+$0x0], $0xffff;
	[tilespmem:s12+$0x1E0] =	vst v17;
	v17 =	vor.u32 v3, v12  }
0xb9: {  	v13 =	vshll.u32 v13, $0x6;
	v18 =	vor.u32 v1, v11;
	v9 =	vld.idx.msk [tilespmem:v9+s2+$0x0], $0xffff  }
0xba: {  	v19 =	vor.u32 v1, v13  }
0xbb: {  	[tilespmem:s11+$0xFFFFFCC0] =	vst v14  }
0xbc: {  	v14 =	vld.idx.msk [tilespmem:v16+s2+$0x0], $0xffff;
	[tilespmem:s11+$0xC0] =	vst v15  }
0xbd: {  	v15 =	vld.idx.msk [tilespmem:v17+s2+$0x0], $0xffff;
	[tilespmem:s12+$0xFFFFFDF0] =	vst v8;
	v8 =	vor.u32 v4, v10  }
0xbe: {  	v16 =	vld.idx.msk [tilespmem:v18+s2+$0x0], $0xffff;
	[tilespmem:s12+$0x1F0] =	vst v9;
	v9 =	vor.u32 v4, v12  }
0xbf: {  	v18 =	vor.u32 v3, v11;
	v17 =	vld.idx.msk [tilespmem:v19+s2+$0x0], $0xffff  }
0xc0: {  	v19 =	vor.u32 v3, v13  }
0xc1: {  	[tilespmem:s11+$0xFFFFFCD0] =	vst v14  }
0xc2: {  	v8 =	vld.idx.msk [tilespmem:v8+s2+$0x0], $0xffff;
	[tilespmem:s11+$0xD0] =	vst v15  }
0xc3: {  	v10 =	vor.u32 v5, v10;
	v9 =	vld.idx.msk [tilespmem:v9+s2+$0x0], $0xffff;
	[tilespmem:s12+$0xFFFFFE00] =	vst v16  }
0xc4: {  	v12 =	vor.u32 v5, v12;
	v14 =	vld.idx.msk [tilespmem:v18+s2+$0x0], $0xffff;
	[tilespmem:s12+$0x200] =	vst v17  }
0xc5: {  	v16 =	vor.u32 v4, v11;
	v15 =	vld.idx.msk [tilespmem:v19+s2+$0x0], $0xffff  }
0xc6: {  	v17 =	vperm.xlane v7, v50  }
0xc7: {  	v18 =	vor.u32 v4, v13;
	v19 =	vperm.xlane v6, v50;
	[tilespmem:s11+$0xFFFFFCE0] =	vst v8  }
0xc8: {  	v17 =	vshll.u32 v17, $0x6;
	v8 =	vld.idx.msk [tilespmem:v10+s2+$0x0], $0xffff;
	[tilespmem:s11+$0xE0] =	vst v9  }
0xc9: {  	v10 =	vshll.u32 v19, $0x6;
	v9 =	vld.idx.msk [tilespmem:v12+s2+$0x0], $0xffff;
	[tilespmem:s12+$0xFFFFFE10] =	vst v14;
	v12 =	vor.u32 v1, v17  }
0xca: {  	v14 =	vld.idx.msk [tilespmem:v16+s2+$0x0], $0xffff;
	[tilespmem:s12+$0x210] =	vst v15;
	v15 =	vor.u32 v1, v10  }
0xcb: {  	v11 =	vor.u32 v5, v11  }
0xcc: {  	v16 =	vld.idx.msk [tilespmem:v18+s2+$0x0], $0xffff  }
0xcd: {  	v13 =	vor.u32 v5, v13;
	[tilespmem:s11+$0xFFFFFCF0] =	vst v8  }
0xce: {  	v12 =	vld.idx.msk [tilespmem:v12+s2+$0x0], $0xffff;
	[tilespmem:s11+$0xF0] =	vst v9  }
0xcf: {  	v8 =	vperm.xlane v2, v20;
	v9 =	vperm.xlane v0, v20;
	v15 =	vld.idx.msk [tilespmem:v15+s2+$0x0], $0xffff;
	[tilespmem:s12+$0xFFFFFE20] =	vst v14  }
0xd0: {  	s13 =	simm.s32 $0x10050;
	v14 =	vor.u32 v3, v17;
	v11 =	vld.idx.msk [tilespmem:v11+s2+$0x0], $0xffff  }
0xd1: {  	v18 =	vor.u32 v3, v10;
	[tilespmem:s12+$0x220] =	vst v16;
	v16 =	vshll.u32 v8, $0x6;
	v19 =	vshll.u32 v9, $0x6;
	v9 =	vld [tilespmem:s13+$0xFFFFFFF0]  }
0xd2: {  	v13 =	vld.idx.msk [tilespmem:v13+s2+$0x0], $0xffff;
	v20 =	vor.u32 v1, v16  }
0xd3: {  	v8 =	vld [tilespmem:s13+$0x0];
	v21 =	vor.u32 v1, v19  }
0xd4: {  	[tilespmem:s11+$0xFFFFFD00] =	vst v12  }
0xd5: {  	v12 =	vld.idx.msk [tilespmem:v14+s2+$0x0], $0xffff;
	[tilespmem:s11+$0x100] =	vst v15  }
0xd6: {  	v14 =	vld.idx.msk [tilespmem:v18+s2+$0x0], $0xffff;
	[tilespmem:s12+$0xFFFFFE30] =	vst v11;
	v11 =	vor.u32 v4, v17  }
0xd7: {  	v18 =	vperm.xlane v9, v55;
	v15 =	vld.idx.msk [tilespmem:v20+s2+$0x0], $0xffff;
	[tilespmem:s12+$0x230] =	vst v13;
	v13 =	vor.u32 v4, v10  }
0xd8: {  	v22 =	vperm.xlane v8, v55;
	v20 =	vor.u32 v3, v16;
	v21 =	vld.idx.msk [tilespmem:v21+s2+$0x0], $0xffff  }
0xd9: {  	v23 =	vor.u32 v3, v19;
	v18 =	vshll.u32 v18, $0x6  }
0xda: {  	v22 =	vshll.u32 v22, $0x6;
	[tilespmem:s11+$0xFFFFFD10] =	vst v12;
	v12 =	vor.u32 v1, v18  }
0xdb: {  	v11 =	vld.idx.msk [tilespmem:v11+s2+$0x0], $0xffff;
	[tilespmem:s11+$0x110] =	vst v14;
	v14 =	vor.u32 v1, v22  }
0xdc: {  	v13 =	vld.idx.msk [tilespmem:v13+s2+$0x0], $0xffff;
	[tilespmem:s12+$0xFFFFFE40] =	vst v15;
	v15 =	vor.u32 v5, v17  }
0xdd: {  	v10 =	vor.u32 v5, v10;
	v17 =	vld.idx.msk [tilespmem:v20+s2+$0x0], $0xffff;
	[tilespmem:s12+$0x240] =	vst v21  }
0xde: {  	v20 =	vor.u32 v4, v16;
	v21 =	vld.idx.msk [tilespmem:v23+s2+$0x0], $0xffff  }
0xdf: {  	v24 =	vor.u32 v4, v19;
	v23 =	vperm.xlane v7, v53;
	v12 =	vld.idx.msk [tilespmem:v12+s2+$0x0], $0xffff  }
0xe0: {  	v25 =	vperm.xlane v6, v53;
	v14 =	vld.idx.msk [tilespmem:v14+s2+$0x0], $0xffff;
	[tilespmem:s11+$0xFFFFFD20] =	vst v11;
	v11 =	vor.u32 v3, v18  }
0xe1: {  	v23 =	vshll.u32 v23, $0x6;
	v15 =	vld.idx.msk [tilespmem:v15+s2+$0x0], $0xffff;
	[tilespmem:s11+$0x120] =	vst v13;
	v13 =	vor.u32 v3, v22  }
0xe2: {  	v25 =	vshll.u32 v25, $0x6;
	v10 =	vld.idx.msk [tilespmem:v10+s2+$0x0], $0xffff;
	[tilespmem:s12+$0xFFFFFE50] =	vst v17;
	v17 =	vor.u32 v1, v23  }
0xe3: {  	s13 =	simm.s32 $0x11680;
	v20 =	vld.idx.msk [tilespmem:v20+s2+$0x0], $0xffff;
	[tilespmem:s12+$0x250] =	vst v21;
	v21 =	vor.u32 v1, v25  }
0xe4: {  	v24 =	vld.idx.msk [tilespmem:v24+s2+$0x0], $0xffff;
	[tilespmem:s13+$0xFFFFFC00] =	vst v12;
	v12 =	vor.u32 v5, v16  }
0xe5: {  	v11 =	vld.idx.msk [tilespmem:v11+s2+$0x0], $0xffff;
	[tilespmem:s13+$0x0] =	vst v14;
	v14 =	vor.u32 v5, v19  }
0xe6: {  	v13 =	vld.idx.msk [tilespmem:v13+s2+$0x0], $0xffff;
	[tilespmem:s11+$0xFFFFFD30] =	vst v15;
	v15 =	vor.u32 v4, v18  }
0xe7: {  	v16 =	vperm.xlane v2, v31;
	v17 =	vld.idx.msk [tilespmem:v17+s2+$0x0], $0xffff;
	[tilespmem:s11+$0x130] =	vst v10;
	v10 =	vor.u32 v4, v22  }
0xe8: {  	v19 =	vperm.xlane v0, v31;
	v21 =	vld.idx.msk [tilespmem:v21+s2+$0x0], $0xffff;
	[tilespmem:s12+$0xFFFFFE60] =	vst v20;
	v20 =	vor.u32 v3, v23  }
0xe9: {  	v16 =	vshll.u32 v16, $0x6;
	v12 =	vld.idx.msk [tilespmem:v12+s2+$0x0], $0xffff;
	[tilespmem:s12+$0x260] =	vst v24;
	v24 =	vor.u32 v3, v25  }
0xea: {  	v19 =	vshll.u32 v19, $0x6;
	v14 =	vld.idx.msk [tilespmem:v14+s2+$0x0], $0xffff;
	[tilespmem:s13+$0xFFFFFC10] =	vst v11;
	v11 =	vor.u32 v1, v16  }
0xeb: {  	v15 =	vld.idx.msk [tilespmem:v15+s2+$0x0], $0xffff;
	[tilespmem:s13+$0x10] =	vst v13;
	v13 =	vor.u32 v1, v19  }
0xec: {  	v10 =	vld.idx.msk [tilespmem:v10+s2+$0x0], $0xffff;
	[tilespmem:s11+$0xFFFFFD40] =	vst v17;
	v17 =	vor.u32 v5, v18  }
0xed: {  	v18 =	vld.idx.msk [tilespmem:v20+s2+$0x0], $0xffff;
	[tilespmem:s11+$0x140] =	vst v21;
	v20 =	vor.u32 v5, v22  }
0xee: {  	v21 =	vld.idx.msk [tilespmem:v24+s2+$0x0], $0xffff;
	[tilespmem:s12+$0xFFFFFE70] =	vst v12;
	v12 =	vor.u32 v4, v23  }
0xef: {  	v22 =	vperm.xlane v9, v57;
	v11 =	vld.idx.msk [tilespmem:v11+s2+$0x0], $0xffff;
	[tilespmem:s12+$0x270] =	vst v14;
	v14 =	vor.u32 v4, v25  }
0xf0: {  	v24 =	vperm.xlane v8, v57;
	v13 =	vld.idx.msk [tilespmem:v13+s2+$0x0], $0xffff;
	[tilespmem:s13+$0xFFFFFC20] =	vst v15;
	v15 =	vor.u32 v3, v16  }
0xf1: {  	v22 =	vshll.u32 v22, $0x6;
	v17 =	vld.idx.msk [tilespmem:v17+s2+$0x0], $0xffff;
	[tilespmem:s13+$0x20] =	vst v10;
	v10 =	vor.u32 v3, v19  }
0xf2: {  	v24 =	vshll.u32 v24, $0x6;
	v20 =	vld.idx.msk [tilespmem:v20+s2+$0x0], $0xffff;
	[tilespmem:s11+$0xFFFFFD50] =	vst v18;
	v18 =	vor.u32 v1, v22  }
0xf3: {  	v12 =	vld.idx.msk [tilespmem:v12+s2+$0x0], $0xffff;
	[tilespmem:s11+$0x150] =	vst v21;
	v21 =	vor.u32 v1, v24  }
0xf4: {  	v14 =	vld.idx.msk [tilespmem:v14+s2+$0x0], $0xffff;
	[tilespmem:s12+$0xFFFFFE80] =	vst v11;
	v11 =	vor.u32 v5, v23  }
0xf5: {  	v15 =	vld.idx.msk [tilespmem:v15+s2+$0x0], $0xffff;
	[tilespmem:s12+$0x280] =	vst v13;
	v13 =	vor.u32 v5, v25  }
0xf6: {  	v10 =	vld.idx.msk [tilespmem:v10+s2+$0x0], $0xffff;
	[tilespmem:s13+$0xFFFFFC30] =	vst v17;
	v17 =	vor.u32 v4, v16  }
0xf7: {  	v23 =	vperm.xlane v7, v58;
	v18 =	vld.idx.msk [tilespmem:v18+s2+$0x0], $0xffff;
	[tilespmem:s13+$0x30] =	vst v20;
	v20 =	vor.u32 v4, v19  }
0xf8: {  	v25 =	vperm.xlane v6, v58;
	v21 =	vld.idx.msk [tilespmem:v21+s2+$0x0], $0xffff;
	[tilespmem:s11+$0xFFFFFD60] =	vst v12;
	v12 =	vor.u32 v3, v22  }
0xf9: {  	v23 =	vshll.u32 v23, $0x6;
	v11 =	vld.idx.msk [tilespmem:v11+s2+$0x0], $0xffff;
	[tilespmem:s11+$0x160] =	vst v14;
	v14 =	vor.u32 v3, v24  }
0xfa: {  	v25 =	vshll.u32 v25, $0x6;
	v13 =	vld.idx.msk [tilespmem:v13+s2+$0x0], $0xffff;
	[tilespmem:s12+$0xFFFFFE90] =	vst v15;
	v15 =	vor.u32 v1, v23  }
0xfb: {  	v17 =	vld.idx.msk [tilespmem:v17+s2+$0x0], $0xffff;
	[tilespmem:s12+$0x290] =	vst v10;
	v10 =	vor.u32 v1, v25  }
0xfc: {  	v16 =	vor.u32 v5, v16;
	v20 =	vld.idx.msk [tilespmem:v20+s2+$0x0], $0xffff;
	[tilespmem:s13+$0xFFFFFC40] =	vst v18  }
0xfd: {  	v18 =	vor.u32 v5, v19;
	v12 =	vld.idx.msk [tilespmem:v12+s2+$0x0], $0xffff;
	[tilespmem:s13+$0x40] =	vst v21  }
0xfe: {  	v14 =	vld.idx.msk [tilespmem:v14+s2+$0x0], $0xffff;
	[tilespmem:s11+$0xFFFFFD70] =	vst v11;
	v11 =	vor.u32 v4, v22  }
0xff: {  	v19 =	vperm.xlane v2, v26;
	v15 =	vld.idx.msk [tilespmem:v15+s2+$0x0], $0xffff;
	[tilespmem:s11+$0x170] =	vst v13;
	v13 =	vor.u32 v4, v24  }
0x100: {  	v21 =	vperm.xlane v0, v26;
	v10 =	vld.idx.msk [tilespmem:v10+s2+$0x0], $0xffff;
	[tilespmem:s12+$0xFFFFFEA0] =	vst v17;
	v17 =	vor.u32 v3, v23  }
0x101: {  	v19 =	vshll.u32 v19, $0x6;
	v16 =	vld.idx.msk [tilespmem:v16+s2+$0x0], $0xffff;
	[tilespmem:s12+$0x2A0] =	vst v20;
	v20 =	vor.u32 v3, v25  }
0x102: {  	v21 =	vshll.u32 v21, $0x6;
	v18 =	vld.idx.msk [tilespmem:v18+s2+$0x0], $0xffff;
	[tilespmem:s13+$0xFFFFFC50] =	vst v12;
	v12 =	vor.u32 v1, v19  }
0x103: {  	v11 =	vld.idx.msk [tilespmem:v11+s2+$0x0], $0xffff;
	[tilespmem:s13+$0x50] =	vst v14;
	v14 =	vor.u32 v1, v21  }
0x104: {  	v13 =	vld.idx.msk [tilespmem:v13+s2+$0x0], $0xffff;
	[tilespmem:s11+$0xFFFFFD80] =	vst v15;
	v15 =	vor.u32 v5, v22  }
0x105: {  	v17 =	vld.idx.msk [tilespmem:v17+s2+$0x0], $0xffff;
	[tilespmem:s11+$0x180] =	vst v10;
	v10 =	vor.u32 v5, v24  }
0x106: {  	v20 =	vld.idx.msk [tilespmem:v20+s2+$0x0], $0xffff;
	[tilespmem:s12+$0xFFFFFEB0] =	vst v16;
	v16 =	vor.u32 v4, v23  }
0x107: {  	v22 =	vperm.xlane v9, v59;
	v12 =	vld.idx.msk [tilespmem:v12+s2+$0x0], $0xffff;
	[tilespmem:s12+$0x2B0] =	vst v18;
	v18 =	vor.u32 v4, v25  }
0x108: {  	v24 =	vperm.xlane v8, v59;
	v14 =	vld.idx.msk [tilespmem:v14+s2+$0x0], $0xffff;
	[tilespmem:s13+$0xFFFFFC60] =	vst v11;
	v11 =	vor.u32 v3, v19  }
0x109: {  	v22 =	vshll.u32 v22, $0x6;
	v15 =	vld.idx.msk [tilespmem:v15+s2+$0x0], $0xffff;
	[tilespmem:s13+$0x60] =	vst v13;
	v13 =	vor.u32 v3, v21  }
0x10a: {  	v24 =	vshll.u32 v24, $0x6;
	v10 =	vld.idx.msk [tilespmem:v10+s2+$0x0], $0xffff;
	[tilespmem:s11+$0xFFFFFD90] =	vst v17;
	v17 =	vor.u32 v1, v22  }
0x10b: {  	v16 =	vld.idx.msk [tilespmem:v16+s2+$0x0], $0xffff;
	[tilespmem:s11+$0x190] =	vst v20;
	v20 =	vor.u32 v1, v24  }
0x10c: {  	v18 =	vld.idx.msk [tilespmem:v18+s2+$0x0], $0xffff;
	[tilespmem:s12+$0xFFFFFEC0] =	vst v12;
	v12 =	vor.u32 v5, v23  }
0x10d: {  	v11 =	vld.idx.msk [tilespmem:v11+s2+$0x0], $0xffff;
	[tilespmem:s12+$0x2C0] =	vst v14;
	v14 =	vor.u32 v5, v25  }
0x10e: {  	v23 =	vor.u32 v4, v19;
	v13 =	vld.idx.msk [tilespmem:v13+s2+$0x0], $0xffff;
	[tilespmem:s13+$0xFFFFFC70] =	vst v15  }
0x10f: {  	v15 =	vperm.xlane v7, v54;
	v17 =	vld.idx.msk [tilespmem:v17+s2+$0x0], $0xffff;
	[tilespmem:s13+$0x70] =	vst v10;
	v10 =	vor.u32 v4, v21  }
0x110: {  	v25 =	vperm.xlane v6, v54;
	v20 =	vld.idx.msk [tilespmem:v20+s2+$0x0], $0xffff;
	[tilespmem:s11+$0xFFFFFDA0] =	vst v16;
	v16 =	vor.u32 v3, v22  }
0x111: {  	v15 =	vshll.u32 v15, $0x6;
	v12 =	vld.idx.msk [tilespmem:v12+s2+$0x0], $0xffff;
	[tilespmem:s11+$0x1A0] =	vst v18;
	v18 =	vor.u32 v3, v24  }
0x112: {  	v25 =	vshll.u32 v25, $0x6;
	v14 =	vld.idx.msk [tilespmem:v14+s2+$0x0], $0xffff;
	[tilespmem:s12+$0xFFFFFED0] =	vst v11;
	v11 =	vor.u32 v1, v15  }
0x113: {  	v23 =	vld.idx.msk [tilespmem:v23+s2+$0x0], $0xffff;
	[tilespmem:s12+$0x2D0] =	vst v13;
	v13 =	vor.u32 v1, v25  }
0x114: {  	v10 =	vld.idx.msk [tilespmem:v10+s2+$0x0], $0xffff;
	[tilespmem:s13+$0xFFFFFC80] =	vst v17;
	v17 =	vor.u32 v5, v19  }
0x115: {  	v19 =	vor.u32 v5, v21;
	v16 =	vld.idx.msk [tilespmem:v16+s2+$0x0], $0xffff;
	[tilespmem:s13+$0x80] =	vst v20  }
0x116: {  	v18 =	vld.idx.msk [tilespmem:v18+s2+$0x0], $0xffff;
	[tilespmem:s11+$0xFFFFFDB0] =	vst v12;
	v12 =	vor.u32 v4, v22  }
0x117: {  	v20 =	vperm.xlane v2, v27;
	v11 =	vld.idx.msk [tilespmem:v11+s2+$0x0], $0xffff;
	[tilespmem:s11+$0x1B0] =	vst v14;
	v14 =	vor.u32 v4, v24  }
0x118: {  	v21 =	vperm.xlane v0, v27;
	v13 =	vld.idx.msk [tilespmem:v13+s2+$0x0], $0xffff;
	[tilespmem:s12+$0xFFFFFEE0] =	vst v23;
	v23 =	vor.u32 v3, v15  }
0x119: {  	v20 =	vshll.u32 v20, $0x6;
	v17 =	vld.idx.msk [tilespmem:v17+s2+$0x0], $0xffff;
	[tilespmem:s12+$0x2E0] =	vst v10;
	v10 =	vor.u32 v3, v25  }
0x11a: {  	v21 =	vshll.u32 v21, $0x6;
	v19 =	vld.idx.msk [tilespmem:v19+s2+$0x0], $0xffff;
	[tilespmem:s13+$0xFFFFFC90] =	vst v16;
	v16 =	vor.u32 v1, v20  }
0x11b: {  	v12 =	vld.idx.msk [tilespmem:v12+s2+$0x0], $0xffff;
	[tilespmem:s13+$0x90] =	vst v18;
	v18 =	vor.u32 v1, v21  }
0x11c: {  	v14 =	vld.idx.msk [tilespmem:v14+s2+$0x0], $0xffff;
	[tilespmem:s11+$0xFFFFFDC0] =	vst v11;
	v11 =	vor.u32 v5, v22  }
0x11d: {  	v22 =	vld.idx.msk [tilespmem:v23+s2+$0x0], $0xffff;
	[tilespmem:s11+$0x1C0] =	vst v13;
	v13 =	vor.u32 v5, v24  }
0x11e: {  	v24 =	vimm.s32 $0x3;
	v10 =	vld.idx.msk [tilespmem:v10+s2+$0x0], $0xffff;
	[tilespmem:s12+$0xFFFFFEF0] =	vst v17;
	v17 =	vor.u32 v4, v15  }
0x11f: {  	v23 =	vperm.xlane v9, v24;
	v16 =	vld.idx.msk [tilespmem:v16+s2+$0x0], $0xffff;
	[tilespmem:s12+$0x2F0] =	vst v19;
	v19 =	vor.u32 v4, v25  }
0x120: {  	v24 =	vperm.xlane v8, v24;
	v18 =	vld.idx.msk [tilespmem:v18+s2+$0x0], $0xffff;
	[tilespmem:s13+$0xFFFFFCA0] =	vst v12;
	v12 =	vor.u32 v3, v20  }
0x121: {  	v23 =	vshll.u32 v23, $0x6;
	v11 =	vld.idx.msk [tilespmem:v11+s2+$0x0], $0xffff;
	[tilespmem:s13+$0xA0] =	vst v14;
	v14 =	vor.u32 v3, v21  }
0x122: {  	v24 =	vshll.u32 v24, $0x6;
	v13 =	vld.idx.msk [tilespmem:v13+s2+$0x0], $0xffff;
	[tilespmem:s11+$0xFFFFFDD0] =	vst v22;
	v22 =	vor.u32 v1, v23  }
0x123: {  	v17 =	vld.idx.msk [tilespmem:v17+s2+$0x0], $0xffff;
	[tilespmem:s11+$0x1D0] =	vst v10;
	v10 =	vor.u32 v1, v24  }
0x124: {  	v15 =	vor.u32 v5, v15;
	v19 =	vld.idx.msk [tilespmem:v19+s2+$0x0], $0xffff;
	[tilespmem:s12+$0xFFFFFF00] =	vst v16  }
0x125: {  	v16 =	vor.u32 v5, v25;
	v12 =	vld.idx.msk [tilespmem:v12+s2+$0x0], $0xffff;
	[tilespmem:s12+$0x300] =	vst v18  }
0x126: {  	v14 =	vld.idx.msk [tilespmem:v14+s2+$0x0], $0xffff;
	[tilespmem:s13+$0xFFFFFCB0] =	vst v11;
	v11 =	vor.u32 v4, v20  }
0x127: {  	v18 =	vperm.xlane v7, v56;
	v22 =	vld.idx.msk [tilespmem:v22+s2+$0x0], $0xffff;
	[tilespmem:s13+$0xB0] =	vst v13;
	v13 =	vor.u32 v4, v21  }
0x128: {  	v25 =	vperm.xlane v6, v56;
	v10 =	vld.idx.msk [tilespmem:v10+s2+$0x0], $0xffff;
	[tilespmem:s11+$0xFFFFFDE0] =	vst v17;
	v17 =	vor.u32 v3, v23  }
0x129: {  	v18 =	vshll.u32 v18, $0x6;
	v15 =	vld.idx.msk [tilespmem:v15+s2+$0x0], $0xffff;
	[tilespmem:s11+$0x1E0] =	vst v19;
	v19 =	vor.u32 v3, v24  }
0x12a: {  	v25 =	vshll.u32 v25, $0x6;
	v16 =	vld.idx.msk [tilespmem:v16+s2+$0x0], $0xffff;
	[tilespmem:s12+$0xFFFFFF10] =	vst v12;
	v12 =	vor.u32 v1, v18  }
0x12b: {  	v11 =	vld.idx.msk [tilespmem:v11+s2+$0x0], $0xffff;
	[tilespmem:s12+$0x310] =	vst v14;
	v14 =	vor.u32 v1, v25  }
0x12c: {  	v20 =	vor.u32 v5, v20;
	v13 =	vld.idx.msk [tilespmem:v13+s2+$0x0], $0xffff;
	[tilespmem:s13+$0xFFFFFCC0] =	vst v22  }
0x12d: {  	v17 =	vld.idx.msk [tilespmem:v17+s2+$0x0], $0xffff;
	[tilespmem:s13+$0xC0] =	vst v10;
	v10 =	vor.u32 v5, v21  }
0x12e: {  	v19 =	vld.idx.msk [tilespmem:v19+s2+$0x0], $0xffff;
	[tilespmem:s11+$0xFFFFFDF0] =	vst v15;
	v15 =	vor.u32 v4, v23  }
0x12f: {  	v21 =	vperm.xlane v2, v28;
	v12 =	vld.idx.msk [tilespmem:v12+s2+$0x0], $0xffff;
	[tilespmem:s11+$0x1F0] =	vst v16;
	v16 =	vor.u32 v4, v24  }
0x130: {  	v22 =	vperm.xlane v0, v28;
	v14 =	vld.idx.msk [tilespmem:v14+s2+$0x0], $0xffff;
	[tilespmem:s12+$0xFFFFFF20] =	vst v11;
	v11 =	vor.u32 v3, v18  }
0x131: {  	v21 =	vshll.u32 v21, $0x6;
	v20 =	vld.idx.msk [tilespmem:v20+s2+$0x0], $0xffff;
	[tilespmem:s12+$0x320] =	vst v13;
	v13 =	vor.u32 v3, v25  }
0x132: {  	v22 =	vshll.u32 v22, $0x6;
	v10 =	vld.idx.msk [tilespmem:v10+s2+$0x0], $0xffff;
	[tilespmem:s13+$0xFFFFFCD0] =	vst v17;
	v17 =	vor.u32 v1, v21  }
0x133: {  	v15 =	vld.idx.msk [tilespmem:v15+s2+$0x0], $0xffff;
	[tilespmem:s13+$0xD0] =	vst v19;
	v19 =	vor.u32 v1, v22  }
0x134: {  	v16 =	vld.idx.msk [tilespmem:v16+s2+$0x0], $0xffff;
	[tilespmem:s11+$0xFFFFFE00] =	vst v12;
	v12 =	vor.u32 v5, v23  }
0x135: {  	v11 =	vld.idx.msk [tilespmem:v11+s2+$0x0], $0xffff;
	[tilespmem:s11+$0x200] =	vst v14;
	v14 =	vor.u32 v5, v24  }
0x136: {  	v13 =	vld.idx.msk [tilespmem:v13+s2+$0x0], $0xffff;
	[tilespmem:s12+$0xFFFFFF30] =	vst v20  }
0x137: {  	v20 =	vor.u32 v4, v18;
	v17 =	vld.idx.msk [tilespmem:v17+s2+$0x0], $0xffff;
	[tilespmem:s12+$0x330] =	vst v10  }
0x138: {  	v23 =	vperm.xlane v9, v50;
	v10 =	vor.u32 v4, v25;
	v19 =	vld.idx.msk [tilespmem:v19+s2+$0x0], $0xffff;
	[tilespmem:s13+$0xFFFFFCE0] =	vst v15  }
0x139: {  	v24 =	vperm.xlane v8, v50;
	v15 =	vor.u32 v3, v21;
	v12 =	vld.idx.msk [tilespmem:v12+s2+$0x0], $0xffff;
	[tilespmem:s13+$0xE0] =	vst v16  }
0x13a: {  	s15 =	simm.s32 $0x10070;
	v23 =	vshll.u32 v23, $0x6;
	v16 =	vor.u32 v3, v22;
	v14 =	vld.idx.msk [tilespmem:v14+s2+$0x0], $0xffff  }
0x13b: {  	v24 =	vshll.u32 v24, $0x6;
	v26 =	vor.u32 v1, v23;
	[tilespmem:s11+$0xFFFFFE10] =	vst v11;
	v11 =	vld [tilespmem:s15+$0x0]  }
0x13c: {  	v20 =	vld.idx.msk [tilespmem:v20+s2+$0x0], $0xffff;
	[tilespmem:s11+$0x210] =	vst v13;
	v13 =	vor.u32 v1, v24  }
0x13d: {  	v10 =	vld.idx.msk [tilespmem:v10+s2+$0x0], $0xffff;
	[tilespmem:s12+$0xFFFFFF40] =	vst v17;
	v17 =	vor.u32 v5, v18  }
0x13e: {  	v18 =	vor.u32 v5, v25;
	v15 =	vld.idx.msk [tilespmem:v15+s2+$0x0], $0xffff;
	[tilespmem:s12+$0x340] =	vst v19  }
0x13f: {  	v16 =	vld.idx.msk [tilespmem:v16+s2+$0x0], $0xffff;
	[tilespmem:s13+$0xFFFFFCF0] =	vst v12  }
0x140: {  	v25 =	vor.u32 v4, v22;
	v19 =	vld.idx.msk [tilespmem:v26+s2+$0x0], $0xffff;
	[tilespmem:s13+$0xF0] =	vst v14;
	v26 =	vimm.s32 $0x9  }
0x141: {  	v12 =	vor.u32 v4, v21;
	v14 =	vperm.xlane v7, v26;
	v13 =	vld.idx.msk [tilespmem:v13+s2+$0x0], $0xffff;
	[tilespmem:s11+$0xFFFFFE20] =	vst v20  }
0x142: {  	v20 =	vperm.xlane v6, v26;
	v26 =	vor.u32 v3, v23;
	v17 =	vld.idx.msk [tilespmem:v17+s2+$0x0], $0xffff;
	[tilespmem:s11+$0x220] =	vst v10  }
0x143: {  	v27 =	vperm.xlane v2, v29;
	v28 =	vshll.u32 v14, $0x6;
	v14 =	vor.u32 v3, v24;
	v18 =	vld.idx.msk [tilespmem:v18+s2+$0x0], $0xffff;
	[tilespmem:s12+$0xFFFFFF50] =	vst v15  }
0x144: {  	v15 =	vperm.xlane v2, v30;
	v31 =	vshll.u32 v20, $0x6;
	v2 =	vld [tilespmem:s15+$0xFFFFFFF0];
	v20 =	vor.u32 v1, v28;
	[tilespmem:s12+$0x350] =	vst v16  }
0x145: {  	v16 =	vor.u32 v1, v31;
	v25 =	vld.idx.msk [tilespmem:v25+s2+$0x0], $0xffff  }
0x146: {  	v22 =	vor.u32 v5, v22;
	v12 =	vld.idx.msk [tilespmem:v12+s2+$0x0], $0xffff;
	[tilespmem:s13+$0xFFFFFD00] =	vst v19  }
0x147: {  	v21 =	vor.u32 v5, v21;
	v26 =	vld.idx.msk [tilespmem:v26+s2+$0x0], $0xffff;
	[tilespmem:s13+$0x100] =	vst v13  }
0x148: {  	[tilespmem:s11+$0xFFFFFE30] =	vst v17;
	v14 =	vld.idx.msk [tilespmem:v14+s2+$0x0], $0xffff  }
0x149: {  	v10 =	vperm.xlane v0, v29;
	v17 =	vor.u32 v4, v23;
	[tilespmem:s11+$0x230] =	vst v18;
	v20 =	vld.idx.msk [tilespmem:v20+s2+$0x0], $0xffff  }
0x14a: {  	v33 =	vimm.s32 $0xB;
	v0 =	vperm.xlane v0, v30;
	v18 =	vor.u32 v4, v24;
	v16 =	vld.idx.msk [tilespmem:v16+s2+$0x0], $0xffff;
	[tilespmem:s12+$0x360] =	vst v25  }
0x14b: {  	v32 =	vshll.u32 v27, $0x6;
	v52 =	vor.u32 v3, v28;
	v13 =	vshll.u32 v15, $0x6;
	[tilespmem:s12+$0xFFFFFF60] =	vst v12;
	v22 =	vld.idx.msk [tilespmem:v22+s2+$0x0], $0xffff  }
0x14c: {  	v15 =	vperm.xlane v2, v55;
	v12 =	vshll.u32 v0, $0x6;
	v0 =	vor.u32 v3, v31;
	v21 =	vld.idx.msk [tilespmem:v21+s2+$0x0], $0xffff;
	[tilespmem:s13+$0xFFFFFD10] =	vst v26  }
0x14d: {  	v38 =	vimm.s32 $0xD;
	v61 =	vimm.s32 $0xA;
	v35 =	vor.u32 v1, v32;
	[tilespmem:s13+$0x110] =	vst v14  }
0x14e: {  	v27 =	vperm.xlane v6, v33;
	v25 =	vperm.xlane v11, v55;
	v36 =	vshll.u32 v15, $0x6;
	v17 =	vld.idx.msk [tilespmem:v17+s2+$0x0], $0xffff;
	[tilespmem:s11+$0xFFFFFE40] =	vst v20  }
0x14f: {  	v37 =	vimm.s32 $0xE;
	v19 =	vperm.xlane v6, v61;
	v39 =	vor.u32 v1, v36;
	v18 =	vld.idx.msk [tilespmem:v18+s2+$0x0], $0xffff;
	[tilespmem:s11+$0x240] =	vst v16  }
0x150: {  	v25 =	vshll.u32 v25, $0x6;
	v20 =	vor.u32 v5, v23;
	v23 =	vld.idx.msk [tilespmem:v52+s2+$0x0], $0xffff;
	[tilespmem:s12+$0x370] =	vst v22;
	v22 =	vperm.xlane v6, v37  }
0x151: {  	v60 =	vimm.s32 $0xC;
	v26 =	vperm.xlane v7, v38;
	v41 =	vor.u32 v1, v25;
	v0 =	vld.idx.msk [tilespmem:v0+s2+$0x0], $0xffff;
	[tilespmem:s12+$0xFFFFFF70] =	vst v21  }
0x152: {  	v15 =	vshll.u32 v19, $0x6;
	v19 =	vperm.xlane v6, v38;
	v38 =	vshll.u32 v27, $0x6;
	v27 =	vld.idx.msk [tilespmem:v35+s2+$0x0], $0xffff;
	[tilespmem:$0x1FE30] =	vst v22  }
0x153: {  	v40 =	vperm.xlane v6, v60;
	[tilespmem:s13+$0xFFFFFD20] =	vst v17;
	v17 =	vshll.u32 v26, $0x6  }
0x154: {  	v24 =	vor.u32 v5, v24;
	v62 =	vld.idx.msk [tilespmem:v39+s2+$0x0], $0xffff;
	[tilespmem:$0x1FE40] =	vst v17  }
0x155: {  	v21 =	vor.u32 v4, v28;
	[tilespmem:s13+$0x120] =	vst v18;
	v18 =	vshll.u32 v40, $0x6  }
0x156: {  	v49 =	vld.idx.msk [tilespmem:v41+s2+$0x0], $0xffff;
	[tilespmem:$0x1FE50] =	vst v18  }
0x157: {  	v34 =	vperm.xlane v7, v60;
	v22 =	vor.u32 v4, v31;
	[tilespmem:s11+$0xFFFFFE50] =	vst v23  }
0x158: {  	v48 =	vor.u32 v3, v32;
	v29 =	vperm.xlane v7, v61;
	v52 =	vld.idx.msk [tilespmem:v20+s2+$0x0], $0xffff;
	[tilespmem:s11+$0x250] =	vst v0  }
0x159: {  	v30 =	vperm.xlane v7, v33;
	v19 =	vshll.u32 v19, $0x6;
	v16 =	vperm.xlane v7, v37;
	v24 =	vld.idx.msk [tilespmem:v24+s2+$0x0], $0xffff;
	[tilespmem:s12+$0xFFFFFF80] =	vst v27  }
0x15a: {  	v63 =	vimm.s32 $0xF;
	s14 =	simm.s32 $0x11E80;
	v51 =	vor.u32 v3, v36;
	v17 =	vperm.xlane v9, v53;
	v42 =	vld.idx.msk [tilespmem:v21+s2+$0x0], $0xffff;
	[tilespmem:$0x1FE60] =	vst v19  }
0x15b: {  	v7 =	vperm.xlane v7, v63;
	v16 =	vshll.u32 v16, $0x6;
	v18 =	vperm.xlane v8, v53;
	[tilespmem:s14+$0xFFFFFC00] =	vst v62  }
0x15c: {  	v6 =	vperm.xlane v6, v63;
	v17 =	vshll.u32 v17, $0x6;
	v23 =	vor.u32 v3, v25;
	v44 =	vld.idx.msk [tilespmem:v22+s2+$0x0], $0xffff;
	[tilespmem:$0x1FE70] =	vst v16  }
0x15d: {  	v7 =	vshll.u32 v7, $0x6;
	v41 =	vshll.u32 v18, $0x6;
	v18 =	vor.u32 v1, v17;
	[tilespmem:s14+$0x0] =	vst v49  }
0x15e: {  	v43 =	vor.u32 v1, v41;
	v33 =	vld.idx.msk [tilespmem:v48+s2+$0x0], $0xffff;
	[tilespmem:$0x1FE80] =	vst v7  }
0x15f: {  	v28 =	vor.u32 v5, v28;
	v6 =	vshll.u32 v6, $0x6;
	[tilespmem:s13+$0xFFFFFD30] =	vst v52  }
0x160: {  	v31 =	vor.u32 v5, v31;
	v35 =	vld.idx.msk [tilespmem:v51+s2+$0x0], $0xffff;
	[tilespmem:$0x1FE90] =	vst v6  }
0x161: {  	v39 =	vor.u32 v4, v32;
	v62 =	vld.idx.msk [tilespmem:v23+s2+$0x0], $0xffff;
	[tilespmem:s13+$0x130] =	vst v24  }
0x162: {  	v24 =	vor.u32 v4, v36;
	v18 =	vld.idx.msk [tilespmem:v18+s2+$0x0], $0xffff;
	[tilespmem:s11+$0xFFFFFE60] =	vst v42  }
0x163: {  	v14 =	vshll.u32 v29, $0x6;
	v32 =	vor.u32 v5, v32;
	v0 =	vperm.xlane v8, v58;
	[tilespmem:s11+$0x260] =	vst v44;
	v43 =	vld.idx.msk [tilespmem:v43+s2+$0x0], $0xffff  }
0x164: {  	v29 =	vshll.u32 v34, $0x6;
	v16 =	vperm.xlane v8, v56;
	v42 =	vor.u32 v4, v25;
	v28 =	vld.idx.msk [tilespmem:v28+s2+$0x0], $0xffff;
	[tilespmem:s12+$0xFFFFFF90] =	vst v33  }
0x165: {  	v20 =	vimm.s32 $0x9;
	v19 =	vperm.xlane v8, v54;
	v44 =	vor.u32 v3, v17;
	v31 =	vld.idx.msk [tilespmem:v31+s2+$0x0], $0xffff;
	[tilespmem:s14+$0xFFFFFC10] =	vst v35  }
0x166: {  	v7 =	vperm.xlane v9, v58;
	v46 =	vshll.u32 v16, $0x6;
	v33 =	vor.u32 v3, v41;
	v39 =	vld.idx.msk [tilespmem:v39+s2+$0x0], $0xffff;
	[tilespmem:s14+$0x10] =	vst v62  }
0x167: {  	v51 =	vshll.u32 v19, $0x6;
	v19 =	vperm.xlane v9, v20;
	v35 =	vor.u32 v1, v14;
	v24 =	vld.idx.msk [tilespmem:v24+s2+$0x0], $0xffff;
	[tilespmem:s13+$0xFFFFFD40] =	vst v18  }
0x168: {  	v16 =	vperm.xlane v8, v20;
	v20 =	vimm.s32 $0xB;
	v62 =	vor.u32 v1, v15;
	[tilespmem:s13+$0x140] =	vst v43  }
0x169: {  	v6 =	vperm.xlane v9, v54;
	v34 =	vshll.u32 v7, $0x6;
	v45 =	vshll.u32 v19, $0x6;
	v19 =	vld.idx.msk [tilespmem:v42+s2+$0x0], $0xffff;
	[tilespmem:s11+$0xFFFFFE70] =	vst v28  }
0x16a: {  	v7 =	vperm.xlane v9, v61;
	v47 =	vshll.u32 v16, $0x6;
	v18 =	vperm.xlane v8, v20;
	v42 =	vld.idx.msk [tilespmem:v44+s2+$0x0], $0xffff;
	[tilespmem:s11+$0x270] =	vst v31  }
0x16b: {  	v16 =	vperm.xlane v9, v60;
	v23 =	vshll.u32 v0, $0x6;
	v0 =	vperm.xlane v9, v56;
	v28 =	vld.idx.msk [tilespmem:v33+s2+$0x0], $0xffff;
	[tilespmem:s12+$0xFFFFFFA0] =	vst v39  }
0x16c: {  	v36 =	vor.u32 v5, v36;
	v25 =	vor.u32 v5, v25;
	v18 =	vshll.u32 v18, $0x6;
	v33 =	vld.idx.msk [tilespmem:v35+s2+$0x0], $0xffff;
	[tilespmem:s14+$0xFFFFFC20] =	vst v24  }
0x16d: {  	v48 =	vshll.u32 v0, $0x6;
	v0 =	vperm.xlane v9, v20;
	v20 =	vimm.s32 $0xD;
	v62 =	vld.idx.msk [tilespmem:v62+s2+$0x0], $0xffff;
	[tilespmem:$0x1FEA0] =	vst v18  }
0x16e: {  	v16 =	vshll.u32 v16, $0x6;
	v43 =	vshll.u32 v7, $0x6;
	v7 =	vperm.xlane v9, v20;
	[tilespmem:s14+$0x20] =	vst v19  }
0x16f: {  	v52 =	vshll.u32 v6, $0x6;
	v6 =	vperm.xlane v8, v61;
	v31 =	vor.u32 v4, v17;
	v32 =	vld.idx.msk [tilespmem:v32+s2+$0x0], $0xffff;
	[tilespmem:$0x1FEB0] =	vst v16  }
0x170: {  	v7 =	vshll.u32 v7, $0x6;
	[tilespmem:s13+$0xFFFFFD50] =	vst v42  }
0x171: {  	v49 =	vor.u32 v4, v41;
	v44 =	vshll.u32 v6, $0x6;
	v6 =	vperm.xlane v8, v60;
	v36 =	vld.idx.msk [tilespmem:v36+s2+$0x0], $0xffff;
	[tilespmem:$0x1FEC0] =	vst v7  }
0x172: {  	[tilespmem:s13+$0x150] =	vst v28  }
0x173: {  	v21 =	vshll.u32 v0, $0x6;
	v0 =	vperm.xlane v8, v20;
	v6 =	vshll.u32 v6, $0x6;
	v7 =	vld.idx.msk [tilespmem:v25+s2+$0x0], $0xffff;
	[tilespmem:s11+$0xFFFFFE80] =	vst v33  }
0x174: {  	v37 =	vor.u32 v3, v15;
	v20 =	vimm.s32 $0xE;
	v31 =	vld.idx.msk [tilespmem:v31+s2+$0x0], $0xffff;
	[tilespmem:$0x1FED0] =	vst v6  }
0x175: {  	v0 =	vshll.u32 v0, $0x6;
	v24 =	vor.u32 v3, v14;
	v18 =	vperm.xlane v2, v57;
	[tilespmem:s11+$0x280] =	vst v62  }
0x176: {  	v16 =	vperm.xlane v11, v57;
	v35 =	vld.idx.msk [tilespmem:v49+s2+$0x0], $0xffff;
	[tilespmem:$0x1FEE0] =	vst v0;
	v0 =	vperm.xlane v8, v20  }
0x177: {  	v19 =	vshll.u32 v18, $0x6;
	v25 =	vor.u32 v1, v13;
	v28 =	vperm.xlane v9, v20  }
0x178: {  	v18 =	vshll.u32 v16, $0x6;
	v16 =	vor.u32 v1, v19;
	[tilespmem:$0x1FEF0] =	vst v0  }
0x179: {  	v6 =	vperm.xlane v9, v63;
	v9 =	vor.u32 v1, v18;
	v20 =	vshll.u32 v28, $0x6;
	[tilespmem:s12+$0xFFFFFFB0] =	vst v32  }
0x17a: {  	v0 =	vor.u32 v5, v17;
	v17 =	vld.idx.msk [tilespmem:v24+s2+$0x0], $0xffff;
	[tilespmem:$0x1FF00] =	vst v20  }
0x17b: {  	v8 =	vperm.xlane v8, v63;
	v28 =	vld.idx.msk [tilespmem:v37+s2+$0x0], $0xffff;
	[tilespmem:s14+$0xFFFFFC30] =	vst v36  }
0x17c: {  	v24 =	vor.u32 v5, v41;
	v25 =	vld.idx.msk [tilespmem:v25+s2+$0x0], $0xffff;
	[tilespmem:s14+$0x30] =	vst v7  }
0x17d: {  	v49 =	vor.u32 v4, v14;
	v62 =	vor.u32 v4, v15;
	v26 =	vshll.u32 v8, $0x6;
	[tilespmem:s13+$0xFFFFFD60] =	vst v31;
	v8 =	vld.idx.msk [tilespmem:v16+s2+$0x0], $0xffff  }
0x17e: {  	v20 =	vimm.s32 $0x3;
	v37 =	vshll.u32 v6, $0x6;
	v6 =	vperm.xlane v11, v59;
	[tilespmem:s13+$0x160] =	vst v35;
	v9 =	vld.idx.msk [tilespmem:v9+s2+$0x0], $0xffff  }
0x17f: {  	v39 =	vor.u32 v3, v13;
	v33 =	vshll.u32 v10, $0x6;
	v7 =	vperm.xlane v11, v20;
	v40 =	vld.idx.msk [tilespmem:v0+s2+$0x0], $0xffff;
	[tilespmem:s11+$0xFFFFFE90] =	vst v17  }
0x180: {  	v35 =	vor.u32 v3, v19;
	v31 =	vshll.u32 v6, $0x6;
	v6 =	vperm.xlane v11, v53;
	[tilespmem:s11+$0x290] =	vst v28  }
0x181: {  	v10 =	vperm.xlane v11, v50;
	v41 =	vor.u32 v3, v18;
	v16 =	vshll.u32 v7, $0x6;
	v24 =	vld.idx.msk [tilespmem:v24+s2+$0x0], $0xffff;
	[tilespmem:s12+$0xFFFFFFC0] =	vst v25  }
0x182: {  	v42 =	vld.idx.msk [tilespmem:v49+s2+$0x0], $0xffff;
	v0 =	vshll.u32 v6, $0x6;
	v6 =	vperm.xlane v11, v56;
	v28 =	vor.u32 v1, v34;
	[tilespmem:s14+$0xFFFFFC40] =	vst v8  }
0x183: {  	v7 =	vshll.u32 v10, $0x6;
	v10 =	vperm.xlane v11, v54;
	v17 =	vperm.xlane v11, v58;
	v36 =	vld.idx.msk [tilespmem:v62+s2+$0x0], $0xffff;
	[tilespmem:s14+$0x40] =	vst v9  }
0x184: {  	v49 =	vor.u32 v1, v23;
	v39 =	vld.idx.msk [tilespmem:v39+s2+$0x0], $0xffff;
	v6 =	vshll.u32 v6, $0x6;
	[tilespmem:s13+$0xFFFFFD70] =	vst v40  }
0x185: {  	v27 =	vshll.u32 v10, $0x6;
	v62 =	vshll.u32 v17, $0x6;
	v17 =	vor.u32 v5, v14;
	v10 =	vld.idx.msk [tilespmem:v35+s2+$0x0], $0xffff;
	[tilespmem:$0x1FF10] =	vst v6  }
0x186: {  	v15 =	vor.u32 v5, v15;
	v35 =	vld.idx.msk [tilespmem:v41+s2+$0x0], $0xffff;
	[tilespmem:s13+$0x170] =	vst v24  }
0x187: {  	v40 =	vor.u32 v4, v13;
	[tilespmem:s11+$0xFFFFFEA0] =	vst v42;
	v41 =	vld.idx.msk [tilespmem:v28+s2+$0x0], $0xffff  }
0x188: {  	v24 =	vor.u32 v4, v19;
	[tilespmem:s11+$0x2A0] =	vst v36  }
0x189: {  	v8 =	vperm.xlane v2, v59;
	v6 =	vperm.xlane v2, v50;
	v49 =	vld.idx.msk [tilespmem:v49+s2+$0x0], $0xffff;
	[tilespmem:s12+$0xFFFFFFD0] =	vst v39  }
0x18a: {  	v42 =	vor.u32 v4, v18;
	v17 =	vld.idx.msk [tilespmem:v17+s2+$0x0], $0xffff;
	v39 =	vperm.xlane v2, v56;
	[tilespmem:s14+$0xFFFFFC50] =	vst v10  }
0x18b: {  	v50 =	vor.u32 v3, v34;
	v36 =	vperm.xlane v2, v54;
	v15 =	vld.idx.msk [tilespmem:v15+s2+$0x0], $0xffff;
	v10 =	vimm.s32 $0x9;
	[tilespmem:s14+$0x50] =	vst v35  }
0x18c: {  	v40 =	vld.idx.msk [tilespmem:v40+s2+$0x0], $0xffff;
	v54 =	vperm.xlane v2, v10;
	v35 =	vperm.xlane v11, v10;
	v10 =	vshll.u32 v39, $0x6;
	[tilespmem:s13+$0xFFFFFD80] =	vst v41  }
0x18d: {  	v9 =	vperm.xlane v2, v20;
	v24 =	vld.idx.msk [tilespmem:v24+s2+$0x0], $0xffff;
	[tilespmem:$0x1FF20] =	vst v10  }
0x18e: {  	v32 =	vshll.u32 v8, $0x6;
	v8 =	vperm.xlane v2, v53;
	v10 =	vshll.u32 v54, $0x6;
	[tilespmem:s13+$0x180] =	vst v49  }
0x18f: {  	v30 =	vshll.u32 v30, $0x6;
	v53 =	vor.u32 v3, v23;
	v39 =	vperm.xlane v2, v61;
	v41 =	vld.idx.msk [tilespmem:v42+s2+$0x0], $0xffff;
	[tilespmem:$0x1FF30] =	vst v10  }
0x190: {  	v14 =	vimm.s32 $0xB;
	v28 =	vperm.xlane v2, v58;
	v10 =	vshll.u32 v35, $0x6;
	[tilespmem:s11+$0xFFFFFEB0] =	vst v17  }
0x191: {  	v25 =	vshll.u32 v9, $0x6;
	v61 =	vperm.xlane v11, v61;
	v49 =	vld.idx.msk [tilespmem:v50+s2+$0x0], $0xffff;
	[tilespmem:$0x1FF40] =	vst v10;
	v10 =	vshll.u32 v39, $0x6  }
0x192: {  	v9 =	vshll.u32 v6, $0x6;
	v56 =	vor.u32 v1, v30;
	v6 =	vshll.u32 v28, $0x6;
	[tilespmem:$0x1FF50] =	vst v10  }
0x193: {  	v28 =	vshll.u32 v36, $0x6;
	v36 =	vor.u32 v1, v38;
	v10 =	vshll.u32 v61, $0x6;
	[tilespmem:s11+$0x2B0] =	vst v15  }
0x194: {  	v17 =	vperm.xlane v2, v14;
	v39 =	vld.idx.msk [tilespmem:v53+s2+$0x0], $0xffff;
	[tilespmem:$0x1FF60] =	vst v10  }
0x195: {  	v13 =	vor.u32 v5, v13;
	v50 =	vperm.xlane v11, v14;
	v61 =	vperm.xlane v2, v60;
	[tilespmem:s12+$0xFFFFFFE0] =	vst v40  }
0x196: {  	v15 =	vshll.u32 v17, $0x6;
	[tilespmem:s14+$0xFFFFFC60] =	vst v24  }
0x197: {  	v17 =	vshll.u32 v50, $0x6;
	v50 =	vperm.xlane v11, v60;
	v10 =	vshll.u32 v61, $0x6;
	v42 =	vld.idx.msk [tilespmem:v56+s2+$0x0], $0xffff;
	[tilespmem:s14+$0x60] =	vst v41  }
0x198: {  	v14 =	vimm.s32 $0xD;
	v35 =	vld.idx.msk [tilespmem:v36+s2+$0x0], $0xffff;
	[tilespmem:$0x1FF70] =	vst v10  }
0x199: {  	v53 =	vperm.xlane v11, v14;
	v10 =	vshll.u32 v50, $0x6;
	[tilespmem:s13+$0xFFFFFD90] =	vst v49  }
0x19a: {  	v24 =	vperm.xlane v2, v14;
	v13 =	vld.idx.msk [tilespmem:v13+s2+$0x0], $0xffff;
	[tilespmem:$0x1FF80] =	vst v10  }
0x19b: {  	v22 =	vimm.s32 $0xE;
	v10 =	vshll.u32 v53, $0x6;
	[tilespmem:s13+$0x190] =	vst v39  }
0x19c: {  	v19 =	vor.u32 v5, v19;
	v60 =	vshll.u32 v24, $0x6;
	v24 =	vperm.xlane v2, v22;
	[tilespmem:$0x1FF90] =	vst v10  }
0x19d: {  	v18 =	vor.u32 v5, v18;
	[tilespmem:s11+$0xFFFFFEC0] =	vst v42  }
0x19e: {  	v36 =	vor.u32 v4, v34;
	v20 =	vshll.u32 v24, $0x6;
	v10 =	vperm.xlane v11, v22;
	[tilespmem:s11+$0x2C0] =	vst v35  }
0x19f: {  	[tilespmem:$0x1FFA0] =	vst v20  }
0x1a0: {  	v40 =	vor.u32 v4, v23;
	v2 =	vperm.xlane v2, v63;
	[tilespmem:$0x1FFB0] =	vst v10  }
0x1a1: {  	v35 =	vor.u32 v3, v30;
	v49 =	vld.idx.msk [tilespmem:v19+s2+$0x0], $0xffff  }
0x1a2: {  	v54 =	vperm.xlane v11, v63;
	v61 =	vshll.u32 v2, $0x6;
	v2 =	vor.u32 v4, v33;
	[tilespmem:s12+$0xFFFFFFF0] =	vst v13;
	v50 =	vld.idx.msk [tilespmem:v18+s2+$0x0], $0xffff  }
0x1a3: {  	v8 =	vshll.u32 v8, $0x6;
	v53 =	vor.u32 v3, v38;
	v39 =	vld.idx.msk [tilespmem:v36+s2+$0x0], $0xffff;
	[tilespmem:$0x1FFC0] =	vst v2;
	v2 =	vor.u32 v3, v33  }
0x1a4: {  	v41 =	vor.u32 v5, v34;
	v63 =	vshll.u32 v54, $0x6;
	v54 =	vor.u32 v1, v31;
	[tilespmem:$0x1FFD0] =	vst v2  }
0x1a5: {  	v24 =	vor.u32 v5, v33;
	v42 =	vor.u32 v5, v23;
	v2 =	vor.u32 v4, v30;
	v40 =	vld.idx.msk [tilespmem:v40+s2+$0x0], $0xffff  }
0x1a6: {  	v56 =	vmov v21;
	v23 =	vor.u32 v4, v15;
	v34 =	vld.idx.msk [tilespmem:v35+s2+$0x0], $0xffff;
	[tilespmem:$0x1FFE0] =	vst v2;
	v2 =	vor.u32 v4, v21  }
0x1a7: {  	v19 =	vor.u32 v1, v12;
	v18 =	vor.u32 v3, v12;
	v13 =	vor.u32 v4, v12;
	[tilespmem:$0x1FFF0] =	vst v2  }
0x1a8: {  	s16 =	simm.s32 $0x6;
	v12 =	vor.u32 v5, v12;
	v33 =	vor.u32 v1, v33;
	v36 =	vld.idx.msk [tilespmem:v53+s2+$0x0], $0xffff;
	v53 =	vor.u32 v1, v32  }
.LBB2_2:
0x1a9: {  	v2 =	vld [tilespmem:$0x1FFE0];
	_ =	sdelay $0x4  }
0x1aa: {  	[tilespmem:s14+$0xFFFFFC70] =	vst v49  }
0x1ab: {  	v35 =	vld.idx.msk [tilespmem:v53+s2+$0x0], $0xffff;
	[tilespmem:s13+$0xFFFFFDA0] =	vst v39  }
0x1ac: {  	v41 =	vld.idx.msk [tilespmem:v41+s2+$0x0], $0xffff;
	[tilespmem:s11+$0xFFFFFED0] =	vst v34  }
0x1ad: {  	v53 =	vld.idx.msk [tilespmem:v2+s2+$0x0], $0xffff  }
0x1ae: {  	v2 =	vld [tilespmem:$0x1FFF0];
	_ =	sdelay $0x4  }
0x1af: {  	v10 =	vmov v2;
	v2 =	vmov v23  }
0x1b0: {  	[tilespmem:$0x1FFF0] =	vst v2;
	v2 =	vld [tilespmem:$0x1FFD0];
	_ =	sdelay $0x1  }
0x1b1: {  	v33 =	vld.idx.msk [tilespmem:v33+s2+$0x0], $0xffff;
	v49 =	vor.u32 v4, v38;
	_ =	sdelay $0x1  }
0x1b2: {  	[tilespmem:s14+$0x70] =	vst v50  }
0x1b3: {  	v50 =	vld.idx.msk [tilespmem:v54+s2+$0x0], $0xffff;
	[tilespmem:s13+$0x1A0] =	vst v40  }
0x1b4: {  	v42 =	vld.idx.msk [tilespmem:v42+s2+$0x0], $0xffff;
	[tilespmem:s11+$0x2D0] =	vst v36  }
0x1b5: {  	v36 =	vld.idx.msk [tilespmem:v49+s2+$0x0], $0xffff;
	[tilespmem:s12+$0x380] =	vst v33  }
0x1b6: {  	v39 =	vor.u32 v3, v32;
	v11 =	vld.idx.msk [tilespmem:v2+s2+$0x0], $0xffff;
	v2 =	vmov v15  }
0x1b7: {  	[tilespmem:$0x1FE20] =	vst v2;
	v2 =	vld [tilespmem:$0x1FEA0];
	_ =	sdelay $0x1  }
0x1b8: {  	v34 =	vor.u32 v1, v52  }
0x1b9: {  	v33 =	vor.u32 v5, v30;
	[tilespmem:s14+$0xFFFFFC80] =	vst v35  }
0x1ba: {  	v40 =	vor.u32 v3, v31;
	[tilespmem:$0x1FFE0] =	vst v10;
	v15 =	vld.idx.msk [tilespmem:v39+s2+$0x0], $0xffff  }
0x1bb: {  	v20 =	vld [tilespmem:$0x1FE50];
	v54 =	vor.u32 v5, v38;
	[tilespmem:s13+$0xFFFFFDB0] =	vst v41;
	v38 =	vmov v2;
	v2 =	vmov v17  }
0x1bc: {  	v23 =	vor.u32 v1, v51;
	[tilespmem:$0x1FEA0] =	vst v2;
	v2 =	vld [tilespmem:$0x1FFC0]  }
0x1bd: {  	v34 =	vld.idx.msk [tilespmem:v34+s2+$0x0], $0xffff;
	[tilespmem:s11+$0xFFFFFEE0] =	vst v53  }
0x1be: {  	v10 =	vmov v56;
	v56 =	vor.u32 v4, v32;
	[tilespmem:s14+$0x80] =	vst v50;
	v33 =	vld.idx.msk [tilespmem:v33+s2+$0x0], $0xffff  }
0x1bf: {  	[tilespmem:s14+$0xFFFFFC90] =	vst v15;
	v17 =	vld.idx.msk [tilespmem:v40+s2+$0x0], $0xffff  }
0x1c0: {  	v50 =	vor.u32 v3, v52;
	[tilespmem:s13+$0x1B0] =	vst v42  }
0x1c1: {  	v49 =	vor.u32 v4, v31;
	v23 =	vld.idx.msk [tilespmem:v23+s2+$0x0], $0xffff;
	[tilespmem:s11+$0x2E0] =	vst v36  }
0x1c2: {  	v35 =	vld.idx.msk [tilespmem:v54+s2+$0x0], $0xffff;
	[tilespmem:s12+$0x390] =	vst v11;
	v11 =	vor.u32 v1, v29  }
0x1c3: {  	v53 =	vor.u32 v3, v51;
	v15 =	vld.idx.msk [tilespmem:v56+s2+$0x0], $0xffff;
	[tilespmem:s13+$0xFFFFFDC0] =	vst v34  }
0x1c4: {  	v2 =	vld.idx.msk [tilespmem:v2+s2+$0x0], $0xffff;
	[tilespmem:s14+$0x90] =	vst v17;
	v17 =	vor.u32 v1, v20  }
0x1c5: {  	v34 =	vld.idx.msk [tilespmem:v50+s2+$0x0], $0xffff  }
0x1c6: {  	v56 =	vor.u32 v5, v32;
	[tilespmem:s11+$0xFFFFFEF0] =	vst v33;
	v54 =	vld.idx.msk [tilespmem:v49+s2+$0x0], $0xffff  }
0x1c7: {  	v11 =	vld.idx.msk [tilespmem:v11+s2+$0x0], $0xffff;
	[tilespmem:s13+$0x1C0] =	vst v23;
	v23 =	vor.u32 v5, v31  }
0x1c8: {  	v36 =	vor.u32 v4, v52;
	v31 =	vld.idx.msk [tilespmem:v53+s2+$0x0], $0xffff;
	[tilespmem:s11+$0x2F0] =	vst v35  }
0x1c9: {  	v40 =	vor.u32 v4, v51;
	v17 =	vld.idx.msk [tilespmem:v17+s2+$0x0], $0xffff;
	[tilespmem:s12+$0x3A0] =	vst v2  }
0x1ca: {  	[tilespmem:s14+$0xFFFFFCA0] =	vst v15;
	v2 =	vor.u32 v3, v29;
	v15 =	vld.idx.msk [tilespmem:v24+s2+$0x0], $0xffff  }
0x1cb: {  	v41 =	vor.u32 v3, v20;
	v24 =	vld.idx.msk [tilespmem:v56+s2+$0x0], $0xffff;
	[tilespmem:s14+$0xA0] =	vst v54  }
0x1cc: {  	[tilespmem:s13+$0xFFFFFDD0] =	vst v34;
	v23 =	vld.idx.msk [tilespmem:v23+s2+$0x0], $0xffff  }
0x1cd: {  	v42 =	vor.u32 v1, v25;
	v33 =	vld.idx.msk [tilespmem:v36+s2+$0x0], $0xffff;
	[tilespmem:s13+$0x1D0] =	vst v31  }
0x1ce: {  	[tilespmem:s11+$0xFFFFFF00] =	vst v11;
	v35 =	vld.idx.msk [tilespmem:v40+s2+$0x0], $0xffff  }
0x1cf: {  	v2 =	vld.idx.msk [tilespmem:v2+s2+$0x0], $0xffff;
	[tilespmem:s11+$0x300] =	vst v17  }
0x1d0: {  	v11 =	vor.u32 v5, v52;
	v52 =	vmov v28;
	v28 =	vld.idx.msk [tilespmem:v41+s2+$0x0], $0xffff;
	[tilespmem:s12+$0x3B0] =	vst v15  }
0x1d1: {  	v14 =	vor.u32 v4, v29;
	[tilespmem:s14+$0xFFFFFCB0] =	vst v24;
	v15 =	vld.idx.msk [tilespmem:v19+s2+$0x0], $0xffff  }
0x1d2: {  	v19 =	vld.idx.msk [tilespmem:v42+s2+$0x0], $0xffff;
	_ =	sdelay $0x1  }
0x1d3: {  	[tilespmem:s13+$0xFFFFFDE0] =	vst v33  }
0x1d4: {  	v11 =	vld.idx.msk [tilespmem:v11+s2+$0x0], $0xffff;
	[tilespmem:s11+$0xFFFFFF10] =	vst v2  }
0x1d5: {  	v14 =	vld.idx.msk [tilespmem:v14+s2+$0x0], $0xffff  }
0x1d6: {  	[tilespmem:s14+$0xFFFFFCC0] =	vst v19;
	v19 =	vld [tilespmem:$0x1FEB0]  }
0x1d7: {  	v21 =	vld [tilespmem:$0x1FED0]  }
0x1d8: {  	v31 =	vor.u32 v1, v16;
	_ =	sdelay $0x1  }
0x1d9: {  	[tilespmem:$0x1FE00] =	vst v10;
	v17 =	vor.u32 v5, v51  }
0x1da: {  	[tilespmem:s14+$0xB0] =	vst v23;
	v23 =	vor.u32 v4, v20;
	v10 =	vmov v19  }
0x1db: {  	v21 =	vmov v21;
	[tilespmem:$0x1FE10] =	vst v10;
	v10 =	vld [tilespmem:$0x1FF70]  }
0x1dc: {  	[tilespmem:$0x1FE50] =	vst v21;
	v24 =	vld.idx.msk [tilespmem:v31+s2+$0x0], $0xffff  }
0x1dd: {  	v21 =	vld [tilespmem:$0x1FE60];
	v31 =	vor.u32 v3, v25;
	[tilespmem:s13+$0x1E0] =	vst v35  }
0x1de: {  	v56 =	vor.u32 v3, v16;
	v17 =	vld.idx.msk [tilespmem:v17+s2+$0x0], $0xffff;
	[tilespmem:s11+$0x310] =	vst v28  }
0x1df: {  	v2 =	vor.u32 v1, v48;
	v23 =	vld.idx.msk [tilespmem:v23+s2+$0x0], $0xffff  }
0x1e0: {  	v28 =	vor.u32 v1, v46;
	[tilespmem:s12+$0x3C0] =	vst v15;
	v19 =	vmov v10;
	v10 =	vld [tilespmem:$0x1FF80]  }
0x1e1: {  	v18 =	vld.idx.msk [tilespmem:v18+s2+$0x0], $0xffff;
	[tilespmem:s14+$0xC0] =	vst v24  }
0x1e2: {  	v15 =	vor.u32 v5, v29;
	[tilespmem:$0x1FEB0] =	vst v19;
	v19 =	vld.idx.msk [tilespmem:v31+s2+$0x0], $0xffff  }
0x1e3: {  	v24 =	vor.u32 v5, v20;
	v31 =	vld.idx.msk [tilespmem:v56+s2+$0x0], $0xffff;
	[tilespmem:s13+$0xFFFFFDF0] =	vst v11  }
0x1e4: {  	[tilespmem:s13+$0x1F0] =	vst v17;
	v2 =	vld.idx.msk [tilespmem:v2+s2+$0x0], $0xffff  }
0x1e5: {  	v28 =	vld.idx.msk [tilespmem:v28+s2+$0x0], $0xffff;
	[tilespmem:s11+$0xFFFFFF20] =	vst v14;
	v20 =	vmov v10  }
0x1e6: {  	v11 =	vor.u32 v4, v25;
	[tilespmem:$0x1FED0] =	vst v20;
	v20 =	vld [tilespmem:$0x1FE40]  }
0x1e7: {  	v17 =	vor.u32 v4, v16;
	[tilespmem:s11+$0x320] =	vst v23;
	v15 =	vld.idx.msk [tilespmem:v15+s2+$0x0], $0xffff  }
0x1e8: {  	v14 =	vor.u32 v3, v48;
	v24 =	vld.idx.msk [tilespmem:v24+s2+$0x0], $0xffff;
	[tilespmem:s12+$0x3D0] =	vst v18  }
0x1e9: {  	v23 =	vor.u32 v3, v46;
	v13 =	vld.idx.msk [tilespmem:v13+s2+$0x0], $0xffff  }
0x1ea: {  	v10 =	vld [tilespmem:$0x1FFB0];
	[tilespmem:s14+$0xFFFFFCD0] =	vst v19;
	v19 =	vor.u32 v1, v21  }
0x1eb: {  	[tilespmem:s14+$0xD0] =	vst v31;
	v11 =	vld.idx.msk [tilespmem:v11+s2+$0x0], $0xffff;
	v18 =	vor.u32 v1, v20  }
0x1ec: {  	v17 =	vld.idx.msk [tilespmem:v17+s2+$0x0], $0xffff;
	[tilespmem:s13+$0xFFFFFE00] =	vst v2;
	v2 =	vor.u32 v5, v25  }
0x1ed: {  	[tilespmem:s13+$0x200] =	vst v28;
	v14 =	vld.idx.msk [tilespmem:v14+s2+$0x0], $0xffff  }
0x1ee: {  	v23 =	vld.idx.msk [tilespmem:v23+s2+$0x0], $0xffff;
	[tilespmem:s11+$0x330] =	vst v24  }
0x1ef: {  	[tilespmem:s11+$0xFFFFFF30] =	vst v15;
	v19 =	vld.idx.msk [tilespmem:v19+s2+$0x0], $0xffff  }
0x1f0: {  	v18 =	vld.idx.msk [tilespmem:v18+s2+$0x0], $0xffff;
	[tilespmem:s14+$0xFFFFFCE0] =	vst v11  }
0x1f1: {  	[tilespmem:s12+$0x3E0] =	vst v13;
	v13 =	vld.idx.msk [tilespmem:v2+s2+$0x0], $0xffff  }
0x1f2: {  	v16 =	vor.u32 v5, v16;
	v2 =	vld [tilespmem:$0x1FE30];
	_ =	sdelay $0x3  }
0x1f3: {  	v24 =	vor.u32 v4, v46;
	v12 =	vld.idx.msk [tilespmem:v12+s2+$0x0], $0xffff;
	[tilespmem:s14+$0xE0] =	vst v17  }
0x1f4: {  	v17 =	vor.u32 v3, v21;
	v16 =	vld.idx.msk [tilespmem:v16+s2+$0x0], $0xffff;
	[tilespmem:s13+$0x210] =	vst v23;
	v33 =	vshll.u32 v2, $0x6;
	v2 =	vmov v10  }
0x1f5: {  	v22 =	vld [tilespmem:$0x1FEF0];
	[tilespmem:$0x1FEF0] =	vst v2;
	v2 =	vor.u32 v4, v33  }
0x1f6: {  	[tilespmem:$0x1FFC0] =	vst v2;
	v2 =	vor.u32 v3, v33  }
0x1f7: {  	[tilespmem:$0x1FFD0] =	vst v2;
	v2 =	vld [tilespmem:$0x1FF20]  }
0x1f8: {  	v24 =	vld.idx.msk [tilespmem:v24+s2+$0x0], $0xffff;
	[tilespmem:s11+$0x340] =	vst v19  }
0x1f9: {  	s15 =	sadd.s32 $0x20, s15;
	v31 =	vld.idx.msk [tilespmem:v17+s2+$0x0], $0xffff;
	[tilespmem:s12+$0x3F0] =	vst v12  }
0x1fa: {  	v15 =	vor.u32 v4, v48;
	v19 =	vld [tilespmem:s15+$0x0]  }
0x1fb: {  	v23 =	vor.u32 v1, v7;
	[tilespmem:s14+$0xF0] =	vst v16;
	v16 =	vld [tilespmem:$0x1FEE0]  }
0x1fc: {  	v25 =	vor.u32 v5, v48;
	v48 =	vmov v2;
	v2 =	vld [tilespmem:$0x1FF10]  }
0x1fd: {  	v11 =	vor.u32 v3, v20  }
0x1fe: {  	[tilespmem:s13+$0xFFFFFE10] =	vst v14  }
0x1ff: {  	v14 =	vor.u32 v1, v9;
	v15 =	vld.idx.msk [tilespmem:v15+s2+$0x0], $0xffff  }
0x200: {  	v23 =	vld.idx.msk [tilespmem:v23+s2+$0x0], $0xffff  }
0x201: {  	[tilespmem:s11+$0xFFFFFF40] =	vst v18;
	v10 =	vor.u32 v5, v46;
	v46 =	vmov v2;
	v2 =	vmov v16;
	v16 =	vld [tilespmem:$0x1FEC0]  }
0x202: {  	v28 =	vld.idx.msk [tilespmem:v11+s2+$0x0], $0xffff  }
0x203: {  	s12 =	smov.u32 s11;
	v12 =	vor.u32 v4, v20;
	s11 =	smov.u32 s13;
	v11 =	vmov v26;
	v26 =	vmov v37;
	v37 =	vld [tilespmem:$0x1FE70];
	[tilespmem:s14+$0xFFFFFCF0] =	vst v13  }
0x204: {  	v22 =	vmov v22;
	v13 =	vld.idx.msk [tilespmem:v14+s2+$0x0], $0xffff;
	[tilespmem:s11+$0xFFFFFE20] =	vst v15  }
0x205: {  	[tilespmem:$0x1FE30] =	vst v22;
	v14 =	vor.u32 v4, v21;
	v25 =	vld.idx.msk [tilespmem:v25+s2+$0x0], $0xffff  }
0x206: {  	v32 =	vor.u32 v5, v21;
	v35 =	vor.u32 v3, v9;
	[tilespmem:s11+$0x220] =	vst v24;
	v21 =	vmov v16;
	v16 =	vld [tilespmem:$0x1FF90]  }
0x207: {  	v10 =	vld.idx.msk [tilespmem:v10+s2+$0x0], $0xffff;
	[tilespmem:s12+$0xFFFFFF50] =	vst v28  }
0x208: {  	[tilespmem:s12+$0x350] =	vst v31;
	v12 =	vld.idx.msk [tilespmem:v12+s2+$0x0], $0xffff  }
0x209: {  	v53 =	vor.u32 v1, v47;
	v41 =	vor.u32 v3, v7;
	v24 =	vld [tilespmem:s15+$0xFFFFFFF0];
	[tilespmem:s14+$0xFFFFFD00] =	vst v13  }
0x20a: {  	v40 =	vor.u32 v3, v47;
	v42 =	vor.u32 v1, v45;
	v54 =	vld.idx.msk [tilespmem:v14+s2+$0x0], $0xffff;
	[tilespmem:s14+$0x100] =	vst v23  }
0x20b: {  	v39 =	vor.u32 v5, v20;
	v56 =	vperm.xlane v19, v58;
	v50 =	vld.idx.msk [tilespmem:v35+s2+$0x0], $0xffff;
	[tilespmem:$0x1FE60] =	vst v2;
	v2 =	vmov v16  }
0x20c: {  	v29 =	vmovc v61;
	v20 =	vmovc v60;
	v61 =	vperm.xlane v19, v55;
	v28 =	vperm.xlane v19, v59;
	[tilespmem:$0x1FEE0] =	vst v2;
	v2 =	vimm.s32 $0x3  }
0x20d: {  	v15 =	vor.u32 v4, v47;
	[tilespmem:s11+$0xFFFFFE30] =	vst v25;
	v16 =	vperm.xlane v19, v57;
	v60 =	vperm.xlane v19, v2  }
0x20e: {  	v36 =	vor.u32 v1, v37;
	v17 =	vor.u32 v3, v37;
	v31 =	vshll.u32 v28, $0x6;
	v41 =	vld.idx.msk [tilespmem:v41+s2+$0x0], $0xffff;
	[tilespmem:s11+$0x230] =	vst v10  }
0x20f: {  	v42 =	vld.idx.msk [tilespmem:v42+s2+$0x0], $0xffff;
	[tilespmem:s12+$0xFFFFFF60] =	vst v12;
	v34 =	vshll.u32 v16, $0x6;
	v16 =	vshll.u32 v60, $0x6;
	v60 =	vimm.s32 $0x8  }
0x210: {  	v35 =	vshll.u32 v56, $0x6;
	v25 =	vor.u32 v4, v9;
	v39 =	vld.idx.msk [tilespmem:v39+s2+$0x0], $0xffff;
	[tilespmem:s14+$0xFFFFFD10] =	vst v50;
	v23 =	vperm.xlane v19, v60  }
0x211: {  	v30 =	vmovc v63;
	v56 =	vor.u32 v3, v45;
	v12 =	vperm.xlane v24, v55;
	[tilespmem:$0x1FEC0] =	vst v20;
	v20 =	vimm.s32 $0x4  }
0x212: {  	v63 =	vperm.xlane v19, v20;
	v57 =	vperm.xlane v24, v57;
	v10 =	vshll.u32 v23, $0x6;
	v23 =	vld.idx.msk [tilespmem:v53+s2+$0x0], $0xffff;
	[tilespmem:s12+$0x360] =	vst v54  }
0x213: {  	v50 =	vshll.u32 v61, $0x6;
	v54 =	vperm.xlane v24, v59;
	[tilespmem:$0x1FF10] =	vst v10;
	v10 =	vor.u32 v4, v7  }
0x214: {  	v49 =	vshll.u32 v12, $0x6;
	v28 =	vshll.u32 v63, $0x6;
	[tilespmem:$0x1FE40] =	vst v21;
	v12 =	vshll.u32 v57, $0x6;
	v55 =	vld.idx.msk [tilespmem:v32+s2+$0x0], $0xffff  }
0x215: {  	v57 =	vor.u32 v1, v49;
	v53 =	vperm.xlane v24, v2;
	v32 =	vshll.u32 v54, $0x6;
	v54 =	vld.idx.msk [tilespmem:v25+s2+$0x0], $0xffff;
	[tilespmem:s11+$0xFFFFFE40] =	vst v42  }
0x216: {  	v63 =	vor.u32 v4, v45;
	v21 =	vimm.s32 $0x5;
	v42 =	vor.u32 v5, v9;
	v56 =	vld.idx.msk [tilespmem:v56+s2+$0x0], $0xffff;
	[tilespmem:s12+$0xFFFFFF70] =	vst v39  }
0x217: {  	v14 =	vperm.xlane v19, v21;
	[tilespmem:s14+$0x110] =	vst v41;
	v25 =	vshll.u32 v53, $0x6;
	v53 =	vor.u32 v1, v50;
	v59 =	vld.idx.msk [tilespmem:v36+s2+$0x0], $0xffff  }
0x218: {  	v22 =	vimm.s32 $0x7;
	v60 =	vperm.xlane v24, v60;
	v41 =	vperm.xlane v24, v20;
	v61 =	vld.idx.msk [tilespmem:v10+s2+$0x0], $0xffff;
	[tilespmem:s11+$0x240] =	vst v23  }
0x219: {  	v2 =	vimm.s32 $0x9;
	v10 =	vperm.xlane v24, v21;
	v23 =	vperm.xlane v24, v58;
	v40 =	vld.idx.msk [tilespmem:v40+s2+$0x0], $0xffff;
	[tilespmem:s12+$0x370] =	vst v55  }
0x21a: {  	v13 =	vshll.u32 v14, $0x6;
	v58 =	vor.u32 v5, v7;
	v55 =	vld.idx.msk [tilespmem:v57+s2+$0x0], $0xffff;
	v57 =	vperm.xlane v19, v2;
	[tilespmem:s14+$0xFFFFFD20] =	vst v54  }
0x21b: {  	v36 =	vshll.u32 v23, $0x6;
	v23 =	vperm.xlane v24, v2;
	v2 =	vshll.u32 v60, $0x6;
	v42 =	vld.idx.msk [tilespmem:v42+s2+$0x0], $0xffff;
	[tilespmem:s11+$0xFFFFFE50] =	vst v56  }
0x21c: {  	v9 =	vshll.u32 v41, $0x6;
	v41 =	vshll.u32 v10, $0x6;
	v10 =	vperm.xlane v24, v22;
	v53 =	vld.idx.msk [tilespmem:v53+s2+$0x0], $0xffff;
	[tilespmem:$0x1FF20] =	vst v2  }
0x21d: {  	v14 =	vperm.xlane v19, v22;
	v54 =	vor.u32 v3, v49;
	v2 =	vimm.s32 $0xA;
	v21 =	vld.idx.msk [tilespmem:v63+s2+$0x0], $0xffff;
	[tilespmem:s12+$0xFFFFFF80] =	vst v59  }
0x21e: {  	v20 =	vor.u32 v1, v8;
	v7 =	vmovc v28;
	v28 =	vshll.u32 v10, $0x6;
	v39 =	vperm.xlane v24, v2;
	[tilespmem:s14+$0x120] =	vst v61  }
0x21f: {  	s13 =	smov.u32 s14;
	v60 =	vshll.u32 v23, $0x6;
	v23 =	vperm.xlane v19, v2;
	v2 =	vimm.s32 $0xB;
	s14 =	sadd.s32 $0x800, s14;
	v58 =	vld.idx.msk [tilespmem:v58+s2+$0x0], $0xffff;
	[tilespmem:s11+$0x250] =	vst v40  }
0x220: {  	v51 =	vmovc v27;
	v10 =	vimm.s32 $0xC;
	v61 =	vor.u32 v3, v50;
	v63 =	vperm.xlane v19, v2;
	[tilespmem:s14+$0xFFFFFC00] =	vst v55;
	v22 =	vld.idx.msk [tilespmem:v15+s2+$0x0], $0xffff  }
0x221: {  	v27 =	vshll.u32 v14, $0x6;
	v56 =	vperm.xlane v24, v2;
	v55 =	vperm.xlane v24, v10;
	v59 =	vld.idx.msk [tilespmem:v17+s2+$0x0], $0xffff;
	[tilespmem:s14+$0x0] =	vst v53  }
0x222: {  	v2 =	vor.u32 v1, v0;
	v54 =	vld.idx.msk [tilespmem:v54+s2+$0x0], $0xffff;
	v17 =	vshll.u32 v63, $0x6;
	v63 =	vperm.xlane v19, v10;
	[tilespmem:s13+$0xFFFFFD30] =	vst v42  }
0x223: {  	v15 =	vshll.u32 v56, $0x6;
	v56 =	vor.u32 v5, v45;
	v14 =	vshll.u32 v55, $0x6;
	v20 =	vld.idx.msk [tilespmem:v20+s2+$0x0], $0xffff;
	[tilespmem:s11+$0xFFFFFE60] =	vst v21  }
0x224: {  	[tilespmem:$0x1FF70] =	vst v14;
	v63 =	vshll.u32 v63, $0x6  }
0x225: {  	v47 =	vor.u32 v5, v47;
	v10 =	vld [tilespmem:$0x1FF30];
	[tilespmem:$0x1FF80] =	vst v63  }
0x226: {  	v18 =	vor.u32 v4, v37;
	v14 =	vimm.s32 $0xD;
	v61 =	vld.idx.msk [tilespmem:v61+s2+$0x0], $0xffff;
	[tilespmem:s13+$0x130] =	vst v58  }
0x227: {  	v57 =	vshll.u32 v57, $0x6;
	v2 =	vld.idx.msk [tilespmem:v2+s2+$0x0], $0xffff;
	[tilespmem:s11+$0x260] =	vst v22  }
0x228: {  	v53 =	vperm.xlane v24, v14;
	v55 =	vperm.xlane v19, v14;
	v63 =	vimm.s32 $0xE;
	v58 =	vld.idx.msk [tilespmem:v56+s2+$0x0], $0xffff;
	[tilespmem:s12+$0xFFFFFF90] =	vst v59  }
0x229: {  	v42 =	vor.u32 v4, v49;
	v21 =	vperm.xlane v24, v63;
	v14 =	vmov v60;
	[tilespmem:s14+$0xFFFFFC10] =	vst v54  }
0x22a: {  	v45 =	vmovc v10;
	v10 =	vshll.u32 v53, $0x6;
	v53 =	vor.u32 v4, v50;
	v55 =	vshll.u32 v55, $0x6;
	[tilespmem:$0x1FF30] =	vst v14;
	v56 =	vld.idx.msk [tilespmem:v47+s2+$0x0], $0xffff  }
0x22b: {  	v57 =	vmovc v57;
	[tilespmem:$0x1FF90] =	vst v55;
	v14 =	vimm.s32 $0xF;
	v54 =	vshll.u32 v21, $0x6;
	v21 =	vperm.xlane v19, v63;
	v18 =	vld.idx.msk [tilespmem:v18+s2+$0x0], $0xffff  }
0x22c: {  	v55 =	vor.u32 v3, v8;
	v22 =	vperm.xlane v24, v14;
	v24 =	vld [tilespmem:$0x1FF40];
	[tilespmem:$0x1FF40] =	vst v57  }
0x22d: {  	v59 =	vor.u32 v1, v43;
	v63 =	vld [tilespmem:$0x1FF00];
	[tilespmem:$0x1FFB0] =	vst v21  }
0x22e: {  	v60 =	vor.u32 v3, v0;
	v21 =	vld.idx.msk [tilespmem:v42+s2+$0x0], $0xffff;
	[tilespmem:s14+$0x10] =	vst v61  }
0x22f: {  	v19 =	vperm.xlane v19, v14;
	v57 =	vld [tilespmem:$0x1FFA0];
	[tilespmem:s13+$0xFFFFFD40] =	vst v20;
	v61 =	vor.u32 v5, v49  }
0x230: {  	v53 =	vld.idx.msk [tilespmem:v53+s2+$0x0], $0xffff;
	[tilespmem:s13+$0x140] =	vst v2  }
0x231: {  	v42 =	vshll.u32 v22, $0x6;
	v22 =	vor.u32 v1, v44;
	v49 =	vshll.u32 v19, $0x6;
	v19 =	vld.idx.msk [tilespmem:v55+s2+$0x0], $0xffff;
	[tilespmem:s11+$0xFFFFFE70] =	vst v58  }
0x232: {  	v20 =	vor.u32 v5, v37;
	v55 =	vld.idx.msk [tilespmem:v59+s2+$0x0], $0xffff;
	[tilespmem:s12+$0xFFFFFFA0] =	vst v18  }
0x233: {  	v2 =	vor.u32 v5, v50;
	v50 =	vld.idx.msk [tilespmem:v60+s2+$0x0], $0xffff;
	[tilespmem:s14+$0xFFFFFC20] =	vst v21  }
0x234: {  	v37 =	vor.u32 v4, v8;
	v21 =	vld.idx.msk [tilespmem:v61+s2+$0x0], $0xffff  }
0x235: {  	v14 =	vmov v63;
	v63 =	vmov v54;
	[tilespmem:s11+$0x270] =	vst v56;
	v56 =	vor.u32 v4, v0;
	v61 =	vld [tilespmem:$0x1FE80]  }
0x236: {  	[tilespmem:$0x1FFA0] =	vst v63;
	v18 =	vor.u32 v3, v43;
	v22 =	vld.idx.msk [tilespmem:v22+s2+$0x0], $0xffff  }
0x237: {  	v20 =	vld.idx.msk [tilespmem:v20+s2+$0x0], $0xffff;
	[tilespmem:s14+$0x20] =	vst v53  }
0x238: {  	v53 =	vor.u32 v3, v44;
	v2 =	vld.idx.msk [tilespmem:v2+s2+$0x0], $0xffff;
	[tilespmem:s13+$0xFFFFFD50] =	vst v19  }
0x239: {  	v58 =	vor.u32 v1, v12;
	[tilespmem:s13+$0x150] =	vst v50;
	v54 =	vld.idx.msk [tilespmem:v37+s2+$0x0], $0xffff  }
0x23a: {  	v47 =	vmov v24;
	v24 =	vmov v57;
	v56 =	vld.idx.msk [tilespmem:v56+s2+$0x0], $0xffff;
	[tilespmem:s11+$0xFFFFFE80] =	vst v55;
	v57 =	vor.u32 v1, v61  }
0x23b: {  	v63 =	vor.u32 v5, v8;
	v59 =	vld.idx.msk [tilespmem:v18+s2+$0x0], $0xffff;
	[tilespmem:s11+$0x280] =	vst v22  }
0x23c: {  	v22 =	vor.u32 v5, v0;
	[tilespmem:s12+$0xFFFFFFB0] =	vst v20;
	v0 =	vmov v13;
	v13 =	vor.u32 v4, v43  }
0x23d: {  	v8 =	vmov v41;
	[tilespmem:s14+$0xFFFFFC30] =	vst v21;
	v41 =	vld.idx.msk [tilespmem:v53+s2+$0x0], $0xffff  }
0x23e: {  	v21 =	vld.idx.msk [tilespmem:v58+s2+$0x0], $0xffff  }
0x23f: {  	v37 =	vor.u32 v1, v34;
	v20 =	vld.idx.msk [tilespmem:v57+s2+$0x0], $0xffff;
	[tilespmem:s13+$0xFFFFFD60] =	vst v54  }
0x240: {  	v55 =	vld.idx.msk [tilespmem:v63+s2+$0x0], $0xffff;
	[tilespmem:s11+$0xFFFFFE90] =	vst v59  }
0x241: {  	v58 =	vld.idx.msk [tilespmem:v13+s2+$0x0], $0xffff  }
0x242: {  	[tilespmem:$0x1FE70] =	vst v14;
	v53 =	vor.u32 v3, v61;
	v13 =	vld [tilespmem:$0x1FF50]  }
0x243: {  	[tilespmem:s14+$0x30] =	vst v2  }
0x244: {  	v2 =	vor.u32 v4, v44;
	v50 =	vld.idx.msk [tilespmem:v37+s2+$0x0], $0xffff;
	[tilespmem:s13+$0x160] =	vst v56  }
0x245: {  	v14 =	vld [tilespmem:$0x1FE00];
	v37 =	vor.u32 v3, v12;
	[tilespmem:s14+$0xFFFFFC40] =	vst v21  }
0x246: {  	v39 =	vshll.u32 v39, $0x6;
	v22 =	vld.idx.msk [tilespmem:v22+s2+$0x0], $0xffff;
	v57 =	vor.u32 v1, v6;
	[tilespmem:s12+$0xFFFFFFC0] =	vst v20  }
0x247: {  	[tilespmem:s11+$0x290] =	vst v41;
	v20 =	vor.u32 v5, v43;
	v21 =	vld.idx.msk [tilespmem:v53+s2+$0x0], $0xffff;
	v43 =	vmov v13;
	v13 =	vmov v39  }
0x248: {  	v63 =	vor.u32 v3, v34;
	[tilespmem:$0x1FF50] =	vst v13;
	v13 =	vld [tilespmem:$0x1FF60]  }
0x249: {  	[tilespmem:$0x1FF00] =	vst v24;
	v2 =	vld.idx.msk [tilespmem:v2+s2+$0x0], $0xffff  }
0x24a: {  	v41 =	vor.u32 v1, v62;
	v39 =	vld.idx.msk [tilespmem:v37+s2+$0x0], $0xffff;
	[tilespmem:s13+$0xFFFFFD70] =	vst v55  }
0x24b: {  	v37 =	vor.u32 v4, v61;
	v55 =	vld.idx.msk [tilespmem:v57+s2+$0x0], $0xffff;
	[tilespmem:s11+$0xFFFFFEA0] =	vst v58  }
0x24c: {  	v40 =	vshll.u32 v23, $0x6;
	[tilespmem:s14+$0x40] =	vst v50;
	v50 =	vor.u32 v5, v44;
	v20 =	vld.idx.msk [tilespmem:v20+s2+$0x0], $0xffff  }
0x24d: {  	[tilespmem:s12+$0xFFFFFFD0] =	vst v21;
	v44 =	vmov v13;
	v13 =	vmov v40;
	v40 =	vld.idx.msk [tilespmem:v63+s2+$0x0], $0xffff  }
0x24e: {  	v60 =	vld [tilespmem:$0x1FE90];
	v63 =	vor.u32 v4, v12;
	[tilespmem:s13+$0x170] =	vst v22  }
0x24f: {  	[tilespmem:s14+$0xFFFFFC50] =	vst v39;
	v22 =	vor.u32 v4, v34;
	v41 =	vld.idx.msk [tilespmem:v41+s2+$0x0], $0xffff  }
0x250: {  	v56 =	vor.u32 v3, v6;
	v54 =	vor.u32 v5, v61;
	v61 =	vmov v26;
	v39 =	vld.idx.msk [tilespmem:v37+s2+$0x0], $0xffff;
	[tilespmem:s11+$0x2A0] =	vst v2  }
0x251: {  	[tilespmem:$0x1FE80] =	vst v61;
	v2 =	vor.u32 v3, v62;
	v50 =	vld.idx.msk [tilespmem:v50+s2+$0x0], $0xffff  }
0x252: {  	v21 =	vor.u32 v1, v14;
	v37 =	vmov v29;
	v29 =	vld [tilespmem:$0x1FE10];
	[tilespmem:s14+$0x50] =	vst v40  }
0x253: {  	v58 =	vor.u32 v1, v38;
	v53 =	vld.idx.msk [tilespmem:v63+s2+$0x0], $0xffff;
	[tilespmem:s13+$0xFFFFFD80] =	vst v55  }
0x254: {  	v22 =	vld.idx.msk [tilespmem:v22+s2+$0x0], $0xffff;
	[tilespmem:s13+$0x180] =	vst v41  }
0x255: {  	v61 =	vmov v42;
	v42 =	vor.u32 v5, v12;
	v55 =	vld.idx.msk [tilespmem:v56+s2+$0x0], $0xffff;
	[tilespmem:s11+$0xFFFFFEB0] =	vst v20  }
0x256: {  	v34 =	vor.u32 v5, v34;
	v2 =	vld.idx.msk [tilespmem:v2+s2+$0x0], $0xffff;
	[tilespmem:s11+$0x2B0] =	vst v50  }
0x257: {  	v63 =	vmov v11;
	v20 =	vor.u32 v4, v6;
	v21 =	vld.idx.msk [tilespmem:v21+s2+$0x0], $0xffff;
	[tilespmem:s12+$0xFFFFFFE0] =	vst v39  }
0x258: {  	v41 =	vor.u32 v4, v62;
	v56 =	vld.idx.msk [tilespmem:v58+s2+$0x0], $0xffff;
	[tilespmem:s14+$0xFFFFFC60] =	vst v53  }
0x259: {  	v57 =	vor.u32 v3, v14;
	[tilespmem:$0x1FE90] =	vst v63;
	v58 =	vld.idx.msk [tilespmem:v54+s2+$0x0], $0xffff  }
0x25a: {  	s16 =	sadd.s32 $0x2, s16;
	v23 =	vor.u32 v4, v15;
	v63 =	vmov v49;
	v49 =	vld.idx.msk [tilespmem:v42+s2+$0x0], $0xffff;
	[tilespmem:s14+$0x60] =	vst v22  }
0x25b: {  	p0 =	slt.u32 s16, $0x22;
	v24 =	vor.u32 v5, v33;
	v22 =	vor.u32 v3, v38;
	[tilespmem:s13+$0xFFFFFD90] =	vst v55;
	v50 =	vld.idx.msk [tilespmem:v34+s2+$0x0], $0xffff  }
.Ltmp0:
0x25c: {  	v33 =	vor.u32 v1, v33;
	v19 =	vor.u32 v1, v60;
	v39 =	vld.idx.msk [tilespmem:v20+s2+$0x0], $0xffff;
	[tilespmem:s13+$0x190] =	vst v2;
	(pc) =	sbr.rel @p0 .LBB2_2-.Ltmp0, $4  }
0x25d: {  	v18 =	vor.u32 v3, v60;
	v12 =	vor.u32 v5, v60;
	[tilespmem:s11+$0xFFFFFEC0] =	vst v21;
	v40 =	vld.idx.msk [tilespmem:v41+s2+$0x0], $0xffff  }
0x25e: {  	v59 =	vimm.s32 $0x2;
	v26 =	vmovc v30;
	[tilespmem:$0x1FF60] =	vst v13;
	v13 =	vor.u32 v4, v60;
	v53 =	vor.u32 v1, v32;
	v34 =	vld.idx.msk [tilespmem:v57+s2+$0x0], $0xffff  }
0x25f: {  	v30 =	vmovc v14;
	v60 =	vmovc v10;
	v55 =	vimm.s32 $0x0;
	v54 =	vor.u32 v1, v31;
	v42 =	vor.u32 v5, v62;
	[tilespmem:s11+$0x2C0] =	vst v56;
	v56 =	vld [tilespmem:$0x1FE20]  }
0x260: {  	v62 =	vmovc v35;
	v41 =	vor.u32 v5, v6;
	v57 =	vimm.s32 $0x1;
	v6 =	vmovc v36;
	v36 =	vld.idx.msk [tilespmem:v22+s2+$0x0], $0xffff;
	[tilespmem:s12+$0xFFFFFFF0] =	vst v58;
	v58 =	vimm.s32 $0x6  }
0x261: {  	_ =	sdelay $0x2  }
0x262: {  	[tilespmem:s14+$0xFFFFFC70] =	vst v49  }
0x263: {  	[tilespmem:s14+$0x70] =	vst v50;
	v2 =	vld.idx.msk [tilespmem:v53+s2+$0x0], $0xffff  }
0x264: {  	v21 =	vor.u32 v3, v32;
	v20 =	vld.idx.msk [tilespmem:v54+s2+$0x0], $0xffff  }
0x265: {  	v22 =	vor.u32 v3, v31;
	_ =	sdelay $0x2  }
0x266: {  	[tilespmem:s14+$0xFFFFFC80] =	vst v2  }
0x267: {  	[tilespmem:s14+$0x80] =	vst v20;
	v2 =	vld.idx.msk [tilespmem:v21+s2+$0x0], $0xffff  }
0x268: {  	v20 =	vld.idx.msk [tilespmem:v22+s2+$0x0], $0xffff;
	v21 =	vor.u32 v4, v32  }
0x269: {  	v22 =	vor.u32 v4, v31;
	_ =	sdelay $0x2  }
0x26a: {  	[tilespmem:s14+$0xFFFFFC90] =	vst v2  }
0x26b: {  	[tilespmem:s14+$0x90] =	vst v20;
	v2 =	vld.idx.msk [tilespmem:v21+s2+$0x0], $0xffff  }
0x26c: {  	v20 =	vld.idx.msk [tilespmem:v22+s2+$0x0], $0xffff;
	v21 =	vor.u32 v5, v32  }
0x26d: {  	v22 =	vor.u32 v5, v31;
	_ =	sdelay $0x2  }
0x26e: {  	[tilespmem:s14+$0xFFFFFCA0] =	vst v2  }
0x26f: {  	[tilespmem:s14+$0xA0] =	vst v20;
	v2 =	vld.idx.msk [tilespmem:v21+s2+$0x0], $0xffff  }
0x270: {  	v20 =	vld.idx.msk [tilespmem:v22+s2+$0x0], $0xffff;
	v21 =	vor.u32 v1, v25  }
0x271: {  	v22 =	vor.u32 v1, v16;
	_ =	sdelay $0x2  }
0x272: {  	[tilespmem:s14+$0xFFFFFCB0] =	vst v2  }
0x273: {  	[tilespmem:s14+$0xB0] =	vst v20;
	v2 =	vld.idx.msk [tilespmem:v21+s2+$0x0], $0xffff  }
0x274: {  	v20 =	vld.idx.msk [tilespmem:v22+s2+$0x0], $0xffff;
	v21 =	vor.u32 v3, v25  }
0x275: {  	v22 =	vor.u32 v3, v16;
	_ =	sdelay $0x2  }
0x276: {  	[tilespmem:s14+$0xFFFFFCC0] =	vst v2  }
0x277: {  	[tilespmem:s14+$0xC0] =	vst v20;
	v2 =	vld.idx.msk [tilespmem:v21+s2+$0x0], $0xffff  }
0x278: {  	v20 =	vld.idx.msk [tilespmem:v22+s2+$0x0], $0xffff;
	v21 =	vor.u32 v4, v25  }
0x279: {  	v22 =	vor.u32 v4, v16;
	_ =	sdelay $0x2  }
0x27a: {  	[tilespmem:s14+$0xFFFFFCD0] =	vst v2  }
0x27b: {  	[tilespmem:s14+$0xD0] =	vst v20;
	v2 =	vld.idx.msk [tilespmem:v21+s2+$0x0], $0xffff  }
0x27c: {  	v20 =	vld.idx.msk [tilespmem:v22+s2+$0x0], $0xffff;
	v21 =	vor.u32 v5, v25  }
0x27d: {  	v14 =	vor.u32 v5, v16;
	_ =	sdelay $0x2  }
0x27e: {  	[tilespmem:s14+$0xFFFFFCE0] =	vst v2  }
0x27f: {  	[tilespmem:s14+$0xE0] =	vst v20;
	v2 =	vld.idx.msk [tilespmem:v21+s2+$0x0], $0xffff  }
0x280: {  	v20 =	vor.u32 v1, v9;
	v16 =	vld.idx.msk [tilespmem:v14+s2+$0x0], $0xffff  }
0x281: {  	v21 =	vor.u32 v1, v7;
	_ =	sdelay $0x2  }
0x282: {  	[tilespmem:s14+$0xFFFFFCF0] =	vst v2  }
0x283: {  	[tilespmem:s14+$0xF0] =	vst v16;
	v2 =	vld.idx.msk [tilespmem:v20+s2+$0x0], $0xffff  }
0x284: {  	v16 =	vld.idx.msk [tilespmem:v21+s2+$0x0], $0xffff;
	v20 =	vor.u32 v3, v9  }
0x285: {  	v21 =	vor.u32 v3, v7;
	_ =	sdelay $0x2  }
0x286: {  	[tilespmem:s14+$0xFFFFFD00] =	vst v2  }
0x287: {  	[tilespmem:s14+$0x100] =	vst v16;
	v2 =	vld.idx.msk [tilespmem:v20+s2+$0x0], $0xffff  }
0x288: {  	v16 =	vld.idx.msk [tilespmem:v21+s2+$0x0], $0xffff;
	v20 =	vor.u32 v4, v9  }
0x289: {  	v21 =	vor.u32 v4, v7;
	_ =	sdelay $0x2  }
0x28a: {  	[tilespmem:s14+$0xFFFFFD10] =	vst v2  }
0x28b: {  	[tilespmem:s14+$0x110] =	vst v16;
	v2 =	vld.idx.msk [tilespmem:v20+s2+$0x0], $0xffff  }
0x28c: {  	v32 =	vor.u32 v5, v9;
	v16 =	vld.idx.msk [tilespmem:v21+s2+$0x0], $0xffff  }
0x28d: {  	v7 =	vor.u32 v5, v7;
	_ =	sdelay $0x2  }
0x28e: {  	[tilespmem:s14+$0xFFFFFD20] =	vst v2  }
0x28f: {  	[tilespmem:s14+$0x120] =	vst v16;
	v2 =	vld.idx.msk [tilespmem:v32+s2+$0x0], $0xffff  }
0x290: {  	v35 =	vor.u32 v1, v8;
	v7 =	vld.idx.msk [tilespmem:v7+s2+$0x0], $0xffff  }
0x291: {  	v49 =	vor.u32 v1, v0;
	_ =	sdelay $0x2  }
0x292: {  	[tilespmem:s14+$0xFFFFFD30] =	vst v2  }
0x293: {  	[tilespmem:s14+$0x130] =	vst v7;
	v2 =	vld.idx.msk [tilespmem:v35+s2+$0x0], $0xffff  }
0x294: {  	v50 =	vor.u32 v3, v8;
	v7 =	vld.idx.msk [tilespmem:v49+s2+$0x0], $0xffff  }
0x295: {  	v53 =	vor.u32 v3, v0;
	_ =	sdelay $0x2  }
0x296: {  	[tilespmem:s14+$0xFFFFFD40] =	vst v2  }
0x297: {  	[tilespmem:s14+$0x140] =	vst v7;
	v2 =	vld.idx.msk [tilespmem:v50+s2+$0x0], $0xffff  }
0x298: {  	v54 =	vor.u32 v4, v8;
	v7 =	vld.idx.msk [tilespmem:v53+s2+$0x0], $0xffff  }
0x299: {  	v11 =	vor.u32 v4, v0;
	_ =	sdelay $0x2  }
0x29a: {  	[tilespmem:s14+$0xFFFFFD50] =	vst v2  }
0x29b: {  	[tilespmem:s14+$0x150] =	vst v7;
	v2 =	vld.idx.msk [tilespmem:v54+s2+$0x0], $0xffff  }
0x29c: {  	v14 =	vor.u32 v5, v8;
	v7 =	vld.idx.msk [tilespmem:v11+s2+$0x0], $0xffff  }
0x29d: {  	v0 =	vor.u32 v5, v0;
	_ =	sdelay $0x2  }
0x29e: {  	[tilespmem:s14+$0xFFFFFD60] =	vst v2  }
0x29f: {  	[tilespmem:s14+$0x160] =	vst v7;
	v2 =	vld.idx.msk [tilespmem:v14+s2+$0x0], $0xffff  }
0x2a0: {  	v7 =	vor.u32 v1, v6;
	v0 =	vld.idx.msk [tilespmem:v0+s2+$0x0], $0xffff  }
0x2a1: {  	v16 =	vor.u32 v1, v62;
	_ =	sdelay $0x2  }
0x2a2: {  	[tilespmem:s14+$0xFFFFFD70] =	vst v2  }
0x2a3: {  	[tilespmem:s14+$0x170] =	vst v0;
	v0 =	vld.idx.msk [tilespmem:v7+s2+$0x0], $0xffff  }
0x2a4: {  	v2 =	vld.idx.msk [tilespmem:v16+s2+$0x0], $0xffff;
	v7 =	vor.u32 v3, v6  }
0x2a5: {  	v32 =	vor.u32 v3, v62;
	_ =	sdelay $0x2  }
0x2a6: {  	[tilespmem:s14+$0xFFFFFD80] =	vst v0  }
0x2a7: {  	[tilespmem:s14+$0x180] =	vst v2;
	v0 =	vld.idx.msk [tilespmem:v7+s2+$0x0], $0xffff  }
0x2a8: {  	v2 =	vld.idx.msk [tilespmem:v32+s2+$0x0], $0xffff;
	v7 =	vor.u32 v4, v6  }
0x2a9: {  	v35 =	vor.u32 v4, v62;
	_ =	sdelay $0x2  }
0x2aa: {  	[tilespmem:s14+$0xFFFFFD90] =	vst v0  }
0x2ab: {  	[tilespmem:s14+$0x190] =	vst v2;
	v0 =	vld.idx.msk [tilespmem:v7+s2+$0x0], $0xffff  }
0x2ac: {  	v6 =	vor.u32 v5, v6;
	v2 =	vld.idx.msk [tilespmem:v35+s2+$0x0], $0xffff  }
0x2ad: {  	v7 =	vor.u32 v5, v62  }
0x2ae: {  	[tilespmem:s13+$0xFFFFFDA0] =	vst v39  }
0x2af: {  	[tilespmem:s13+$0x1A0] =	vst v40;
	v49 =	vld.idx.msk [tilespmem:v41+s2+$0x0], $0xffff  }
0x2b0: {  	v50 =	vor.u32 v1, v52;
	[tilespmem:s14+$0xFFFFFDA0] =	vst v0;
	v0 =	vld.idx.msk [tilespmem:v42+s2+$0x0], $0xffff  }
0x2b1: {  	[tilespmem:s14+$0x1A0] =	vst v2;
	v2 =	vld.idx.msk [tilespmem:v6+s2+$0x0], $0xffff;
	v6 =	vor.u32 v1, v51  }
0x2b2: {  	v53 =	vor.u32 v1, v28;
	v7 =	vld.idx.msk [tilespmem:v7+s2+$0x0], $0xffff  }
0x2b3: {  	v20 =	vor.u32 v1, v27  }
0x2b4: {  	[tilespmem:s13+$0xFFFFFDB0] =	vst v49  }
0x2b5: {  	[tilespmem:s13+$0x1B0] =	vst v0;
	v0 =	vld.idx.msk [tilespmem:v50+s2+$0x0], $0xffff  }
0x2b6: {  	[tilespmem:s14+$0xFFFFFDB0] =	vst v2;
	v2 =	vld.idx.msk [tilespmem:v6+s2+$0x0], $0xffff;
	v6 =	vor.u32 v3, v52  }
0x2b7: {  	v54 =	vor.u32 v3, v51;
	[tilespmem:s14+$0x1B0] =	vst v7;
	v7 =	vld.idx.msk [tilespmem:v53+s2+$0x0], $0xffff  }
0x2b8: {  	v11 =	vor.u32 v3, v28;
	v62 =	vld.idx.msk [tilespmem:v20+s2+$0x0], $0xffff  }
0x2b9: {  	v20 =	vor.u32 v3, v27  }
0x2ba: {  	[tilespmem:s13+$0xFFFFFDC0] =	vst v0  }
0x2bb: {  	[tilespmem:s13+$0x1C0] =	vst v2;
	v0 =	vld.idx.msk [tilespmem:v6+s2+$0x0], $0xffff  }
0x2bc: {  	v6 =	vor.u32 v4, v52;
	[tilespmem:s14+$0xFFFFFDC0] =	vst v7;
	v2 =	vld.idx.msk [tilespmem:v54+s2+$0x0], $0xffff  }
0x2bd: {  	v14 =	vor.u32 v4, v51;
	[tilespmem:s14+$0x1C0] =	vst v62;
	v7 =	vld.idx.msk [tilespmem:v11+s2+$0x0], $0xffff  }
0x2be: {  	v32 =	vor.u32 v4, v28;
	v9 =	vld.idx.msk [tilespmem:v20+s2+$0x0], $0xffff  }
0x2bf: {  	v20 =	vor.u32 v4, v27  }
0x2c0: {  	[tilespmem:s13+$0xFFFFFDD0] =	vst v0  }
0x2c1: {  	[tilespmem:s13+$0x1D0] =	vst v2;
	v0 =	vld.idx.msk [tilespmem:v6+s2+$0x0], $0xffff  }
0x2c2: {  	[tilespmem:s14+$0xFFFFFDD0] =	vst v7;
	v2 =	vld.idx.msk [tilespmem:v14+s2+$0x0], $0xffff  }
0x2c3: {  	[tilespmem:s14+$0x1D0] =	vst v9;
	v35 =	vld.idx.msk [tilespmem:v32+s2+$0x0], $0xffff  }
0x2c4: {  	v9 =	vld.idx.msk [tilespmem:v20+s2+$0x0], $0xffff;
	_ =	sdelay $0x1  }
0x2c5: {  	[tilespmem:s13+$0xFFFFFDE0] =	vst v0  }
0x2c6: {  	v6 =	vor.u32 v5, v52;
	[tilespmem:s13+$0x1E0] =	vst v2  }
0x2c7: {  	v7 =	vor.u32 v5, v51;
	[tilespmem:s14+$0xFFFFFDE0] =	vst v35  }
0x2c8: {  	v39 =	vor.u32 v5, v28;
	[tilespmem:s14+$0x1E0] =	vst v9  }
0x2c9: {  	v14 =	vor.u32 v5, v27;
	v10 =	vld [tilespmem:$0x1FF20]  }
0x2ca: {  	v11 =	vld [tilespmem:$0x1FF10]  }
0x2cb: {  	v0 =	vld.idx.msk [tilespmem:v6+s2+$0x0], $0xffff  }
0x2cc: {  	v6 =	vor.u32 v1, v48;
	v2 =	vld.idx.msk [tilespmem:v7+s2+$0x0], $0xffff  }
0x2cd: {  	v7 =	vor.u32 v1, v46;
	v8 =	vld.idx.msk [tilespmem:v39+s2+$0x0], $0xffff  }
0x2ce: {  	v9 =	vld.idx.msk [tilespmem:v14+s2+$0x0], $0xffff;
	v40 =	vor.u32 v1, v10  }
0x2cf: {  	v41 =	vor.u32 v1, v11  }
0x2d0: {  	[tilespmem:s13+$0xFFFFFDF0] =	vst v0  }
0x2d1: {  	v0 =	vld.idx.msk [tilespmem:v6+s2+$0x0], $0xffff;
	[tilespmem:s13+$0x1F0] =	vst v2  }
0x2d2: {  	v6 =	vor.u32 v3, v48;
	v2 =	vld.idx.msk [tilespmem:v7+s2+$0x0], $0xffff;
	[tilespmem:s14+$0xFFFFFDF0] =	vst v8  }
0x2d3: {  	v7 =	vor.u32 v3, v46;
	[tilespmem:s14+$0x1F0] =	vst v9;
	v8 =	vld.idx.msk [tilespmem:v40+s2+$0x0], $0xffff  }
0x2d4: {  	v42 =	vor.u32 v3, v10;
	v9 =	vld.idx.msk [tilespmem:v41+s2+$0x0], $0xffff  }
0x2d5: {  	v49 =	vor.u32 v3, v11  }
0x2d6: {  	[tilespmem:s13+$0xFFFFFE00] =	vst v0  }
0x2d7: {  	v0 =	vld.idx.msk [tilespmem:v6+s2+$0x0], $0xffff;
	[tilespmem:s13+$0x200] =	vst v2  }
0x2d8: {  	v6 =	vor.u32 v4, v48;
	v2 =	vld.idx.msk [tilespmem:v7+s2+$0x0], $0xffff;
	[tilespmem:s14+$0xFFFFFE00] =	vst v8  }
0x2d9: {  	v7 =	vor.u32 v4, v46;
	[tilespmem:s14+$0x200] =	vst v9;
	v8 =	vld.idx.msk [tilespmem:v42+s2+$0x0], $0xffff  }
0x2da: {  	v50 =	vor.u32 v4, v10;
	v9 =	vld.idx.msk [tilespmem:v49+s2+$0x0], $0xffff  }
0x2db: {  	v51 =	vor.u32 v4, v11  }
0x2dc: {  	[tilespmem:s13+$0xFFFFFE10] =	vst v0  }
0x2dd: {  	[tilespmem:s13+$0x210] =	vst v2;
	v0 =	vld.idx.msk [tilespmem:v6+s2+$0x0], $0xffff  }
0x2de: {  	v2 =	vld.idx.msk [tilespmem:v7+s2+$0x0], $0xffff;
	[tilespmem:s14+$0xFFFFFE10] =	vst v8  }
0x2df: {  	[tilespmem:s14+$0x210] =	vst v9;
	v8 =	vld.idx.msk [tilespmem:v50+s2+$0x0], $0xffff  }
0x2e0: {  	v9 =	vld.idx.msk [tilespmem:v51+s2+$0x0], $0xffff;
	_ =	sdelay $0x1  }
0x2e1: {  	[tilespmem:s13+$0xFFFFFE20] =	vst v0  }
0x2e2: {  	v6 =	vor.u32 v5, v48;
	[tilespmem:s13+$0x220] =	vst v2  }
0x2e3: {  	v7 =	vor.u32 v5, v46;
	[tilespmem:s14+$0xFFFFFE20] =	vst v8  }
0x2e4: {  	v10 =	vor.u32 v5, v10;
	[tilespmem:s14+$0x220] =	vst v9  }
0x2e5: {  	v52 =	vor.u32 v5, v11;
	v53 =	vld [tilespmem:$0x1FF30]  }
0x2e6: {  	v32 =	vld [tilespmem:$0x1FF40]  }
0x2e7: {  	v0 =	vld.idx.msk [tilespmem:v6+s2+$0x0], $0xffff  }
0x2e8: {  	v2 =	vor.u32 v1, v45;
	v6 =	vld.idx.msk [tilespmem:v7+s2+$0x0], $0xffff  }
0x2e9: {  	v7 =	vor.u32 v1, v47;
	v8 =	vld.idx.msk [tilespmem:v10+s2+$0x0], $0xffff  }
0x2ea: {  	v62 =	vld.idx.msk [tilespmem:v52+s2+$0x0], $0xffff;
	v54 =	vor.u32 v1, v53  }
0x2eb: {  	v35 =	vor.u32 v1, v32  }
0x2ec: {  	[tilespmem:s13+$0xFFFFFE30] =	vst v0  }
0x2ed: {  	[tilespmem:s13+$0x230] =	vst v6;
	v0 =	vld.idx.msk [tilespmem:v2+s2+$0x0], $0xffff  }
0x2ee: {  	v2 =	vor.u32 v3, v45;
	v6 =	vld.idx.msk [tilespmem:v7+s2+$0x0], $0xffff;
	[tilespmem:s14+$0xFFFFFE30] =	vst v8  }
0x2ef: {  	v7 =	vor.u32 v3, v47;
	[tilespmem:s14+$0x230] =	vst v62;
	v8 =	vld.idx.msk [tilespmem:v54+s2+$0x0], $0xffff  }
0x2f0: {  	v39 =	vor.u32 v3, v53;
	v10 =	vld.idx.msk [tilespmem:v35+s2+$0x0], $0xffff  }
0x2f1: {  	v40 =	vor.u32 v3, v32  }
0x2f2: {  	[tilespmem:s13+$0xFFFFFE40] =	vst v0  }
0x2f3: {  	[tilespmem:s13+$0x240] =	vst v6;
	v0 =	vld.idx.msk [tilespmem:v2+s2+$0x0], $0xffff  }
0x2f4: {  	v2 =	vor.u32 v4, v45;
	v6 =	vld.idx.msk [tilespmem:v7+s2+$0x0], $0xffff;
	[tilespmem:s14+$0xFFFFFE40] =	vst v8  }
0x2f5: {  	v7 =	vor.u32 v4, v47;
	[tilespmem:s14+$0x240] =	vst v10;
	v8 =	vld.idx.msk [tilespmem:v39+s2+$0x0], $0xffff  }
0x2f6: {  	v41 =	vor.u32 v4, v53;
	v10 =	vld.idx.msk [tilespmem:v40+s2+$0x0], $0xffff  }
0x2f7: {  	v42 =	vor.u32 v4, v32  }
0x2f8: {  	[tilespmem:s13+$0xFFFFFE50] =	vst v0  }
0x2f9: {  	[tilespmem:s13+$0x250] =	vst v6;
	v0 =	vld.idx.msk [tilespmem:v2+s2+$0x0], $0xffff  }
0x2fa: {  	v6 =	vor.u32 v5, v45;
	v2 =	vld.idx.msk [tilespmem:v7+s2+$0x0], $0xffff;
	[tilespmem:s14+$0xFFFFFE50] =	vst v8  }
0x2fb: {  	[tilespmem:s14+$0x250] =	vst v10;
	v8 =	vld.idx.msk [tilespmem:v41+s2+$0x0], $0xffff  }
0x2fc: {  	v46 =	vld.idx.msk [tilespmem:v42+s2+$0x0], $0xffff;
	_ =	sdelay $0x1  }
0x2fd: {  	[tilespmem:s13+$0xFFFFFE60] =	vst v0  }
0x2fe: {  	v7 =	vor.u32 v5, v47;
	[tilespmem:s13+$0x260] =	vst v2;
	v0 =	vld.idx.msk [tilespmem:v6+s2+$0x0], $0xffff  }
0x2ff: {  	v6 =	vor.u32 v1, v43;
	[tilespmem:s14+$0xFFFFFE60] =	vst v8  }
0x300: {  	v47 =	vor.u32 v5, v53;
	[tilespmem:s14+$0x260] =	vst v46  }
0x301: {  	v48 =	vor.u32 v5, v32;
	v49 =	vld [tilespmem:$0x1FF50]  }
0x302: {  	v21 =	vld [tilespmem:$0x1FF60]  }
0x303: {  	v2 =	vld.idx.msk [tilespmem:v7+s2+$0x0], $0xffff;
	[tilespmem:s13+$0xFFFFFE70] =	vst v0  }
0x304: {  	v7 =	vor.u32 v1, v44;
	v0 =	vld.idx.msk [tilespmem:v6+s2+$0x0], $0xffff  }
0x305: {  	v8 =	vld.idx.msk [tilespmem:v47+s2+$0x0], $0xffff;
	v6 =	vor.u32 v3, v43  }
0x306: {  	v9 =	vld.idx.msk [tilespmem:v48+s2+$0x0], $0xffff;
	v50 =	vor.u32 v1, v49  }
0x307: {  	v51 =	vor.u32 v1, v21  }
0x308: {  	[tilespmem:s13+$0x270] =	vst v2  }
0x309: {  	v2 =	vld.idx.msk [tilespmem:v7+s2+$0x0], $0xffff;
	[tilespmem:s13+$0xFFFFFE80] =	vst v0  }
0x30a: {  	[tilespmem:s14+$0xFFFFFE70] =	vst v8;
	v0 =	vld.idx.msk [tilespmem:v6+s2+$0x0], $0xffff  }
0x30b: {  	[tilespmem:s14+$0x270] =	vst v9;
	v8 =	vld.idx.msk [tilespmem:v50+s2+$0x0], $0xffff  }
0x30c: {  	[tilespmem:s11+$0xFFFFFED0] =	vst v34;
	v9 =	vld.idx.msk [tilespmem:v51+s2+$0x0], $0xffff  }
0x30d: {  	[tilespmem:s11+$0x2D0] =	vst v36  }
0x30e: {  	[tilespmem:s13+$0x280] =	vst v2  }
0x30f: {  	v7 =	vor.u32 v3, v44;
	[tilespmem:s13+$0xFFFFFE90] =	vst v0  }
0x310: {  	[tilespmem:s14+$0xFFFFFE80] =	vst v8  }
0x311: {  	[tilespmem:s14+$0x280] =	vst v9  }
0x312: {  	v52 =	vor.u32 v3, v49;
	v20 =	vld [tilespmem:$0x1FFE0]  }
0x313: {  	v53 =	vor.u32 v3, v21  }
0x314: {  	v2 =	vld.idx.msk [tilespmem:v7+s2+$0x0], $0xffff;
	v6 =	vor.u32 v4, v43;
	_ =	sdelay $0x1  }
0x315: {  	v62 =	vld.idx.msk [tilespmem:v33+s2+$0x0], $0xffff  }
0x316: {  	v8 =	vld.idx.msk [tilespmem:v52+s2+$0x0], $0xffff  }
0x317: {  	v7 =	vor.u32 v4, v44;
	v9 =	vld.idx.msk [tilespmem:v53+s2+$0x0], $0xffff  }
0x318: {  	v54 =	vor.u32 v4, v49;
	[tilespmem:s13+$0x290] =	vst v2;
	v2 =	vld.idx.msk [tilespmem:v6+s2+$0x0], $0xffff  }
0x319: {  	v32 =	vor.u32 v4, v21;
	v20 =	vld.idx.msk [tilespmem:v20+s2+$0x0], $0xffff  }
0x31a: {  	[tilespmem:s12+$0x380] =	vst v62  }
0x31b: {  	v0 =	vor.u32 v4, v38;
	[tilespmem:s14+$0xFFFFFE90] =	vst v8  }
0x31c: {  	v6 =	vld.idx.msk [tilespmem:v7+s2+$0x0], $0xffff;
	v7 =	vor.u32 v5, v43;
	[tilespmem:s14+$0x290] =	vst v9  }
0x31d: {  	[tilespmem:s13+$0xFFFFFEA0] =	vst v2;
	v2 =	vor.u32 v5, v30;
	v34 =	vld.idx.msk [tilespmem:v54+s2+$0x0], $0xffff  }
0x31e: {  	v33 =	vor.u32 v5, v44;
	v35 =	vld.idx.msk [tilespmem:v32+s2+$0x0], $0xffff;
	[tilespmem:s11+$0xFFFFFEE0] =	vst v20  }
0x31f: {  	v40 =	vld [tilespmem:$0x1FFD0]  }
0x320: {  	v36 =	vor.u32 v5, v49;
	v0 =	vld.idx.msk [tilespmem:v0+s2+$0x0], $0xffff  }
0x321: {  	v39 =	vor.u32 v5, v21;
	v7 =	vld.idx.msk [tilespmem:v7+s2+$0x0], $0xffff;
	[tilespmem:s13+$0x2A0] =	vst v6  }
0x322: {  	[tilespmem:s14+$0xFFFFFEA0] =	vst v34;
	v2 =	vld.idx.msk [tilespmem:v2+s2+$0x0], $0xffff  }
0x323: {  	[tilespmem:s14+$0x2A0] =	vst v35;
	v8 =	vld.idx.msk [tilespmem:v33+s2+$0x0], $0xffff  }
0x324: {  	v21 =	vld [tilespmem:$0x1FEA0]  }
0x325: {  	v14 =	vld.idx.msk [tilespmem:v36+s2+$0x0], $0xffff  }
0x326: {  	v6 =	vor.u32 v5, v38;
	[tilespmem:s11+$0x2E0] =	vst v0;
	v0 =	vld.idx.msk [tilespmem:v39+s2+$0x0], $0xffff  }
0x327: {  	v41 =	vor.u32 v1, v56;
	[tilespmem:s13+$0xFFFFFEB0] =	vst v7;
	v11 =	vld.idx.msk [tilespmem:v40+s2+$0x0], $0xffff  }
0x328: {  	[tilespmem:s11+$0xFFFFFEF0] =	vst v2  }
0x329: {  	v42 =	vor.u32 v1, v21;
	[tilespmem:s13+$0x2B0] =	vst v8  }
0x32a: {  	v7 =	vor.u32 v1, v29;
	[tilespmem:s14+$0xFFFFFEB0] =	vst v14  }
0x32b: {  	v43 =	vor.u32 v1, v15;
	v6 =	vld.idx.msk [tilespmem:v6+s2+$0x0], $0xffff;
	[tilespmem:s14+$0x2B0] =	vst v0  }
0x32c: {  	v44 =	vor.u32 v1, v17;
	v45 =	vld.idx.msk [tilespmem:v41+s2+$0x0], $0xffff;
	[tilespmem:s12+$0x390] =	vst v11  }
0x32d: {  	v49 =	vld [tilespmem:$0x1FFC0]  }
0x32e: {  	v47 =	vor.u32 v3, v56;
	v46 =	vld.idx.msk [tilespmem:v42+s2+$0x0], $0xffff  }
0x32f: {  	v0 =	vor.u32 v3, v21;
	v7 =	vld.idx.msk [tilespmem:v7+s2+$0x0], $0xffff  }
0x330: {  	v14 =	vld.idx.msk [tilespmem:v43+s2+$0x0], $0xffff;
	[tilespmem:s11+$0x2F0] =	vst v6  }
0x331: {  	v2 =	vld.idx.msk [tilespmem:v44+s2+$0x0], $0xffff;
	[tilespmem:s13+$0xFFFFFEC0] =	vst v45  }
0x332: {  	v20 =	vld [tilespmem:$0x1FE50]  }
0x333: {  	v51 =	vld.idx.msk [tilespmem:v47+s2+$0x0], $0xffff;
	[tilespmem:s13+$0x2C0] =	vst v46  }
0x334: {  	v0 =	vld.idx.msk [tilespmem:v0+s2+$0x0], $0xffff  }
0x335: {  	[tilespmem:s14+$0xFFFFFEC0] =	vst v14;
	v16 =	vld.idx.msk [tilespmem:v49+s2+$0x0], $0xffff  }
0x336: {  	[tilespmem:s14+$0x2C0] =	vst v2  }
0x337: {  	v48 =	vor.u32 v3, v15;
	[tilespmem:s11+$0xFFFFFF00] =	vst v7  }
0x338: {  	[tilespmem:s13+$0xFFFFFED0] =	vst v51  }
0x339: {  	v6 =	vor.u32 v3, v17;
	[tilespmem:s13+$0x2D0] =	vst v0  }
0x33a: {  	v2 =	vor.u32 v4, v21;
	[tilespmem:s12+$0x3A0] =	vst v16  }
0x33b: {  	v50 =	vor.u32 v1, v20;
	v14 =	vld [tilespmem:$0x1FFF0]  }
0x33c: {  	v52 =	vld.idx.msk [tilespmem:v48+s2+$0x0], $0xffff;
	_ =	sdelay $0x1  }
0x33d: {  	v6 =	vld.idx.msk [tilespmem:v6+s2+$0x0], $0xffff  }
0x33e: {  	v7 =	vor.u32 v4, v17;
	v2 =	vld.idx.msk [tilespmem:v2+s2+$0x0], $0xffff  }
0x33f: {  	v8 =	vld.idx.msk [tilespmem:v50+s2+$0x0], $0xffff  }
0x340: {  	v53 =	vor.u32 v3, v29;
	v54 =	vld.idx.msk [tilespmem:v24+s2+$0x0], $0xffff;
	[tilespmem:s14+$0xFFFFFED0] =	vst v52  }
0x341: {  	v0 =	vor.u32 v3, v20;
	v62 =	vld.idx.msk [tilespmem:v23+s2+$0x0], $0xffff  }
0x342: {  	[tilespmem:s14+$0x2D0] =	vst v6;
	v14 =	vld.idx.msk [tilespmem:v14+s2+$0x0], $0xffff  }
0x343: {  	[tilespmem:s13+$0x2E0] =	vst v2;
	v7 =	vld.idx.msk [tilespmem:v7+s2+$0x0], $0xffff  }
0x344: {  	[tilespmem:s11+$0x300] =	vst v8  }
0x345: {  	v56 =	vor.u32 v5, v56;
	v9 =	vld.idx.msk [tilespmem:v53+s2+$0x0], $0xffff;
	[tilespmem:s12+$0x3B0] =	vst v54  }
0x346: {  	v0 =	vld.idx.msk [tilespmem:v0+s2+$0x0], $0xffff;
	[tilespmem:s14+$0xFFFFFEE0] =	vst v62  }
0x347: {  	v39 =	vld.idx.msk [tilespmem:v19+s2+$0x0], $0xffff;
	[tilespmem:s13+$0xFFFFFEE0] =	vst v14  }
0x348: {  	v6 =	vor.u32 v5, v21;
	v34 =	vld [tilespmem:$0x1FEB0];
	[tilespmem:s14+$0x2E0] =	vst v7  }
0x349: {  	v21 =	vld [tilespmem:$0x1FED0]  }
0x34a: {  	v32 =	vor.u32 v5, v15;
	v10 =	vld.idx.msk [tilespmem:v56+s2+$0x0], $0xffff;
	[tilespmem:s11+$0xFFFFFF10] =	vst v9  }
0x34b: {  	v33 =	vor.u32 v5, v17;
	v22 =	vld [tilespmem:$0x1FF70];
	[tilespmem:s11+$0x310] =	vst v0  }
0x34c: {  	v2 =	vor.u32 v4, v29;
	v19 =	vld [tilespmem:$0x1FF80]  }
0x34d: {  	v6 =	vld.idx.msk [tilespmem:v6+s2+$0x0], $0xffff;
	v35 =	vor.u32 v1, v34  }
0x34e: {  	v7 =	vor.u32 v1, v21  }
0x34f: {  	v8 =	vld.idx.msk [tilespmem:v32+s2+$0x0], $0xffff  }
0x350: {  	v36 =	vld.idx.msk [tilespmem:v33+s2+$0x0], $0xffff;
	v38 =	vor.u32 v1, v22  }
0x351: {  	v2 =	vld.idx.msk [tilespmem:v2+s2+$0x0], $0xffff;
	[tilespmem:s13+$0xFFFFFEF0] =	vst v10;
	v0 =	vor.u32 v1, v19  }
0x352: {  	v40 =	vor.u32 v4, v20;
	[tilespmem:s13+$0x2F0] =	vst v6;
	v6 =	vld.idx.msk [tilespmem:v35+s2+$0x0], $0xffff  }
0x353: {  	[tilespmem:s12+$0x3C0] =	vst v39;
	v41 =	vor.u32 v3, v34;
	v7 =	vld.idx.msk [tilespmem:v7+s2+$0x0], $0xffff  }
0x354: {  	[tilespmem:s14+$0xFFFFFEF0] =	vst v8;
	v15 =	vld.idx.msk [tilespmem:v18+s2+$0x0], $0xffff;
	v42 =	vor.u32 v3, v21  }
0x355: {  	[tilespmem:s14+$0x2F0] =	vst v36;
	v11 =	vld.idx.msk [tilespmem:v38+s2+$0x0], $0xffff  }
0x356: {  	v43 =	vor.u32 v3, v22;
	[tilespmem:s11+$0xFFFFFF20] =	vst v2;
	v0 =	vld.idx.msk [tilespmem:v0+s2+$0x0], $0xffff  }
0x357: {  	v10 =	vld.idx.msk [tilespmem:v40+s2+$0x0], $0xffff;
	v2 =	vor.u32 v3, v19;
	[tilespmem:s13+$0xFFFFFF00] =	vst v6  }
0x358: {  	v6 =	vor.u32 v5, v29;
	[tilespmem:s13+$0x300] =	vst v7;
	v8 =	vld.idx.msk [tilespmem:v41+s2+$0x0], $0xffff  }
0x359: {  	[tilespmem:s12+$0x3D0] =	vst v15;
	v7 =	vor.u32 v5, v20;
	v9 =	vld.idx.msk [tilespmem:v42+s2+$0x0], $0xffff  }
0x35a: {  	[tilespmem:s14+$0xFFFFFF00] =	vst v11  }
0x35b: {  	v44 =	vor.u32 v4, v34;
	[tilespmem:s14+$0x300] =	vst v0;
	v14 =	vld.idx.msk [tilespmem:v43+s2+$0x0], $0xffff  }
0x35c: {  	[tilespmem:s11+$0x320] =	vst v10;
	v0 =	vor.u32 v4, v21;
	v2 =	vld.idx.msk [tilespmem:v2+s2+$0x0], $0xffff  }
0x35d: {  	v45 =	vor.u32 v4, v22;
	v6 =	vld.idx.msk [tilespmem:v6+s2+$0x0], $0xffff;
	[tilespmem:s13+$0xFFFFFF10] =	vst v8  }
0x35e: {  	v7 =	vld.idx.msk [tilespmem:v7+s2+$0x0], $0xffff;
	[tilespmem:s13+$0x310] =	vst v9  }
0x35f: {  	v46 =	vor.u32 v4, v19;
	v16 =	vld [tilespmem:$0x1FE40]  }
0x360: {  	v48 =	vld.idx.msk [tilespmem:v44+s2+$0x0], $0xffff  }
0x361: {  	[tilespmem:s14+$0xFFFFFF10] =	vst v14;
	v0 =	vld.idx.msk [tilespmem:v0+s2+$0x0], $0xffff  }
0x362: {  	[tilespmem:s14+$0x310] =	vst v2;
	v10 =	vld.idx.msk [tilespmem:v45+s2+$0x0], $0xffff  }
0x363: {  	[tilespmem:s11+$0xFFFFFF30] =	vst v6  }
0x364: {  	v6 =	vld.idx.msk [tilespmem:v46+s2+$0x0], $0xffff;
	[tilespmem:s11+$0x330] =	vst v7;
	v47 =	vor.u32 v1, v16  }
0x365: {  	[tilespmem:s13+$0xFFFFFF20] =	vst v48  }
0x366: {  	v52 =	vld [tilespmem:$0x1FE60];
	[tilespmem:s13+$0x320] =	vst v0  }
0x367: {  	v49 =	vor.u32 v5, v34;
	v7 =	vld.idx.msk [tilespmem:v13+s2+$0x0], $0xffff;
	[tilespmem:s14+$0xFFFFFF20] =	vst v10  }
0x368: {  	v2 =	vor.u32 v5, v21;
	v54 =	vld [tilespmem:$0x1FEC0]  }
0x369: {  	v50 =	vor.u32 v5, v22;
	[tilespmem:s14+$0x320] =	vst v6;
	v8 =	vld.idx.msk [tilespmem:v47+s2+$0x0], $0xffff  }
0x36a: {  	v18 =	vld [tilespmem:$0x1FEE0];
	_ =	sdelay $0x1  }
0x36b: {  	v51 =	vor.u32 v5, v19;
	v0 =	vld.idx.msk [tilespmem:v49+s2+$0x0], $0xffff  }
0x36c: {  	v2 =	vld.idx.msk [tilespmem:v2+s2+$0x0], $0xffff;
	[tilespmem:s12+$0x3E0] =	vst v7;
	v53 =	vor.u32 v1, v52  }
0x36d: {  	v62 =	vld.idx.msk [tilespmem:v50+s2+$0x0], $0xffff;
	v56 =	vor.u32 v1, v54;
	[tilespmem:s11+$0xFFFFFF40] =	vst v8  }
0x36e: {  	v6 =	vor.u32 v1, v18;
	v33 =	vld [tilespmem:$0x1FF90]  }
0x36f: {  	v32 =	vor.u32 v1, v60  }
0x370: {  	v7 =	vld.idx.msk [tilespmem:v51+s2+$0x0], $0xffff  }
0x371: {  	v9 =	vld.idx.msk [tilespmem:v53+s2+$0x0], $0xffff;
	[tilespmem:s13+$0xFFFFFF30] =	vst v0;
	v0 =	vor.u32 v3, v16  }
0x372: {  	[tilespmem:s13+$0x330] =	vst v2;
	v2 =	vor.u32 v3, v52;
	v10 =	vld.idx.msk [tilespmem:v56+s2+$0x0], $0xffff  }
0x373: {  	[tilespmem:s14+$0xFFFFFF30] =	vst v62;
	v6 =	vld.idx.msk [tilespmem:v6+s2+$0x0], $0xffff;
	v34 =	vor.u32 v1, v33  }
0x374: {  	v35 =	vor.u32 v3, v54;
	v13 =	vld.idx.msk [tilespmem:v32+s2+$0x0], $0xffff  }
0x375: {  	v36 =	vor.u32 v3, v60;
	v12 =	vld.idx.msk [tilespmem:v12+s2+$0x0], $0xffff;
	[tilespmem:s14+$0x330] =	vst v7  }
0x376: {  	v7 =	vor.u32 v3, v18;
	[tilespmem:s11+$0x340] =	vst v9;
	v0 =	vld.idx.msk [tilespmem:v0+s2+$0x0], $0xffff  }
0x377: {  	v39 =	vor.u32 v4, v16;
	v2 =	vld.idx.msk [tilespmem:v2+s2+$0x0], $0xffff;
	[tilespmem:s13+$0xFFFFFF40] =	vst v10  }
0x378: {  	[tilespmem:s13+$0x340] =	vst v6;
	v6 =	vor.u32 v4, v52;
	v8 =	vld.idx.msk [tilespmem:v34+s2+$0x0], $0xffff  }
0x379: {  	v38 =	vor.u32 v3, v33;
	[tilespmem:s14+$0xFFFFFF40] =	vst v13;
	v11 =	vld.idx.msk [tilespmem:v35+s2+$0x0], $0xffff  }
0x37a: {  	[tilespmem:s12+$0x3F0] =	vst v12;
	v9 =	vld.idx.msk [tilespmem:v36+s2+$0x0], $0xffff  }
0x37b: {  	v40 =	vor.u32 v4, v54;
	v7 =	vld.idx.msk [tilespmem:v7+s2+$0x0], $0xffff;
	[tilespmem:s11+$0xFFFFFF50] =	vst v0  }
0x37c: {  	v41 =	vor.u32 v4, v18;
	[tilespmem:s11+$0x350] =	vst v2;
	v10 =	vld.idx.msk [tilespmem:v39+s2+$0x0], $0xffff  }
0x37d: {  	v42 =	vor.u32 v4, v60;
	v6 =	vld.idx.msk [tilespmem:v6+s2+$0x0], $0xffff;
	[tilespmem:s14+$0x340] =	vst v8  }
0x37e: {  	v43 =	vor.u32 v5, v16;
	[tilespmem:s13+$0xFFFFFF50] =	vst v11;
	v0 =	vld.idx.msk [tilespmem:v38+s2+$0x0], $0xffff  }
0x37f: {  	v2 =	vor.u32 v4, v33;
	[tilespmem:s14+$0xFFFFFF50] =	vst v9  }
0x380: {  	[tilespmem:s13+$0x350] =	vst v7;
	v13 =	vld.idx.msk [tilespmem:v40+s2+$0x0], $0xffff  }
0x381: {  	v8 =	vld.idx.msk [tilespmem:v41+s2+$0x0], $0xffff;
	[tilespmem:s11+$0xFFFFFF60] =	vst v10  }
0x382: {  	v12 =	vld.idx.msk [tilespmem:v42+s2+$0x0], $0xffff;
	[tilespmem:s11+$0x360] =	vst v6  }
0x383: {  	v6 =	vld.idx.msk [tilespmem:v43+s2+$0x0], $0xffff;
	[tilespmem:s14+$0x350] =	vst v0  }
0x384: {  	v2 =	vld.idx.msk [tilespmem:v2+s2+$0x0], $0xffff  }
0x385: {  	v47 =	vld [tilespmem:$0x1FE30];
	[tilespmem:s13+$0xFFFFFF60] =	vst v13  }
0x386: {  	v48 =	vld [tilespmem:$0x1FE70];
	[tilespmem:s13+$0x360] =	vst v8  }
0x387: {  	v7 =	vor.u32 v5, v52;
	v51 =	vld [tilespmem:$0x1FEF0];
	[tilespmem:s14+$0xFFFFFF60] =	vst v12  }
0x388: {  	v44 =	vor.u32 v5, v54;
	v0 =	vor.u32 v5, v18;
	v18 =	vld [tilespmem:$0x1FF00];
	[tilespmem:s11+$0xFFFFFF70] =	vst v6  }
0x389: {  	[tilespmem:s14+$0x360] =	vst v2  }
0x38a: {  	v45 =	vor.u32 v5, v60;
	v6 =	vld [tilespmem:$0x1FFB0]  }
0x38b: {  	v46 =	vor.u32 v5, v33;
	v19 =	vld [tilespmem:$0x1FFA0]  }
0x38c: {  	v7 =	vld.idx.msk [tilespmem:v7+s2+$0x0], $0xffff;
	v14 =	vshll.u32 v47, $0x6;
	v49 =	vor.u32 v1, v48  }
0x38d: {  	v9 =	vld.idx.msk [tilespmem:v44+s2+$0x0], $0xffff;
	v50 =	vor.u32 v1, v14  }
0x38e: {  	v0 =	vld.idx.msk [tilespmem:v0+s2+$0x0], $0xffff;
	v15 =	vshll.u32 v51, $0x6;
	v52 =	vor.u32 v1, v18  }
0x38f: {  	v10 =	vld.idx.msk [tilespmem:v45+s2+$0x0], $0xffff;
	v2 =	vor.u32 v1, v15  }
0x390: {  	v11 =	vld.idx.msk [tilespmem:v46+s2+$0x0], $0xffff;
	v6 =	vshll.u32 v6, $0x6;
	v53 =	vor.u32 v1, v19  }
0x391: {  	[tilespmem:s11+$0x370] =	vst v7;
	v13 =	vld.idx.msk [tilespmem:v49+s2+$0x0], $0xffff;
	v7 =	vor.u32 v1, v6  }
0x392: {  	[tilespmem:s13+$0xFFFFFF70] =	vst v9;
	v54 =	vor.u32 v3, v48;
	v8 =	vld.idx.msk [tilespmem:v50+s2+$0x0], $0xffff  }
0x393: {  	[tilespmem:s13+$0x370] =	vst v0;
	v0 =	vor.u32 v3, v14;
	v12 =	vld.idx.msk [tilespmem:v52+s2+$0x0], $0xffff  }
0x394: {  	[tilespmem:s14+$0xFFFFFF70] =	vst v10;
	v56 =	vor.u32 v3, v18;
	v2 =	vld.idx.msk [tilespmem:v2+s2+$0x0], $0xffff  }
0x395: {  	v60 =	vor.u32 v3, v15;
	[tilespmem:s14+$0x370] =	vst v11;
	v16 =	vld.idx.msk [tilespmem:v53+s2+$0x0], $0xffff  }
0x396: {  	v62 =	vor.u32 v3, v19;
	[tilespmem:s11+$0xFFFFFF80] =	vst v13;
	v7 =	vld.idx.msk [tilespmem:v7+s2+$0x0], $0xffff  }
0x397: {  	v32 =	vor.u32 v3, v6;
	[tilespmem:s11+$0x380] =	vst v8;
	v9 =	vld.idx.msk [tilespmem:v54+s2+$0x0], $0xffff  }
0x398: {  	v33 =	vor.u32 v4, v48;
	v0 =	vld.idx.msk [tilespmem:v0+s2+$0x0], $0xffff;
	[tilespmem:s13+$0xFFFFFF80] =	vst v12  }
0x399: {  	[tilespmem:s13+$0x380] =	vst v2;
	v2 =	vor.u32 v4, v14;
	v10 =	vld.idx.msk [tilespmem:v56+s2+$0x0], $0xffff  }
0x39a: {  	v34 =	vor.u32 v4, v18;
	v11 =	vld.idx.msk [tilespmem:v60+s2+$0x0], $0xffff;
	[tilespmem:s14+$0xFFFFFF80] =	vst v16  }
0x39b: {  	[tilespmem:s14+$0x380] =	vst v7;
	v13 =	vld.idx.msk [tilespmem:v62+s2+$0x0], $0xffff  }
0x39c: {  	v7 =	vor.u32 v4, v15;
	[tilespmem:s11+$0xFFFFFF90] =	vst v9;
	v8 =	vld.idx.msk [tilespmem:v32+s2+$0x0], $0xffff  }
0x39d: {  	v35 =	vor.u32 v4, v19;
	[tilespmem:s11+$0x390] =	vst v0;
	v12 =	vld.idx.msk [tilespmem:v33+s2+$0x0], $0xffff  }
0x39e: {  	v2 =	vld.idx.msk [tilespmem:v2+s2+$0x0], $0xffff;
	[tilespmem:s13+$0xFFFFFF90] =	vst v10  }
0x39f: {  	v36 =	vor.u32 v5, v48;
	[tilespmem:s13+$0x390] =	vst v11;
	v39 =	vld.idx.msk [tilespmem:v34+s2+$0x0], $0xffff  }
0x3a0: {  	[tilespmem:s14+$0xFFFFFF90] =	vst v13  }
0x3a1: {  	v0 =	vor.u32 v4, v6;
	v7 =	vld.idx.msk [tilespmem:v7+s2+$0x0], $0xffff;
	[tilespmem:s14+$0x390] =	vst v8  }
0x3a2: {  	v9 =	vld.idx.msk [tilespmem:v35+s2+$0x0], $0xffff;
	[tilespmem:s11+$0xFFFFFFA0] =	vst v12  }
0x3a3: {  	v42 =	vor.u32 v5, v19;
	[tilespmem:s11+$0x3A0] =	vst v2  }
0x3a4: {  	v2 =	vld.idx.msk [tilespmem:v36+s2+$0x0], $0xffff;
	[tilespmem:s13+$0xFFFFFFA0] =	vst v39  }
0x3a5: {  	v38 =	vor.u32 v5, v14;
	v40 =	vor.u32 v5, v18;
	v14 =	vld [tilespmem:$0x1FE80]  }
0x3a6: {  	v0 =	vld.idx.msk [tilespmem:v0+s2+$0x0], $0xffff;
	[tilespmem:s13+$0x3A0] =	vst v7  }
0x3a7: {  	v41 =	vor.u32 v5, v15;
	v44 =	vld [tilespmem:$0x1FE90];
	[tilespmem:s14+$0xFFFFFFA0] =	vst v9  }
0x3a8: {  	v6 =	vor.u32 v5, v6;
	v12 =	vld.idx.msk [tilespmem:v42+s2+$0x0], $0xffff  }
0x3a9: {  	[tilespmem:s11+$0xFFFFFFB0] =	vst v2;
	v2 =	vor.u32 v1, v61  }
0x3aa: {  	v13 =	vld.idx.msk [tilespmem:v40+s2+$0x0], $0xffff;
	v43 =	vor.u32 v1, v14  }
0x3ab: {  	v45 =	vor.u32 v1, v37;
	v11 =	vld.idx.msk [tilespmem:v38+s2+$0x0], $0xffff  }
0x3ac: {  	v8 =	vld.idx.msk [tilespmem:v41+s2+$0x0], $0xffff;
	[tilespmem:s14+$0x3A0] =	vst v0;
	v7 =	vor.u32 v1, v44  }
0x3ad: {  	v0 =	vor.u32 v1, v26;
	v6 =	vld.idx.msk [tilespmem:v6+s2+$0x0], $0xffff;
	[tilespmem:s14+$0xFFFFFFB0] =	vst v12  }
0x3ae: {  	v46 =	vor.u32 v1, v63;
	v2 =	vld.idx.msk [tilespmem:v2+s2+$0x0], $0xffff  }
0x3af: {  	v50 =	vor.u32 v3, v61;
	[tilespmem:s13+$0xFFFFFFB0] =	vst v13;
	v10 =	vld.idx.msk [tilespmem:v43+s2+$0x0], $0xffff  }
0x3b0: {  	[tilespmem:s11+$0x3B0] =	vst v11;
	v47 =	vor.u32 v3, v14;
	v9 =	vld.idx.msk [tilespmem:v45+s2+$0x0], $0xffff  }
0x3b1: {  	[tilespmem:s13+$0x3B0] =	vst v8;
	v7 =	vld.idx.msk [tilespmem:v7+s2+$0x0], $0xffff  }
0x3b2: {  	v48 =	vor.u32 v3, v44;
	v0 =	vld.idx.msk [tilespmem:v0+s2+$0x0], $0xffff;
	[tilespmem:s14+$0x3B0] =	vst v6  }
0x3b3: {  	v49 =	vor.u32 v3, v37;
	v11 =	vld.idx.msk [tilespmem:v46+s2+$0x0], $0xffff;
	[tilespmem:s14+$0xFFFFFFC0] =	vst v2  }
0x3b4: {  	v6 =	vor.u32 v3, v26;
	[tilespmem:s11+$0xFFFFFFC0] =	vst v10;
	v10 =	vld.idx.msk [tilespmem:v50+s2+$0x0], $0xffff  }
0x3b5: {  	v53 =	vor.u32 v4, v61;
	[tilespmem:s13+$0xFFFFFFC0] =	vst v9;
	v13 =	vld.idx.msk [tilespmem:v47+s2+$0x0], $0xffff  }
0x3b6: {  	[tilespmem:s11+$0x3C0] =	vst v7;
	v7 =	vor.u32 v3, v63  }
0x3b7: {  	v51 =	vor.u32 v4, v14;
	[tilespmem:s13+$0x3C0] =	vst v0;
	v8 =	vld.idx.msk [tilespmem:v48+s2+$0x0], $0xffff  }
0x3b8: {  	v12 =	vld.idx.msk [tilespmem:v49+s2+$0x0], $0xffff;
	v0 =	vor.u32 v4, v44;
	[tilespmem:s14+$0x3C0] =	vst v11  }
0x3b9: {  	v6 =	vld.idx.msk [tilespmem:v6+s2+$0x0], $0xffff;
	[tilespmem:s14+$0xFFFFFFD0] =	vst v10  }
0x3ba: {  	v2 =	vor.u32 v4, v37;
	[tilespmem:s11+$0xFFFFFFD0] =	vst v13;
	v13 =	vld.idx.msk [tilespmem:v53+s2+$0x0], $0xffff  }
0x3bb: {  	v52 =	vor.u32 v4, v26;
	v7 =	vld.idx.msk [tilespmem:v7+s2+$0x0], $0xffff  }
0x3bc: {  	v54 =	vor.u32 v4, v63;
	v9 =	vld.idx.msk [tilespmem:v51+s2+$0x0], $0xffff;
	[tilespmem:s11+$0x3D0] =	vst v8  }
0x3bd: {  	v56 =	vor.u32 v5, v14;
	[tilespmem:s13+$0xFFFFFFD0] =	vst v12;
	v0 =	vld.idx.msk [tilespmem:v0+s2+$0x0], $0xffff  }
0x3be: {  	v61 =	vor.u32 v5, v61;
	[tilespmem:s13+$0x3D0] =	vst v6  }
0x3bf: {  	v6 =	vor.u32 v5, v44;
	v2 =	vld.idx.msk [tilespmem:v2+s2+$0x0], $0xffff;
	[tilespmem:s14+$0xFFFFFFE0] =	vst v13  }
0x3c0: {  	v60 =	vor.u32 v5, v37;
	v11 =	vld.idx.msk [tilespmem:v52+s2+$0x0], $0xffff;
	[tilespmem:s14+$0x3D0] =	vst v7  }
0x3c1: {  	v7 =	vor.u32 v5, v26;
	[tilespmem:s11+$0xFFFFFFE0] =	vst v9;
	v8 =	vld.idx.msk [tilespmem:v54+s2+$0x0], $0xffff  }
0x3c2: {  	v62 =	vor.u32 v5, v63;
	[tilespmem:s11+$0x3E0] =	vst v0;
	v0 =	vld.idx.msk [tilespmem:v56+s2+$0x0], $0xffff  }
0x3c3: {  	v63 =	vld.idx.msk [tilespmem:v61+s2+$0x0], $0xffff  }
0x3c4: {  	[tilespmem:s13+$0xFFFFFFE0] =	vst v2;
	v2 =	vld.idx.msk [tilespmem:v6+s2+$0x0], $0xffff  }
0x3c5: {  	[tilespmem:s13+$0x3E0] =	vst v11;
	v6 =	vld.idx.msk [tilespmem:v60+s2+$0x0], $0xffff  }
0x3c6: {  	v7 =	vld.idx.msk [tilespmem:v7+s2+$0x0], $0xffff;
	[tilespmem:s14+$0x3E0] =	vst v8  }
0x3c7: {  	[tilespmem:s11+$0xFFFFFFF0] =	vst v0;
	v0 =	vld.idx.msk [tilespmem:v62+s2+$0x0], $0xffff  }
0x3c8: {  	[tilespmem:s14+$0xFFFFFFF0] =	vst v63  }
0x3c9: {  	[tilespmem:s11+$0x3F0] =	vst v2  }
0x3ca: {  	s10 =	sadd.s32 $0x1, s10;
	[tilespmem:s13+$0xFFFFFFF0] =	vst v6  }
0x3cb: {  	p0 =	sne.s32 s10, s6;
	[tilespmem:s13+$0x3F0] =	vst v7  }
.Ltmp1:
0x3cc: {  	[tilespmem:s14+$0x3F0] =	vst v0;
	(pc) =	sbr.rel @p0 .LBB2_1-.Ltmp1, $4  }
0x3cd: {  	v31 =	vimm.s32 $0xA;
	v28 =	vimm.s32 $0xD;
	[hbm4b:s5+s2] =	stream.linear.scatter [tilespmem:s9], [sflag:$0x1], $0x9000, $0x38;
	[tilespmem:$0x19280] =	vst v63  }
0x3ce: {  	v27 =	vimm.s32 $0xC;
	v30 =	vimm.s32 $0xF;
	v29 =	vimm.s32 $0xE;
	_ =	swait.ge [sflag:s7], $0x9000  }
0x3cf: {  	v20 =	vimm.s32 $0x9;
	v50 =	vimm.s32 $0x4;
	v53 =	vimm.s32 $0x5;
	[sflag:s7] =	ssyncset.done $0x0  }
0x3d0: {  	v26 =	vimm.s32 $0xB;
	v54 =	vimm.s32 $0x7;
	v56 =	vimm.s32 $0x8;
	[sflag:s7] =	ssyncadd.s32 $0xFFFF7000  }
0x3d1: {  	_ =	sfence.sel $0x180000  }
0x3d2: {  	[bflag:$0x0] =	sbarrier.arrive $0xFFFF  }
0x3d3: {  	p0 =	sne.s32 s0, $0x0;
	_ =	strace $0x90000047  }
0x3d4: {  	s0 =	sadd.s32 @!p0 $0x100000, s1;
	[bflag:$0x2] =	sbarrier.arrive $0xFFFF  }
0x3d5: {  	[sflag:s0] =	ssyncadd.tile.s32 @!p0 $0x1;
	_ =	shalt  }
.Lfunc_end2:
_tile_overlayer_lowered:
.L_overlay_start_2:
0x3d6: {  	(tag) =	ssettag $0x2  }
0x3d7: {  	s0 =	rddreg [dreg:$0x0];
	s2 =	stileid.u32  }
0x3d8: {  	s1 =	rddreg [dreg:$0x1];
	p0 =	sne.s32 s2, $0x0  }
0x3d9: {  	s3 =	rddreg [dreg:$0x2];
	[bflag:$0x3] =	sbarrier.arrive $0xFFFF;
	s2 =	simm.s32 @!p0 $0x1C01  }
0x3da: {  	[timem:s3], [sflag:s2] =	dma.local @!p0 [hbm:s0], s1  }
0x3db: {  	s0 =	simm.s32 @!p0 $0x1  }
0x3dc: {  	_ =	swait.ge @!p0 [sflag:s0], s1  }
0x3dd: {  	s1 =	ssub.s32 @!p0 $0x0, s1;
	[sflag:s0] =	ssyncset.done @!p0 $0x0  }
0x3de: {  	[sflag:s0] =	ssyncadd.s32 @!p0 s1  }
0x3df: {  	[bflag:$0x3] =	sbarrier.arrive $0xFFFF  }
0x3e0: {  	_ =	shalt  }

</sc_bundles>
